<compile_context>
chip_gen: v7x
topology: tpu7x:2x2x1
jax: 0.10.2.dev20260603
libtpu: 0.0.44.dev20260713+nightly
codegen_flags: <defaults>
</compile_context>

<pallas_src>
import jax
import jax.numpy as jnp
from jax import lax
from jax.experimental import pallas as pl
from jax.experimental.pallas import tpu as pltpu
from jax.experimental.pallas import tpu_sc as plsc

N = 100000
NP = 100096
TS = NP // 16
TSQ = TS // 2
E = 1600000
EP = 1638400
EW = 2048
NWIN = EP // (32 * EW)
ROWS_PER_TILE = EP // 32 // 128
H = 32
HQ = 8
F32 = jnp.float32
I32 = jnp.int32

_HIGH = jax.lax.Precision.HIGHEST


def _elu(v):
    return jnp.where(v > 0, v, jnp.exp(v) - 1.0)


def _tc1_body(feats, w_in, b_in, w_att, a_s, a_d,
              x_o, h0_o, h1_o, h2_o, h3_o, as_o, ad_o):
    x = jnp.dot(feats[...], w_in[...], precision=_HIGH) + b_in[...]
    x = _elu(x)
    h = jnp.dot(x, w_att[...], precision=_HIGH)
    x_o[...] = x
    h0_o[...] = h[:, 0:8]
    h1_o[...] = h[:, 8:16]
    h2_o[...] = h[:, 16:24]
    h3_o[...] = h[:, 24:32]
    as_o[...] = jnp.dot(h, a_s[...], precision=_HIGH)
    ad_o[...] = jnp.dot(h, a_d[...], precision=_HIGH)


def _tc1(feats, w_in, b_in, w_att, a_s, a_d):
    nb = N // 2000
    return pl.pallas_call(
        _tc1_body,
        grid=(nb,),
        in_specs=[
            pl.BlockSpec((2000, 48), lambda i: (i, 0)),
            pl.BlockSpec((48, H), lambda i: (0, 0)),
            pl.BlockSpec((1, H), lambda i: (0, 0)),
            pl.BlockSpec((H, H), lambda i: (0, 0)),
            pl.BlockSpec((H, 1), lambda i: (0, 0)),
            pl.BlockSpec((H, 1), lambda i: (0, 0)),
        ],
        out_specs=[
            pl.BlockSpec((2000, H), lambda i: (i, 0)),
            pl.BlockSpec((2000, HQ), lambda i: (i, 0)),
            pl.BlockSpec((2000, HQ), lambda i: (i, 0)),
            pl.BlockSpec((2000, HQ), lambda i: (i, 0)),
            pl.BlockSpec((2000, HQ), lambda i: (i, 0)),
            pl.BlockSpec((2000, 1), lambda i: (i, 0)),
            pl.BlockSpec((2000, 1), lambda i: (i, 0)),
        ],
        out_shape=[
            jax.ShapeDtypeStruct((N, H), F32),
            jax.ShapeDtypeStruct((N, HQ), F32),
            jax.ShapeDtypeStruct((N, HQ), F32),
            jax.ShapeDtypeStruct((N, HQ), F32),
            jax.ShapeDtypeStruct((N, HQ), F32),
            jax.ShapeDtypeStruct((N, 1), F32),
            jax.ShapeDtypeStruct((N, 1), F32),
        ],
    )(feats, w_in, b_in, w_att, a_s, a_d)


def _sc_body(srcR, dstR, als, ald, hq0, hq1, hq2, hq3,
             agg0, agg1, agg2, agg3, den_o, p_o,
             sidx, didx, abuf, bbuf, pbuf, rows, bounce, dbounce,
             as_sp, ad_sp, agg_sp, den_sp,
             sem0, sem1, sem2):
    c = lax.axis_index("c")
    s = lax.axis_index("s")
    wid = c * 16 + s
    nb = s * TS
    iota = jnp.arange(16, dtype=I32)
    rdiv = iota // 8
    rmod = iota % 8
    zeros16 = jnp.zeros((16,), F32)

    pltpu.sync_copy(als.at[pl.ds(nb, TS)], dbounce)
    pltpu.sync_copy(dbounce, as_sp.at[pl.ds(nb, TS)])
    pltpu.sync_copy(ald.at[pl.ds(nb, TS)], dbounce)
    pltpu.sync_copy(dbounce, ad_sp.at[pl.ds(nb, TS)])

    def _z1(i, _):
        dbounce[pl.ds(i * 16, 16)] = zeros16
        return 0
    lax.fori_loop(0, TS // 16, _z1, 0)
    pltpu.sync_copy(dbounce, den_sp.at[pl.ds(nb, TS)])

    def _zero_bounce():
        def _zb(i, _):
            plsc.store_scatter(bounce, [2 * i + rdiv, rmod], zeros16)
            return 0
        lax.fori_loop(0, TSQ // 2, _zb, 0)

    def _zero_agg():
        for k in range(2):
            pltpu.sync_copy(bounce, agg_sp.at[pl.ds(nb + k * TSQ, TSQ)])

    _zero_bounce()
    _zero_agg()

    hqs = (hq0, hq1, hq2, hq3)
    aggs = (agg0, agg1, agg2, agg3)
    for q in range(4):
        plsc.subcore_barrier()

        def _win(w, _, q=q):
            r0 = wid * ROWS_PER_TILE + w * 16
            base = wid * (NWIN * EW) + w * EW
            pltpu.sync_copy(srcR.at[pl.ds(r0, 16)], sidx)
            pltpu.sync_copy(dstR.at[pl.ds(r0, 16)], didx)
            if q == 0:
                def _g1(j, _):
                    pltpu.async_copy(as_sp.at[sidx.at[j]],
                                     abuf.at[pl.ds(j * 128, 128)], sem0)
                    pltpu.async_copy(ad_sp.at[didx.at[j]],
                                     bbuf.at[pl.ds(j * 128, 128)], sem0)
                    return 0
                lax.fori_loop(0, 16, _g1, 0)
                pltpu.make_async_copy(als.at[pl.ds(0, EW)], abuf, sem0).wait()
                pltpu.make_async_copy(als.at[pl.ds(0, EW)], bbuf, sem0).wait()

                def _pc(i, _):
                    t = abuf[pl.ds(i * 16, 16)] + bbuf[pl.ds(i * 16, 16)]
                    pbuf[pl.ds(i * 16, 16)] = jnp.exp(jnp.maximum(t, 0.2 * t))
                    return 0
                lax.fori_loop(0, EW // 16, _pc, 0)
                pltpu.sync_copy(pbuf, p_o.at[pl.ds(base, EW)])
            else:
                pltpu.sync_copy(p_o.at[pl.ds(base, EW)], pbuf)

            def _g2(j, _):
                pltpu.async_copy(hqs[q].at[sidx.at[j]],
                                 rows.at[pl.ds(j * 128, 128)], sem1)
                return 0
            lax.fori_loop(0, 16, _g2, 0)
            pltpu.make_async_copy(hqs[0].at[pl.ds(0, EW)], rows, sem1).wait()

            def _scale(i, _):
                ridx = 2 * i + rdiv
                pv = plsc.load_gather(pbuf, [ridx])
                hv = plsc.load_gather(rows, [ridx, rmod])
                plsc.store_scatter(rows, [ridx, rmod], hv * pv)
                return 0
            lax.fori_loop(0, EW // 2, _scale, 0)

            def _sc1(j, _):
                pltpu.async_copy(rows.at[pl.ds(j * 128, 128)],
                                 agg_sp.at[didx.at[j]], sem2, add=True)
                return 0
            lax.fori_loop(0, 16, _sc1, 0)
            if q == 0:
                def _sc2(j, _):
                    pltpu.async_copy(pbuf.at[pl.ds(j * 128, 128)],
                                     den_sp.at[didx.at[j]], sem2, add=True)
                    return 0
                lax.fori_loop(0, 16, _sc2, 0)
            pltpu.make_async_copy(hqs[0].at[pl.ds(0, EW)], rows, sem2).wait()
            if q == 0:
                pltpu.make_async_copy(als.at[pl.ds(0, EW)], pbuf, sem2).wait()
            return 0

        lax.fori_loop(0, NWIN, _win, 0)
        plsc.subcore_barrier()

        for k in range(2):
            pltpu.sync_copy(agg_sp.at[pl.ds(nb + k * TSQ, TSQ)], bounce)
            pltpu.sync_copy(bounce, aggs[q].at[c, pl.ds(nb + k * TSQ, TSQ)])
        if q < 3:
            _zero_bounce()
            _zero_agg()

    pltpu.sync_copy(den_sp.at[pl.ds(nb, TS)], dbounce)
    pltpu.sync_copy(dbounce, den_o.at[pl.ds(c * NP + nb, TS)])


def _sc_edge(srcR, dstR, als, ald, hq0, hq1, hq2, hq3):
    mesh = plsc.VectorSubcoreMesh(core_axis_name="c", subcore_axis_name="s")
    agg_t = jax.ShapeDtypeStruct((2, NP, HQ), F32)
    fn = pl.kernel(
        _sc_body,
        out_type=(
            agg_t, agg_t, agg_t, agg_t,
            jax.ShapeDtypeStruct((2 * NP,), F32),
            jax.ShapeDtypeStruct((EP,), F32),
        ),
        mesh=mesh,
        compiler_params=pltpu.CompilerParams(needs_layout_passes=False,
                                            use_tc_tiling_on_sc=False),
        scratch_types=(
            pltpu.VMEM((16, 128), I32),
            pltpu.VMEM((16, 128), I32),
            pltpu.VMEM((EW,), F32),
            pltpu.VMEM((EW,), F32),
            pltpu.VMEM((EW,), F32),
            pltpu.VMEM((EW, HQ), F32),
            pltpu.VMEM((TSQ, HQ), F32),
            pltpu.VMEM((TS,), F32),
            pltpu.VMEM_SHARED((NP,), F32),
            pltpu.VMEM_SHARED((NP,), F32),
            pltpu.VMEM_SHARED((NP, HQ), F32),
            pltpu.VMEM_SHARED((NP,), F32),
            pltpu.SemaphoreType.DMA,
            pltpu.SemaphoreType.DMA,
            pltpu.SemaphoreType.DMA,
        ),
    )
    return fn(srcR, dstR, als, ald, hq0, hq1, hq2, hq3)


def _tc2_body(x, a00, a01, a10, a11, a20, a21, a30, a31, d0, d1,
              w1, bb1, w_out, b_out, o_ref):
    den = d0[...] + d1[...] + 1e-16
    agg = jnp.concatenate(
        [a00[...] + a01[...], a10[...] + a11[...],
         a20[...] + a21[...], a30[...] + a31[...]], axis=1) / den
    hn = x[...] + agg
    sv = _elu(hn)
    sv = jnp.dot(sv, w1[...], precision=_HIGH) + bb1[...]
    sv = _elu(sv)
    o_ref[...] = jnp.dot(sv, w_out[...], precision=_HIGH) + b_out[...]


def _tc2(x, aggq, d0, d1, w1, b1v, w_out, b_out):
    nb = N // 2000
    bq = pl.BlockSpec((2000, HQ), lambda i: (i, 0))
    return pl.pallas_call(
        _tc2_body,
        grid=(nb,),
        in_specs=[
            pl.BlockSpec((2000, H), lambda i: (i, 0)),
            bq, bq, bq, bq, bq, bq, bq, bq,
            pl.BlockSpec((2000, 1), lambda i: (i, 0)),
            pl.BlockSpec((2000, 1), lambda i: (i, 0)),
            pl.BlockSpec((H, H), lambda i: (0, 0)),
            pl.BlockSpec((1, H), lambda i: (0, 0)),
            pl.BlockSpec((H, 6), lambda i: (0, 0)),
            pl.BlockSpec((1, 6), lambda i: (0, 0)),
        ],
        out_specs=pl.BlockSpec((2000, 6), lambda i: (i, 0)),
        out_shape=jax.ShapeDtypeStruct((N, 6), F32),
    )(x, *aggq, d0, d1, w1, b1v, w_out, b_out)


def kernel(partial_charge, atomic_number, degree, ring_encoding, edge_index,
           W_in, b_in, W_att, a_src, a_dst, W1, b1, W_out, b_out):
    src = edge_index[0].astype(I32)
    dst = edge_index[1].astype(I32)
    npad = EP - E
    src_p = jnp.concatenate([src, jnp.zeros((npad,), I32)]).reshape(EP // 128, 128)
    dst_p = jnp.concatenate(
        [dst, N + (jnp.arange(npad, dtype=I32) % 16)]).reshape(EP // 128, 128)

    feats = jnp.concatenate(
        [partial_charge, atomic_number, degree, ring_encoding], axis=1)
    feats = jnp.pad(feats, ((0, 0), (0, 48 - feats.shape[1])))
    w_in_p = jnp.pad(W_in, ((0, 48 - W_in.shape[0]), (0, 0)))

    x, h0, h1, h2, h3, als, ald = _tc1(
        feats, w_in_p, b_in.reshape(1, H), W_att,
        a_src.reshape(H, 1), a_dst.reshape(H, 1))
    als_p = jnp.pad(als.reshape(-1), (0, NP - N))
    ald_p = jnp.pad(ald.reshape(-1), (0, NP - N))

    a0, a1, a2, a3, den, _ = _sc_edge(src_p, dst_p, als_p, ald_p, h0, h1, h2, h3)

    aggq = [a0[0, :N], a0[1, :N], a1[0, :N], a1[1, :N],
            a2[0, :N], a2[1, :N], a3[0, :N], a3[1, :N]]
    return _tc2(x, aggq, den[:N, None], den[NP:NP + N, None],
                W1, b1.reshape(1, H), W_out, b_out.reshape(1, 6))

# --- scband reference (transcript-rebuilt; emitter-appended) ---
"""Pipeline reference for scband-graph-model-28879360098487 (READ-ONLY COPY).

The authoritative reference and input builder live on the scoring server;
editing this copy changes nothing except your own understanding.
"""

import jax, jax.numpy as jnp
import numpy as np

N_NODES = 100000
N_EDGES = 1600000
H = 32
C = 6
D_IN = 1 + 26 + 7 + 7  # 41


def setup_inputs(seed: int = 0) -> dict:
    key = jax.random.key(seed)
    ks = jax.random.split(key, 14)
    partial_charge = jax.random.normal(ks[0], (N_NODES, 1), dtype=jnp.float32)
    atomic_number = jax.random.uniform(ks[1], (N_NODES, 26), dtype=jnp.float32)
    degree = jax.random.uniform(ks[2], (N_NODES, 7), dtype=jnp.float32)
    ring_encoding = jax.random.uniform(ks[3], (N_NODES, 7), dtype=jnp.float32)
    edge_index = jax.random.randint(ks[4], (2, N_EDGES), 0, N_NODES, dtype=jnp.int64)
    W_in = jax.random.normal(ks[5], (D_IN, H), dtype=jnp.float32) / np.sqrt(D_IN)
    b_in = jnp.zeros((H,), dtype=jnp.float32)
    W_att = jax.random.normal(ks[6], (H, H), dtype=jnp.float32) / np.sqrt(H)
    a_src = jax.random.normal(ks[7], (H,), dtype=jnp.float32) / np.sqrt(H)
    a_dst = jax.random.normal(ks[8], (H,), dtype=jnp.float32) / np.sqrt(H)
    W1 = jax.random.normal(ks[9], (H, H), dtype=jnp.float32) / np.sqrt(H)
    b1 = jnp.zeros((H,), dtype=jnp.float32)
    W_out = jax.random.normal(ks[10], (H, C), dtype=jnp.float32) / np.sqrt(H)
    b_out = jnp.zeros((C,), dtype=jnp.float32)
    return {
        'partial_charge': partial_charge, 'atomic_number': atomic_number,
        'degree': degree, 'ring_encoding': ring_encoding, 'edge_index': edge_index,
        'W_in': W_in, 'b_in': b_in, 'W_att': W_att, 'a_src': a_src, 'a_dst': a_dst,
        'W1': W1, 'b1': b1, 'W_out': W_out, 'b_out': b_out,
    }


def reference(partial_charge, atomic_number, degree, ring_encoding, edge_index,
              W_in, b_in, W_att, a_src, a_dst, W1, b1, W_out, b_out):
    n = partial_charge.shape[0]
    # GrappaGNN input featurization: concat node features, project to out_feats
    x = jnp.concatenate([partial_charge, atomic_number, degree, ring_encoding], axis=-1)
    x = jax.nn.elu(x @ W_in + b_in)
    # n_conv=0, n_att=1: one graph attention layer with residual
    src = edge_index[0]
    dst = edge_index[1]
    h = x @ W_att
    alpha_s = h @ a_src
    alpha_d = h @ a_dst
    e = jax.nn.leaky_relu(alpha_s[src] + alpha_d[dst], negative_slope=0.2)
    m = jax.lax.stop_gradient(jax.ops.segment_max(e, dst, num_segments=n))
    m = jnp.where(jnp.isfinite(m), m, 0.0)
    e_exp = jnp.exp(e - m[dst])
    denom = jax.ops.segment_sum(e_exp, dst, num_segments=n)
    w = e_exp / (denom[dst] + 1e-16)
    agg = jax.ops.segment_sum(w[:, None] * h[src], dst, num_segments=n)
    h_node = x + agg  # residual/skip in attention block
    # readout head
    s = jax.nn.elu(h_node)
    s = s @ W1 + b1
    s = jax.nn.elu(s)
    s = s @ W_out + b_out
    return s

if __name__ == "__main__":
    import jax
    _d = setup_inputs()
    print(jax.jit(kernel)(*tuple(_d.values())))

</pallas_src>

<mosaic_0001>
#map = affine_map<(d0, d1) -> (0, 0)>
#map1 = affine_map<(d0, d1) -> (0)>
#map2 = affine_map<(d0, d1) -> (0, 0, 0)>
module attributes {stable_mosaic.version = 14 : i64} {
  func.func @_sc_body(%arg0: i32, %arg1: i32, %arg2: memref<12800x128xi32, #tpu.memory_space<hbm>>, %arg3: memref<12800x128xi32, #tpu.memory_space<hbm>>, %arg4: memref<100096xf32, #tpu.memory_space<hbm>>, %arg5: memref<100096xf32, #tpu.memory_space<hbm>>, %arg6: memref<100000x8xf32, #tpu.memory_space<hbm>>, %arg7: memref<100000x8xf32, #tpu.memory_space<hbm>>, %arg8: memref<100000x8xf32, #tpu.memory_space<hbm>>, %arg9: memref<100000x8xf32, #tpu.memory_space<hbm>>, %arg10: memref<2x100096x8xf32, #tpu.memory_space<hbm>>, %arg11: memref<2x100096x8xf32, #tpu.memory_space<hbm>>, %arg12: memref<2x100096x8xf32, #tpu.memory_space<hbm>>, %arg13: memref<2x100096x8xf32, #tpu.memory_space<hbm>>, %arg14: memref<200192xf32, #tpu.memory_space<hbm>>, %arg15: memref<1638400xf32, #tpu.memory_space<hbm>>, %arg16: memref<16x128xi32, #tpu.memory_space<vmem>>, %arg17: memref<16x128xi32, #tpu.memory_space<vmem>>, %arg18: memref<2048xf32, #tpu.memory_space<vmem>>, %arg19: memref<2048xf32, #tpu.memory_space<vmem>>, %arg20: memref<2048xf32, #tpu.memory_space<vmem>>, %arg21: memref<2048x8xf32, #tpu.memory_space<vmem>>, %arg22: memref<3128x8xf32, #tpu.memory_space<vmem>>, %arg23: memref<6256xf32, #tpu.memory_space<vmem>>, %arg24: memref<100096xf32, #tpu.memory_space<vmem_shared>>, %arg25: memref<100096xf32, #tpu.memory_space<vmem_shared>>, %arg26: memref<100096x8xf32, #tpu.memory_space<vmem_shared>>, %arg27: memref<100096xf32, #tpu.memory_space<vmem_shared>>, %arg28: memref<!tpu.dma_semaphore, #tpu.memory_space<semaphore_mem>>, %arg29: memref<!tpu.dma_semaphore, #tpu.memory_space<semaphore_mem>>, %arg30: memref<!tpu.dma_semaphore, #tpu.memory_space<semaphore_mem>>) attributes {dimension_semantics = [#tpu.dimension_semantics<core_parallel>, #tpu.dimension_semantics<subcore_parallel>], iteration_bounds = array<i64: 2, 16>, scalar_prefetch = 0 : i64, scratch_operands = 15 : i64, tpu.core_type = #tpu.core_type<sc_vector_subcore>, window_params = [{transform_indices = #map}, {transform_indices = #map}, {transform_indices = #map1}, {transform_indices = #map1}, {transform_indices = #map}, {transform_indices = #map}, {transform_indices = #map}, {transform_indices = #map}, {transform_indices = #map2}, {transform_indices = #map2}, {transform_indices = #map2}, {transform_indices = #map2}, {transform_indices = #map1}, {transform_indices = #map1}]} {
    %mul3A = arith.constant 16 : i32
    %mul3A_0 = arith.muli %arg0, %mul3A : i32
    %add3A = arith.addi %mul3A_0, %arg1 : i32
    %mul3A_1 = arith.constant 6256 : i32
    %mul3A_2 = arith.muli %arg1, %mul3A_1 : i32
    %iota3A = tpu.iota {dimensions = array<i32: 0>} : vector<16xi32>
    %jit3A = arith.constant 8 : i32
    %div3A = vector.broadcast %jit3A : i32 to vector<16xi32>
    %div3A_3 = arith.divsi %iota3A, %div3A : vector<16xi32>
    %sign3A = arith.constant 0 : i32
    %sign3A_4 = vector.broadcast %sign3A : i32 to vector<16xi32>
    %sign3A_5 = arith.cmpi sgt, %iota3A, %sign3A_4 : vector<16xi32>
    %sign3A_6 = arith.extui %sign3A_5 : vector<16xi1> to vector<16xi32>
    %sign3A_7 = arith.constant 0 : i32
    %sign3A_8 = vector.broadcast %sign3A_7 : i32 to vector<16xi32>
    %sign3A_9 = arith.cmpi slt, %iota3A, %sign3A_8 : vector<16xi32>
    %sign3A_10 = arith.extui %sign3A_9 : vector<16xi1> to vector<16xi32>
    %sign3A_11 = arith.subi %sign3A_6, %sign3A_10 : vector<16xi32>
    %sign3A_12 = arith.constant 0 : i32
    %sign3A_13 = arith.cmpi sgt, %jit3A, %sign3A_12 : i32
    %sign3A_14 = arith.extui %sign3A_13 : i1 to i32
    %sign3A_15 = arith.constant 0 : i32
    %sign3A_16 = arith.cmpi slt, %jit3A, %sign3A_15 : i32
    %sign3A_17 = arith.extui %sign3A_16 : i1 to i32
    %sign3A_18 = arith.subi %sign3A_14, %sign3A_17 : i32
    %ne3A = vector.broadcast %sign3A_18 : i32 to vector<16xi32>
    %ne3A_19 = arith.cmpi ne, %sign3A_11, %ne3A : vector<16xi32>
    %rem3A = vector.broadcast %jit3A : i32 to vector<16xi32>
    %rem3A_20 = arith.remsi %iota3A, %rem3A : vector<16xi32>
    %ne3A_21 = arith.constant 0 : i32
    %ne3A_22 = vector.broadcast %ne3A_21 : i32 to vector<16xi32>
    %ne3A_23 = arith.cmpi ne, %rem3A_20, %ne3A_22 : vector<16xi32>
    %and3A = arith.andi %ne3A_19, %ne3A_23 : vector<16xi1>
    %sub3A = arith.constant 1 : i32
    %sub3A_24 = vector.broadcast %sub3A : i32 to vector<16xi32>
    %sub3A_25 = arith.subi %div3A_3, %sub3A_24 : vector<16xi32>
    %select_n3A = arith.select %and3A, %sub3A_25, %div3A_3 : vector<16xi1>, vector<16xi32>
    %jit3A_26 = arith.constant 8 : i32
    %eq3A = arith.constant 0 : i32
    %eq3A_27 = arith.cmpi eq, %jit3A_26, %eq3A : i32
    %jit3A_28 = arith.constant 1 : i32
    %select_n3A_29 = arith.select %eq3A_27, %jit3A_28, %jit3A_26 : i32
    %rem3A_30 = vector.broadcast %select_n3A_29 : i32 to vector<16xi32>
    %rem3A_31 = arith.remsi %iota3A, %rem3A_30 : vector<16xi32>
    %ne3A_32 = arith.constant 0 : i32
    %ne3A_33 = vector.broadcast %ne3A_32 : i32 to vector<16xi32>
    %ne3A_34 = arith.cmpi ne, %rem3A_31, %ne3A_33 : vector<16xi32>
    %lt3A = arith.constant 0 : i32
    %lt3A_35 = vector.broadcast %lt3A : i32 to vector<16xi32>
    %lt3A_36 = arith.cmpi slt, %rem3A_31, %lt3A_35 : vector<16xi32>
    %lt3A_37 = arith.constant 0 : i32
    %lt3A_38 = arith.cmpi slt, %select_n3A_29, %lt3A_37 : i32
    %ne3A_39 = vector.broadcast %lt3A_38 : i1 to vector<16xi1>
    %ne3A_40 = vector.broadcast %ne3A_39 : vector<16xi1> to vector<16xi1>
    %ne3A_41 = arith.xori %lt3A_36, %ne3A_40 : vector<16xi1>
    %and3A_42 = arith.andi %ne3A_41, %ne3A_34 : vector<16xi1>
    %add3A_43 = vector.broadcast %select_n3A_29 : i32 to vector<16xi32>
    %add3A_44 = arith.addi %rem3A_31, %add3A_43 : vector<16xi32>
    %select_n3A_45 = arith.select %and3A_42, %add3A_44, %rem3A_31 : vector<16xi1>, vector<16xi32>
    %broadcast_in_dim3A = arith.constant 0.000000e+00 : f32
    %broadcast_in_dim3A_46 = vector.broadcast %broadcast_in_dim3A : f32 to vector<16xf32>
    "tpu.region"() ({
      %run_scoped3A = tpu.sem_alloc : memref<!tpu.dma_semaphore, #tpu.memory_space<semaphore_mem>>
      %dma_start3A = tpu.memref_slice %arg4[%mul3A_2] : memref<100096xf32, #tpu.memory_space<hbm>> -> memref<6256xf32, #tpu.memory_space<hbm>>
      %dma_start3A_167 = tpu.memref_slice %arg4[%mul3A_2] : memref<100096xf32, #tpu.memory_space<hbm>> -> memref<6256xf32, #tpu.memory_space<hbm>>
      tpu.enqueue_dma source(%dma_start3A_167 : memref<6256xf32, #tpu.memory_space<hbm>>) target(%arg23 : memref<6256xf32, #tpu.memory_space<vmem>>) target_semaphore(%run_scoped3A : memref<!tpu.dma_semaphore, #tpu.memory_space<semaphore_mem>>)
      %dma_wait3A = tpu.memref_slice %arg4[%mul3A_2] : memref<100096xf32, #tpu.memory_space<hbm>> -> memref<6256xf32, #tpu.memory_space<hbm>>
      %dma_wait3A_168 = tpu.memref_slice %arg4[%mul3A_2] : memref<100096xf32, #tpu.memory_space<hbm>> -> memref<6256xf32, #tpu.memory_space<hbm>>
      tpu.wait_dma2 semaphore(%run_scoped3A : memref<!tpu.dma_semaphore, #tpu.memory_space<semaphore_mem>>) src(%dma_wait3A_168 : memref<6256xf32, #tpu.memory_space<hbm>>) dst(%arg23 : memref<6256xf32, #tpu.memory_space<vmem>>)
      tpu.yield
    }) : () -> ()
    "tpu.region"() ({
      %run_scoped3A = tpu.sem_alloc : memref<!tpu.dma_semaphore, #tpu.memory_space<semaphore_mem>>
      %dma_start3A = tpu.memref_slice %arg24[%mul3A_2] : memref<100096xf32, #tpu.memory_space<vmem_shared>> -> memref<6256xf32, #tpu.memory_space<vmem_shared>>
      %dma_start3A_167 = tpu.memref_slice %arg24[%mul3A_2] : memref<100096xf32, #tpu.memory_space<vmem_shared>> -> memref<6256xf32, #tpu.memory_space<vmem_shared>>
      tpu.enqueue_dma source(%arg23 : memref<6256xf32, #tpu.memory_space<vmem>>) target(%dma_start3A_167 : memref<6256xf32, #tpu.memory_space<vmem_shared>>) target_semaphore(%run_scoped3A : memref<!tpu.dma_semaphore, #tpu.memory_space<semaphore_mem>>)
      %dma_wait3A = tpu.memref_slice %arg24[%mul3A_2] : memref<100096xf32, #tpu.memory_space<vmem_shared>> -> memref<6256xf32, #tpu.memory_space<vmem_shared>>
      %dma_wait3A_168 = tpu.memref_slice %arg24[%mul3A_2] : memref<100096xf32, #tpu.memory_space<vmem_shared>> -> memref<6256xf32, #tpu.memory_space<vmem_shared>>
      tpu.wait_dma2 semaphore(%run_scoped3A : memref<!tpu.dma_semaphore, #tpu.memory_space<semaphore_mem>>) src(%arg23 : memref<6256xf32, #tpu.memory_space<vmem>>) dst(%dma_wait3A_168 : memref<6256xf32, #tpu.memory_space<vmem_shared>>)
      tpu.yield
    }) : () -> ()
    "tpu.region"() ({
      %run_scoped3A = tpu.sem_alloc : memref<!tpu.dma_semaphore, #tpu.memory_space<semaphore_mem>>
      %dma_start3A = tpu.memref_slice %arg5[%mul3A_2] : memref<100096xf32, #tpu.memory_space<hbm>> -> memref<6256xf32, #tpu.memory_space<hbm>>
      %dma_start3A_167 = tpu.memref_slice %arg5[%mul3A_2] : memref<100096xf32, #tpu.memory_space<hbm>> -> memref<6256xf32, #tpu.memory_space<hbm>>
      tpu.enqueue_dma source(%dma_start3A_167 : memref<6256xf32, #tpu.memory_space<hbm>>) target(%arg23 : memref<6256xf32, #tpu.memory_space<vmem>>) target_semaphore(%run_scoped3A : memref<!tpu.dma_semaphore, #tpu.memory_space<semaphore_mem>>)
      %dma_wait3A = tpu.memref_slice %arg5[%mul3A_2] : memref<100096xf32, #tpu.memory_space<hbm>> -> memref<6256xf32, #tpu.memory_space<hbm>>
      %dma_wait3A_168 = tpu.memref_slice %arg5[%mul3A_2] : memref<100096xf32, #tpu.memory_space<hbm>> -> memref<6256xf32, #tpu.memory_space<hbm>>
      tpu.wait_dma2 semaphore(%run_scoped3A : memref<!tpu.dma_semaphore, #tpu.memory_space<semaphore_mem>>) src(%dma_wait3A_168 : memref<6256xf32, #tpu.memory_space<hbm>>) dst(%arg23 : memref<6256xf32, #tpu.memory_space<vmem>>)
      tpu.yield
    }) : () -> ()
    "tpu.region"() ({
      %run_scoped3A = tpu.sem_alloc : memref<!tpu.dma_semaphore, #tpu.memory_space<semaphore_mem>>
      %dma_start3A = tpu.memref_slice %arg25[%mul3A_2] : memref<100096xf32, #tpu.memory_space<vmem_shared>> -> memref<6256xf32, #tpu.memory_space<vmem_shared>>
      %dma_start3A_167 = tpu.memref_slice %arg25[%mul3A_2] : memref<100096xf32, #tpu.memory_space<vmem_shared>> -> memref<6256xf32, #tpu.memory_space<vmem_shared>>
      tpu.enqueue_dma source(%arg23 : memref<6256xf32, #tpu.memory_space<vmem>>) target(%dma_start3A_167 : memref<6256xf32, #tpu.memory_space<vmem_shared>>) target_semaphore(%run_scoped3A : memref<!tpu.dma_semaphore, #tpu.memory_space<semaphore_mem>>)
      %dma_wait3A = tpu.memref_slice %arg25[%mul3A_2] : memref<100096xf32, #tpu.memory_space<vmem_shared>> -> memref<6256xf32, #tpu.memory_space<vmem_shared>>
      %dma_wait3A_168 = tpu.memref_slice %arg25[%mul3A_2] : memref<100096xf32, #tpu.memory_space<vmem_shared>> -> memref<6256xf32, #tpu.memory_space<vmem_shared>>
      tpu.wait_dma2 semaphore(%run_scoped3A : memref<!tpu.dma_semaphore, #tpu.memory_space<semaphore_mem>>) src(%arg23 : memref<6256xf32, #tpu.memory_space<vmem>>) dst(%dma_wait3A_168 : memref<6256xf32, #tpu.memory_space<vmem_shared>>)
      tpu.yield
    }) : () -> ()
    %scan3A = arith.constant 0 : i32
    %scan3A_47 = arith.constant 0 : i32
    %scan3A_48 = arith.constant 391 : i32
    %scan3A_49 = arith.addi %scan3A_47, %scan3A_48 : i32
    %scan3A_50 = arith.constant 1 : i32
    %scan3A_51 = scf.for %scan3A_167 = %scan3A_47 to %scan3A_49 step %scan3A_50 iter_args(%scan3A_168 = %scan3A) -> (i32)  : i32 {
      %mul3A_169 = arith.constant 16 : i32
      %mul3A_170 = arith.muli %scan3A_167, %mul3A_169 : i32
      %swap3A = arith.index_cast %mul3A_170 : i32 to index
      %swap3A_171 = tpu.vector_load %arg23[%swap3A] {strides = array<i32>} : memref<6256xf32, #tpu.memory_space<vmem>>, vector<16xf32>,
      tpu.vector_store %arg23[%swap3A], %broadcast_in_dim3A_46 {strides = array<i32>} : memref<6256xf32, #tpu.memory_space<vmem>>, vector<16xf32>,
      %scan3A_172 = arith.constant 0 : i32
      scf.yield %scan3A_172 : i32
    }
    %scan3A_52 = arith.constant 391 : i32
    "tpu.region"() ({
      %run_scoped3A = tpu.sem_alloc : memref<!tpu.dma_semaphore, #tpu.memory_space<semaphore_mem>>
      %dma_start3A = tpu.memref_slice %arg27[%mul3A_2] : memref<100096xf32, #tpu.memory_space<vmem_shared>> -> memref<6256xf32, #tpu.memory_space<vmem_shared>>
      %dma_start3A_167 = tpu.memref_slice %arg27[%mul3A_2] : memref<100096xf32, #tpu.memory_space<vmem_shared>> -> memref<6256xf32, #tpu.memory_space<vmem_shared>>
      tpu.enqueue_dma source(%arg23 : memref<6256xf32, #tpu.memory_space<vmem>>) target(%dma_start3A_167 : memref<6256xf32, #tpu.memory_space<vmem_shared>>) target_semaphore(%run_scoped3A : memref<!tpu.dma_semaphore, #tpu.memory_space<semaphore_mem>>)
      %dma_wait3A = tpu.memref_slice %arg27[%mul3A_2] : memref<100096xf32, #tpu.memory_space<vmem_shared>> -> memref<6256xf32, #tpu.memory_space<vmem_shared>>
      %dma_wait3A_168 = tpu.memref_slice %arg27[%mul3A_2] : memref<100096xf32, #tpu.memory_space<vmem_shared>> -> memref<6256xf32, #tpu.memory_space<vmem_shared>>
      tpu.wait_dma2 semaphore(%run_scoped3A : memref<!tpu.dma_semaphore, #tpu.memory_space<semaphore_mem>>) src(%arg23 : memref<6256xf32, #tpu.memory_space<vmem>>) dst(%dma_wait3A_168 : memref<6256xf32, #tpu.memory_space<vmem_shared>>)
      tpu.yield
    }) : () -> ()
    %scan3A_53 = arith.constant 0 : i32
    %scan3A_54 = arith.constant 0 : i32
    %scan3A_55 = arith.constant 1564 : i32
    %scan3A_56 = arith.addi %scan3A_54, %scan3A_55 : i32
    %scan3A_57 = arith.constant 1 : i32
    %scan3A_58 = scf.for %scan3A_167 = %scan3A_54 to %scan3A_56 step %scan3A_57 iter_args(%scan3A_168 = %scan3A_53) -> (i32)  : i32 {
      %mul3A_169 = arith.constant 2 : i32
      %mul3A_170 = arith.muli %mul3A_169, %scan3A_167 : i32
      %add3A_171 = vector.broadcast %mul3A_170 : i32 to vector<16xi32>
      %add3A_172 = arith.addi %add3A_171, %select_n3A : vector<16xi32>
      tpu.vector_store_idx %arg22[%add3A_172, %select_n3A_45], %broadcast_in_dim3A_46 : memref<3128x8xf32, #tpu.memory_space<vmem>>[vector<16xi32>, vector<16xi32>], vector<16xf32>,
      %scan3A_173 = arith.constant 0 : i32
      scf.yield %scan3A_173 : i32
    }
    %scan3A_59 = arith.constant 1564 : i32
    %add3A_60 = arith.constant 0 : i32
    %add3A_61 = arith.addi %mul3A_2, %add3A_60 : i32
    "tpu.region"() ({
      %run_scoped3A = tpu.sem_alloc : memref<!tpu.dma_semaphore, #tpu.memory_space<semaphore_mem>>
      %dma_start3A = arith.constant 0 : i32
      %dma_start3A_167 = tpu.memref_slice %arg26[%add3A_61, %dma_start3A] : memref<100096x8xf32, #tpu.memory_space<vmem_shared>> -> memref<3128x8xf32, #tpu.memory_space<vmem_shared>>
      %dma_start3A_168 = arith.constant 0 : i32
      %dma_start3A_169 = tpu.memref_slice %arg26[%add3A_61, %dma_start3A_168] : memref<100096x8xf32, #tpu.memory_space<vmem_shared>> -> memref<3128x8xf32, #tpu.memory_space<vmem_shared>>
      tpu.enqueue_dma source(%arg22 : memref<3128x8xf32, #tpu.memory_space<vmem>>) target(%dma_start3A_169 : memref<3128x8xf32, #tpu.memory_space<vmem_shared>>) target_semaphore(%run_scoped3A : memref<!tpu.dma_semaphore, #tpu.memory_space<semaphore_mem>>)
      %dma_wait3A = arith.constant 0 : i32
      %dma_wait3A_170 = tpu.memref_slice %arg26[%add3A_61, %dma_wait3A] : memref<100096x8xf32, #tpu.memory_space<vmem_shared>> -> memref<3128x8xf32, #tpu.memory_space<vmem_shared>>
      %dma_wait3A_171 = arith.constant 0 : i32
      %dma_wait3A_172 = tpu.memref_slice %arg26[%add3A_61, %dma_wait3A_171] : memref<100096x8xf32, #tpu.memory_space<vmem_shared>> -> memref<3128x8xf32, #tpu.memory_space<vmem_shared>>
      tpu.wait_dma2 semaphore(%run_scoped3A : memref<!tpu.dma_semaphore, #tpu.memory_space<semaphore_mem>>) src(%arg22 : memref<3128x8xf32, #tpu.memory_space<vmem>>) dst(%dma_wait3A_172 : memref<3128x8xf32, #tpu.memory_space<vmem_shared>>)
      tpu.yield
    }) : () -> ()
    %add3A_62 = arith.constant 3128 : i32
    %add3A_63 = arith.addi %mul3A_2, %add3A_62 : i32
    "tpu.region"() ({
      %run_scoped3A = tpu.sem_alloc : memref<!tpu.dma_semaphore, #tpu.memory_space<semaphore_mem>>
      %dma_start3A = arith.constant 0 : i32
      %dma_start3A_167 = tpu.memref_slice %arg26[%add3A_63, %dma_start3A] : memref<100096x8xf32, #tpu.memory_space<vmem_shared>> -> memref<3128x8xf32, #tpu.memory_space<vmem_shared>>
      %dma_start3A_168 = arith.constant 0 : i32
      %dma_start3A_169 = tpu.memref_slice %arg26[%add3A_63, %dma_start3A_168] : memref<100096x8xf32, #tpu.memory_space<vmem_shared>> -> memref<3128x8xf32, #tpu.memory_space<vmem_shared>>
      tpu.enqueue_dma source(%arg22 : memref<3128x8xf32, #tpu.memory_space<vmem>>) target(%dma_start3A_169 : memref<3128x8xf32, #tpu.memory_space<vmem_shared>>) target_semaphore(%run_scoped3A : memref<!tpu.dma_semaphore, #tpu.memory_space<semaphore_mem>>)
      %dma_wait3A = arith.constant 0 : i32
      %dma_wait3A_170 = tpu.memref_slice %arg26[%add3A_63, %dma_wait3A] : memref<100096x8xf32, #tpu.memory_space<vmem_shared>> -> memref<3128x8xf32, #tpu.memory_space<vmem_shared>>
      %dma_wait3A_171 = arith.constant 0 : i32
      %dma_wait3A_172 = tpu.memref_slice %arg26[%add3A_63, %dma_wait3A_171] : memref<100096x8xf32, #tpu.memory_space<vmem_shared>> -> memref<3128x8xf32, #tpu.memory_space<vmem_shared>>
      tpu.wait_dma2 semaphore(%run_scoped3A : memref<!tpu.dma_semaphore, #tpu.memory_space<semaphore_mem>>) src(%arg22 : memref<3128x8xf32, #tpu.memory_space<vmem>>) dst(%dma_wait3A_172 : memref<3128x8xf32, #tpu.memory_space<vmem_shared>>)
      tpu.yield
    }) : () -> ()
    %barrier3A = arith.constant 0 : index
    tpu.barrier barrier_id(%barrier3A)
    %scan3A_64 = arith.constant 0 : i32
    %scan3A_65 = arith.constant 0 : i32
    %scan3A_66 = arith.constant 25 : i32
    %scan3A_67 = arith.addi %scan3A_65, %scan3A_66 : i32
    %scan3A_68 = arith.constant 1 : i32
    %scan3A_69 = scf.for %scan3A_167 = %scan3A_65 to %scan3A_67 step %scan3A_68 iter_args(%scan3A_168 = %scan3A_64) -> (i32)  : i32 {
      %mul3A_169 = arith.constant 400 : i32
      %mul3A_170 = arith.muli %add3A, %mul3A_169 : i32
      %mul3A_171 = arith.constant 16 : i32
      %mul3A_172 = arith.muli %scan3A_167, %mul3A_171 : i32
      %add3A_173 = arith.addi %mul3A_170, %mul3A_172 : i32
      %mul3A_174 = arith.constant 51200 : i32
      %mul3A_175 = arith.muli %add3A, %mul3A_174 : i32
      %mul3A_176 = arith.constant 2048 : i32
      %mul3A_177 = arith.muli %scan3A_167, %mul3A_176 : i32
      %add3A_178 = arith.addi %mul3A_175, %mul3A_177 : i32
      "tpu.region"() ({
        %run_scoped3A = tpu.sem_alloc : memref<!tpu.dma_semaphore, #tpu.memory_space<semaphore_mem>>
        %dma_start3A = arith.constant 0 : i32
        %dma_start3A_245 = tpu.memref_slice %arg2[%add3A_173, %dma_start3A] : memref<12800x128xi32, #tpu.memory_space<hbm>> -> memref<16x128xi32, #tpu.memory_space<hbm>>
        %dma_start3A_246 = arith.constant 0 : i32
        %dma_start3A_247 = tpu.memref_slice %arg2[%add3A_173, %dma_start3A_246] : memref<12800x128xi32, #tpu.memory_space<hbm>> -> memref<16x128xi32, #tpu.memory_space<hbm>>
        tpu.enqueue_dma source(%dma_start3A_247 : memref<16x128xi32, #tpu.memory_space<hbm>>) target(%arg16 : memref<16x128xi32, #tpu.memory_space<vmem>>) target_semaphore(%run_scoped3A : memref<!tpu.dma_semaphore, #tpu.memory_space<semaphore_mem>>)
        %dma_wait3A_248 = arith.constant 0 : i32
        %dma_wait3A_249 = tpu.memref_slice %arg2[%add3A_173, %dma_wait3A_248] : memref<12800x128xi32, #tpu.memory_space<hbm>> -> memref<16x128xi32, #tpu.memory_space<hbm>>
        %dma_wait3A_250 = arith.constant 0 : i32
        %dma_wait3A_251 = tpu.memref_slice %arg2[%add3A_173, %dma_wait3A_250] : memref<12800x128xi32, #tpu.memory_space<hbm>> -> memref<16x128xi32, #tpu.memory_space<hbm>>
        tpu.wait_dma2 semaphore(%run_scoped3A : memref<!tpu.dma_semaphore, #tpu.memory_space<semaphore_mem>>) src(%dma_wait3A_251 : memref<16x128xi32, #tpu.memory_space<hbm>>) dst(%arg16 : memref<16x128xi32, #tpu.memory_space<vmem>>)
        tpu.yield
      }) : () -> ()
      "tpu.region"() ({
        %run_scoped3A = tpu.sem_alloc : memref<!tpu.dma_semaphore, #tpu.memory_space<semaphore_mem>>
        %dma_start3A = arith.constant 0 : i32
        %dma_start3A_245 = tpu.memref_slice %arg3[%add3A_173, %dma_start3A] : memref<12800x128xi32, #tpu.memory_space<hbm>> -> memref<16x128xi32, #tpu.memory_space<hbm>>
        %dma_start3A_246 = arith.constant 0 : i32
        %dma_start3A_247 = tpu.memref_slice %arg3[%add3A_173, %dma_start3A_246] : memref<12800x128xi32, #tpu.memory_space<hbm>> -> memref<16x128xi32, #tpu.memory_space<hbm>>
        tpu.enqueue_dma source(%dma_start3A_247 : memref<16x128xi32, #tpu.memory_space<hbm>>) target(%arg17 : memref<16x128xi32, #tpu.memory_space<vmem>>) target_semaphore(%run_scoped3A : memref<!tpu.dma_semaphore, #tpu.memory_space<semaphore_mem>>)
        %dma_wait3A_248 = arith.constant 0 : i32
        %dma_wait3A_249 = tpu.memref_slice %arg3[%add3A_173, %dma_wait3A_248] : memref<12800x128xi32, #tpu.memory_space<hbm>> -> memref<16x128xi32, #tpu.memory_space<hbm>>
        %dma_wait3A_250 = arith.constant 0 : i32
        %dma_wait3A_251 = tpu.memref_slice %arg3[%add3A_173, %dma_wait3A_250] : memref<12800x128xi32, #tpu.memory_space<hbm>> -> memref<16x128xi32, #tpu.memory_space<hbm>>
        tpu.wait_dma2 semaphore(%run_scoped3A : memref<!tpu.dma_semaphore, #tpu.memory_space<semaphore_mem>>) src(%dma_wait3A_251 : memref<16x128xi32, #tpu.memory_space<hbm>>) dst(%arg17 : memref<16x128xi32, #tpu.memory_space<vmem>>)
        tpu.yield
      }) : () -> ()
      %scan3A_179 = arith.constant 0 : i32
      %scan3A_180 = arith.constant 0 : i32
      %scan3A_181 = arith.constant 16 : i32
      %scan3A_182 = arith.addi %scan3A_180, %scan3A_181 : i32
      %scan3A_183 = arith.constant 1 : i32
      %scan3A_184 = scf.for %scan3A_245 = %scan3A_180 to %scan3A_182 step %scan3A_183 iter_args(%scan3A_246 = %scan3A_179) -> (i32)  : i32 {
        %mul3A_247 = arith.constant 128 : i32
        %mul3A_248 = arith.muli %scan3A_245, %mul3A_247 : i32
        %dma_start3A = tpu.memref_slice %arg18[%mul3A_248] : memref<2048xf32, #tpu.memory_space<vmem>> -> memref<128xf32, #tpu.memory_space<vmem>>
        %dma_start3A_249 = arith.constant 0 : i32
        %dma_start3A_250 = tpu.memref_slice %arg16[%scan3A_245, %dma_start3A_249] : memref<16x128xi32, #tpu.memory_space<vmem>> -> memref<1x128xi32, #tpu.memory_space<vmem>>
        %dma_start3A_251 = tpu.memref_squeeze %dma_start3A_250 : memref<1x128xi32, #tpu.memory_space<vmem>> -> memref<128xi32, #tpu.memory_space<vmem>>
        %dma_start3A_252 = arith.constant 0 : i32
        %dma_start3A_253 = tpu.memref_slice %arg24[%dma_start3A_252] : memref<100096xf32, #tpu.memory_space<vmem_shared>> -> memref<100096xf32, #tpu.memory_space<vmem_shared>>
        tpu.enqueue_indirect_dma source(%dma_start3A_253 : memref<100096xf32, #tpu.memory_space<vmem_shared>>) target(%dma_start3A : memref<128xf32, #tpu.memory_space<vmem>>) offsets(%dma_start3A_251 : memref<128xi32, #tpu.memory_space<vmem>>) semaphore(%arg28 : memref<!tpu.dma_semaphore, #tpu.memory_space<semaphore_mem>>)
        %mul3A_254 = arith.constant 128 : i32
        %mul3A_255 = arith.muli %scan3A_245, %mul3A_254 : i32
        %dma_start3A_256 = tpu.memref_slice %arg19[%mul3A_255] : memref<2048xf32, #tpu.memory_space<vmem>> -> memref<128xf32, #tpu.memory_space<vmem>>
        %dma_start3A_257 = arith.constant 0 : i32
        %dma_start3A_258 = tpu.memref_slice %arg17[%scan3A_245, %dma_start3A_257] : memref<16x128xi32, #tpu.memory_space<vmem>> -> memref<1x128xi32, #tpu.memory_space<vmem>>
        %dma_start3A_259 = tpu.memref_squeeze %dma_start3A_258 : memref<1x128xi32, #tpu.memory_space<vmem>> -> memref<128xi32, #tpu.memory_space<vmem>>
        %dma_start3A_260 = arith.constant 0 : i32
        %dma_start3A_261 = tpu.memref_slice %arg25[%dma_start3A_260] : memref<100096xf32, #tpu.memory_space<vmem_shared>> -> memref<100096xf32, #tpu.memory_space<vmem_shared>>
        tpu.enqueue_indirect_dma source(%dma_start3A_261 : memref<100096xf32, #tpu.memory_space<vmem_shared>>) target(%dma_start3A_256 : memref<128xf32, #tpu.memory_space<vmem>>) offsets(%dma_start3A_259 : memref<128xi32, #tpu.memory_space<vmem>>) semaphore(%arg28 : memref<!tpu.dma_semaphore, #tpu.memory_space<semaphore_mem>>)
        %scan3A_262 = arith.constant 0 : i32
        scf.yield %scan3A_262 : i32
      }
      %scan3A_185 = arith.constant 16 : i32
      %dma_wait3A = arith.constant 0 : i32
      %dma_wait3A_186 = tpu.memref_slice %arg4[%dma_wait3A] : memref<100096xf32, #tpu.memory_space<hbm>> -> memref<2048xf32, #tpu.memory_space<hbm>>
      %dma_wait3A_187 = arith.constant 0 : i32
      %dma_wait3A_188 = tpu.memref_slice %arg4[%dma_wait3A_187] : memref<100096xf32, #tpu.memory_space<hbm>> -> memref<2048xf32, #tpu.memory_space<hbm>>
      tpu.wait_dma2 semaphore(%arg28 : memref<!tpu.dma_semaphore, #tpu.memory_space<semaphore_mem>>) src(%dma_wait3A_188 : memref<2048xf32, #tpu.memory_space<hbm>>) dst(%arg18 : memref<2048xf32, #tpu.memory_space<vmem>>)
      %dma_wait3A_189 = arith.constant 0 : i32
      %dma_wait3A_190 = tpu.memref_slice %arg4[%dma_wait3A_189] : memref<100096xf32, #tpu.memory_space<hbm>> -> memref<2048xf32, #tpu.memory_space<hbm>>
      %dma_wait3A_191 = arith.constant 0 : i32
      %dma_wait3A_192 = tpu.memref_slice %arg4[%dma_wait3A_191] : memref<100096xf32, #tpu.memory_space<hbm>> -> memref<2048xf32, #tpu.memory_space<hbm>>
      tpu.wait_dma2 semaphore(%arg28 : memref<!tpu.dma_semaphore, #tpu.memory_space<semaphore_mem>>) src(%dma_wait3A_192 : memref<2048xf32, #tpu.memory_space<hbm>>) dst(%arg19 : memref<2048xf32, #tpu.memory_space<vmem>>)
      %scan3A_193 = arith.constant 0 : i32
      %scan3A_194 = arith.constant 0 : i32
      %scan3A_195 = arith.constant 128 : i32
      %scan3A_196 = arith.addi %scan3A_194, %scan3A_195 : i32
      %scan3A_197 = arith.constant 1 : i32
      %scan3A_198 = scf.for %scan3A_245 = %scan3A_194 to %scan3A_196 step %scan3A_197 iter_args(%scan3A_246 = %scan3A_193) -> (i32)  : i32 {
        %mul3A_247 = arith.constant 16 : i32
        %mul3A_248 = arith.muli %scan3A_245, %mul3A_247 : i32
        %get3A = arith.index_cast %mul3A_248 : i32 to index
        %get3A_249 = tpu.vector_load %arg18[%get3A] {strides = array<i32>} : memref<2048xf32, #tpu.memory_space<vmem>>, vector<16xf32>,
        %mul3A_250 = arith.constant 16 : i32
        %mul3A_251 = arith.muli %scan3A_245, %mul3A_250 : i32
        %get3A_252 = arith.index_cast %mul3A_251 : i32 to index
        %get3A_253 = tpu.vector_load %arg19[%get3A_252] {strides = array<i32>} : memref<2048xf32, #tpu.memory_space<vmem>>, vector<16xf32>,
        %add3A_254 = arith.addf %get3A_249, %get3A_253 : vector<16xf32>
        %mul3A_255 = arith.constant 2.000000e-01 : f32
        %mul3A_256 = vector.broadcast %mul3A_255 : f32 to vector<16xf32>
        %mul3A_257 = arith.mulf %mul3A_256, %add3A_254 : vector<16xf32>
        %max3A = arith.maximumf %add3A_254, %mul3A_257 : vector<16xf32>
        %exp3A = math.exp %max3A : vector<16xf32>
        %mul3A_258 = arith.constant 16 : i32
        %mul3A_259 = arith.muli %scan3A_245, %mul3A_258 : i32
        %swap3A = arith.index_cast %mul3A_259 : i32 to index
        %swap3A_260 = tpu.vector_load %arg20[%swap3A] {strides = array<i32>} : memref<2048xf32, #tpu.memory_space<vmem>>, vector<16xf32>,
        tpu.vector_store %arg20[%swap3A], %exp3A {strides = array<i32>} : memref<2048xf32, #tpu.memory_space<vmem>>, vector<16xf32>,
        %scan3A_261 = arith.constant 0 : i32
        scf.yield %scan3A_261 : i32
      }
      %scan3A_199 = arith.constant 128 : i32
      "tpu.region"() ({
        %run_scoped3A = tpu.sem_alloc : memref<!tpu.dma_semaphore, #tpu.memory_space<semaphore_mem>>
        %dma_start3A = tpu.memref_slice %arg15[%add3A_178] : memref<1638400xf32, #tpu.memory_space<hbm>> -> memref<2048xf32, #tpu.memory_space<hbm>>
        %dma_start3A_245 = tpu.memref_slice %arg15[%add3A_178] : memref<1638400xf32, #tpu.memory_space<hbm>> -> memref<2048xf32, #tpu.memory_space<hbm>>
        tpu.enqueue_dma source(%arg20 : memref<2048xf32, #tpu.memory_space<vmem>>) target(%dma_start3A_245 : memref<2048xf32, #tpu.memory_space<hbm>>) target_semaphore(%run_scoped3A : memref<!tpu.dma_semaphore, #tpu.memory_space<semaphore_mem>>)
        %dma_wait3A_246 = tpu.memref_slice %arg15[%add3A_178] : memref<1638400xf32, #tpu.memory_space<hbm>> -> memref<2048xf32, #tpu.memory_space<hbm>>
        %dma_wait3A_247 = tpu.memref_slice %arg15[%add3A_178] : memref<1638400xf32, #tpu.memory_space<hbm>> -> memref<2048xf32, #tpu.memory_space<hbm>>
        tpu.wait_dma2 semaphore(%run_scoped3A : memref<!tpu.dma_semaphore, #tpu.memory_space<semaphore_mem>>) src(%arg20 : memref<2048xf32, #tpu.memory_space<vmem>>) dst(%dma_wait3A_247 : memref<2048xf32, #tpu.memory_space<hbm>>)
        tpu.yield
      }) : () -> ()
      %scan3A_200 = arith.constant 0 : i32
      %scan3A_201 = arith.constant 0 : i32
      %scan3A_202 = arith.constant 16 : i32
      %scan3A_203 = arith.addi %scan3A_201, %scan3A_202 : i32
      %scan3A_204 = arith.constant 1 : i32
      %scan3A_205 = scf.for %scan3A_245 = %scan3A_201 to %scan3A_203 step %scan3A_204 iter_args(%scan3A_246 = %scan3A_200) -> (i32)  : i32 {
        %mul3A_247 = arith.constant 128 : i32
        %mul3A_248 = arith.muli %scan3A_245, %mul3A_247 : i32
        %dma_start3A = arith.constant 0 : i32
        %dma_start3A_249 = tpu.memref_slice %arg21[%mul3A_248, %dma_start3A] : memref<2048x8xf32, #tpu.memory_space<vmem>> -> memref<128x8xf32, #tpu.memory_space<vmem>>
        %dma_start3A_250 = arith.constant 0 : i32
        %dma_start3A_251 = tpu.memref_slice %arg16[%scan3A_245, %dma_start3A_250] : memref<16x128xi32, #tpu.memory_space<vmem>> -> memref<1x128xi32, #tpu.memory_space<vmem>>
        %dma_start3A_252 = tpu.memref_squeeze %dma_start3A_251 : memref<1x128xi32, #tpu.memory_space<vmem>> -> memref<128xi32, #tpu.memory_space<vmem>>
        %dma_start3A_253 = arith.constant 0 : i32
        %dma_start3A_254 = arith.constant 0 : i32
        %dma_start3A_255 = tpu.memref_slice %arg6[%dma_start3A_253, %dma_start3A_254] : memref<100000x8xf32, #tpu.memory_space<hbm>> -> memref<100000x8xf32, #tpu.memory_space<hbm>>
        tpu.enqueue_indirect_dma source(%dma_start3A_255 : memref<100000x8xf32, #tpu.memory_space<hbm>>) target(%dma_start3A_249 : memref<128x8xf32, #tpu.memory_space<vmem>>) offsets(%dma_start3A_252 : memref<128xi32, #tpu.memory_space<vmem>>) semaphore(%arg29 : memref<!tpu.dma_semaphore, #tpu.memory_space<semaphore_mem>>)
        %scan3A_256 = arith.constant 0 : i32
        scf.yield %scan3A_256 : i32
      }
      %scan3A_206 = arith.constant 16 : i32
      %dma_wait3A_207 = arith.constant 0 : i32
      %dma_wait3A_208 = arith.constant 0 : i32
      %dma_wait3A_209 = tpu.memref_slice %arg6[%dma_wait3A_207, %dma_wait3A_208] : memref<100000x8xf32, #tpu.memory_space<hbm>> -> memref<2048x8xf32, #tpu.memory_space<hbm>>
      %dma_wait3A_210 = arith.constant 0 : i32
      %dma_wait3A_211 = arith.constant 0 : i32
      %dma_wait3A_212 = tpu.memref_slice %arg6[%dma_wait3A_210, %dma_wait3A_211] : memref<100000x8xf32, #tpu.memory_space<hbm>> -> memref<2048x8xf32, #tpu.memory_space<hbm>>
      tpu.wait_dma2 semaphore(%arg29 : memref<!tpu.dma_semaphore, #tpu.memory_space<semaphore_mem>>) src(%dma_wait3A_212 : memref<2048x8xf32, #tpu.memory_space<hbm>>) dst(%arg21 : memref<2048x8xf32, #tpu.memory_space<vmem>>)
      %scan3A_213 = arith.constant 0 : i32
      %scan3A_214 = arith.constant 0 : i32
      %scan3A_215 = arith.constant 1024 : i32
      %scan3A_216 = arith.addi %scan3A_214, %scan3A_215 : i32
      %scan3A_217 = arith.constant 1 : i32
      %scan3A_218 = scf.for %scan3A_245 = %scan3A_214 to %scan3A_216 step %scan3A_217 iter_args(%scan3A_246 = %scan3A_213) -> (i32)  : i32 {
        %mul3A_247 = arith.constant 2 : i32
        %mul3A_248 = arith.muli %mul3A_247, %scan3A_245 : i32
        %add3A_249 = vector.broadcast %mul3A_248 : i32 to vector<16xi32>
        %add3A_250 = arith.addi %add3A_249, %select_n3A : vector<16xi32>
        %gather3A = tpu.vector_load_idx %arg20[%add3A_250] : memref<2048xf32, #tpu.memory_space<vmem>>[vector<16xi32>], vector<16xf32>,
        %gather3A_251 = tpu.vector_load_idx %arg21[%add3A_250, %select_n3A_45] : memref<2048x8xf32, #tpu.memory_space<vmem>>[vector<16xi32>, vector<16xi32>], vector<16xf32>,
        %mul3A_252 = arith.mulf %gather3A_251, %gather3A : vector<16xf32>
        tpu.vector_store_idx %arg21[%add3A_250, %select_n3A_45], %mul3A_252 : memref<2048x8xf32, #tpu.memory_space<vmem>>[vector<16xi32>, vector<16xi32>], vector<16xf32>,
        %scan3A_253 = arith.constant 0 : i32
        scf.yield %scan3A_253 : i32
      }
      %scan3A_219 = arith.constant 1024 : i32
      %scan3A_220 = arith.constant 0 : i32
      %scan3A_221 = arith.constant 0 : i32
      %scan3A_222 = arith.constant 16 : i32
      %scan3A_223 = arith.addi %scan3A_221, %scan3A_222 : i32
      %scan3A_224 = arith.constant 1 : i32
      %scan3A_225 = scf.for %scan3A_245 = %scan3A_221 to %scan3A_223 step %scan3A_224 iter_args(%scan3A_246 = %scan3A_220) -> (i32)  : i32 {
        %mul3A_247 = arith.constant 128 : i32
        %mul3A_248 = arith.muli %scan3A_245, %mul3A_247 : i32
        %dma_start3A = arith.constant 0 : i32
        %dma_start3A_249 = tpu.memref_slice %arg21[%mul3A_248, %dma_start3A] : memref<2048x8xf32, #tpu.memory_space<vmem>> -> memref<128x8xf32, #tpu.memory_space<vmem>>
        %dma_start3A_250 = arith.constant 0 : i32
        %dma_start3A_251 = tpu.memref_slice %arg17[%scan3A_245, %dma_start3A_250] : memref<16x128xi32, #tpu.memory_space<vmem>> -> memref<1x128xi32, #tpu.memory_space<vmem>>
        %dma_start3A_252 = tpu.memref_squeeze %dma_start3A_251 : memref<1x128xi32, #tpu.memory_space<vmem>> -> memref<128xi32, #tpu.memory_space<vmem>>
        %dma_start3A_253 = arith.constant 0 : i32
        %dma_start3A_254 = arith.constant 0 : i32
        %dma_start3A_255 = tpu.memref_slice %arg26[%dma_start3A_253, %dma_start3A_254] : memref<100096x8xf32, #tpu.memory_space<vmem_shared>> -> memref<100096x8xf32, #tpu.memory_space<vmem_shared>>
        tpu.enqueue_indirect_dma source(%dma_start3A_249 : memref<128x8xf32, #tpu.memory_space<vmem>>) target(%dma_start3A_255 : memref<100096x8xf32, #tpu.memory_space<vmem_shared>>) offsets(%dma_start3A_252 : memref<128xi32, #tpu.memory_space<vmem>>) semaphore(%arg30 : memref<!tpu.dma_semaphore, #tpu.memory_space<semaphore_mem>>) {add = true}
        %scan3A_256 = arith.constant 0 : i32
        scf.yield %scan3A_256 : i32
      }
      %scan3A_226 = arith.constant 16 : i32
      %scan3A_227 = arith.constant 0 : i32
      %scan3A_228 = arith.constant 0 : i32
      %scan3A_229 = arith.constant 16 : i32
      %scan3A_230 = arith.addi %scan3A_228, %scan3A_229 : i32
      %scan3A_231 = arith.constant 1 : i32
      %scan3A_232 = scf.for %scan3A_245 = %scan3A_228 to %scan3A_230 step %scan3A_231 iter_args(%scan3A_246 = %scan3A_227) -> (i32)  : i32 {
        %mul3A_247 = arith.constant 128 : i32
        %mul3A_248 = arith.muli %scan3A_245, %mul3A_247 : i32
        %dma_start3A = tpu.memref_slice %arg20[%mul3A_248] : memref<2048xf32, #tpu.memory_space<vmem>> -> memref<128xf32, #tpu.memory_space<vmem>>
        %dma_start3A_249 = arith.constant 0 : i32
        %dma_start3A_250 = tpu.memref_slice %arg17[%scan3A_245, %dma_start3A_249] : memref<16x128xi32, #tpu.memory_space<vmem>> -> memref<1x128xi32, #tpu.memory_space<vmem>>
        %dma_start3A_251 = tpu.memref_squeeze %dma_start3A_250 : memref<1x128xi32, #tpu.memory_space<vmem>> -> memref<128xi32, #tpu.memory_space<vmem>>
        %dma_start3A_252 = arith.constant 0 : i32
        %dma_start3A_253 = tpu.memref_slice %arg27[%dma_start3A_252] : memref<100096xf32, #tpu.memory_space<vmem_shared>> -> memref<100096xf32, #tpu.memory_space<vmem_shared>>
        tpu.enqueue_indirect_dma source(%dma_start3A : memref<128xf32, #tpu.memory_space<vmem>>) target(%dma_start3A_253 : memref<100096xf32, #tpu.memory_space<vmem_shared>>) offsets(%dma_start3A_251 : memref<128xi32, #tpu.memory_space<vmem>>) semaphore(%arg30 : memref<!tpu.dma_semaphore, #tpu.memory_space<semaphore_mem>>) {add = true}
        %scan3A_254 = arith.constant 0 : i32
        scf.yield %scan3A_254 : i32
      }
      %scan3A_233 = arith.constant 16 : i32
      %dma_wait3A_234 = arith.constant 0 : i32
      %dma_wait3A_235 = arith.constant 0 : i32
      %dma_wait3A_236 = tpu.memref_slice %arg6[%dma_wait3A_234, %dma_wait3A_235] : memref<100000x8xf32, #tpu.memory_space<hbm>> -> memref<2048x8xf32, #tpu.memory_space<hbm>>
      %dma_wait3A_237 = arith.constant 0 : i32
      %dma_wait3A_238 = arith.constant 0 : i32
      %dma_wait3A_239 = tpu.memref_slice %arg6[%dma_wait3A_237, %dma_wait3A_238] : memref<100000x8xf32, #tpu.memory_space<hbm>> -> memref<2048x8xf32, #tpu.memory_space<hbm>>
      tpu.wait_dma2 semaphore(%arg30 : memref<!tpu.dma_semaphore, #tpu.memory_space<semaphore_mem>>) src(%dma_wait3A_239 : memref<2048x8xf32, #tpu.memory_space<hbm>>) dst(%arg21 : memref<2048x8xf32, #tpu.memory_space<vmem>>)
      %dma_wait3A_240 = arith.constant 0 : i32
      %dma_wait3A_241 = tpu.memref_slice %arg4[%dma_wait3A_240] : memref<100096xf32, #tpu.memory_space<hbm>> -> memref<2048xf32, #tpu.memory_space<hbm>>
      %dma_wait3A_242 = arith.constant 0 : i32
      %dma_wait3A_243 = tpu.memref_slice %arg4[%dma_wait3A_242] : memref<100096xf32, #tpu.memory_space<hbm>> -> memref<2048xf32, #tpu.memory_space<hbm>>
      tpu.wait_dma2 semaphore(%arg30 : memref<!tpu.dma_semaphore, #tpu.memory_space<semaphore_mem>>) src(%dma_wait3A_243 : memref<2048xf32, #tpu.memory_space<hbm>>) dst(%arg20 : memref<2048xf32, #tpu.memory_space<vmem>>)
      %scan3A_244 = arith.constant 0 : i32
      scf.yield %scan3A_244 : i32
    }
    %scan3A_70 = arith.constant 25 : i32
    %barrier3A_71 = arith.constant 0 : index
    tpu.barrier barrier_id(%barrier3A_71)
    %add3A_72 = arith.constant 0 : i32
    %add3A_73 = arith.addi %mul3A_2, %add3A_72 : i32
    "tpu.region"() ({
      %run_scoped3A = tpu.sem_alloc : memref<!tpu.dma_semaphore, #tpu.memory_space<semaphore_mem>>
      %dma_start3A = arith.constant 0 : i32
      %dma_start3A_167 = tpu.memref_slice %arg26[%add3A_73, %dma_start3A] : memref<100096x8xf32, #tpu.memory_space<vmem_shared>> -> memref<3128x8xf32, #tpu.memory_space<vmem_shared>>
      %dma_start3A_168 = arith.constant 0 : i32
      %dma_start3A_169 = tpu.memref_slice %arg26[%add3A_73, %dma_start3A_168] : memref<100096x8xf32, #tpu.memory_space<vmem_shared>> -> memref<3128x8xf32, #tpu.memory_space<vmem_shared>>
      tpu.enqueue_dma source(%dma_start3A_169 : memref<3128x8xf32, #tpu.memory_space<vmem_shared>>) target(%arg22 : memref<3128x8xf32, #tpu.memory_space<vmem>>) target_semaphore(%run_scoped3A : memref<!tpu.dma_semaphore, #tpu.memory_space<semaphore_mem>>)
      %dma_wait3A = arith.constant 0 : i32
      %dma_wait3A_170 = tpu.memref_slice %arg26[%add3A_73, %dma_wait3A] : memref<100096x8xf32, #tpu.memory_space<vmem_shared>> -> memref<3128x8xf32, #tpu.memory_space<vmem_shared>>
      %dma_wait3A_171 = arith.constant 0 : i32
      %dma_wait3A_172 = tpu.memref_slice %arg26[%add3A_73, %dma_wait3A_171] : memref<100096x8xf32, #tpu.memory_space<vmem_shared>> -> memref<3128x8xf32, #tpu.memory_space<vmem_shared>>
      tpu.wait_dma2 semaphore(%run_scoped3A : memref<!tpu.dma_semaphore, #tpu.memory_space<semaphore_mem>>) src(%dma_wait3A_172 : memref<3128x8xf32, #tpu.memory_space<vmem_shared>>) dst(%arg22 : memref<3128x8xf32, #tpu.memory_space<vmem>>)
      tpu.yield
    }) : () -> ()
    %add3A_74 = arith.constant 0 : i32
    %add3A_75 = arith.addi %mul3A_2, %add3A_74 : i32
    "tpu.region"() ({
      %run_scoped3A = tpu.sem_alloc : memref<!tpu.dma_semaphore, #tpu.memory_space<semaphore_mem>>
      %dma_start3A = arith.constant 0 : i32
      %dma_start3A_167 = tpu.memref_slice %arg10[%arg0, %add3A_75, %dma_start3A] : memref<2x100096x8xf32, #tpu.memory_space<hbm>> -> memref<1x3128x8xf32, #tpu.memory_space<hbm>>
      %dma_start3A_168 = tpu.memref_squeeze %dma_start3A_167 : memref<1x3128x8xf32, #tpu.memory_space<hbm>> -> memref<3128x8xf32, #tpu.memory_space<hbm>>
      %dma_start3A_169 = arith.constant 0 : i32
      %dma_start3A_170 = tpu.memref_slice %arg10[%arg0, %add3A_75, %dma_start3A_169] : memref<2x100096x8xf32, #tpu.memory_space<hbm>> -> memref<1x3128x8xf32, #tpu.memory_space<hbm>>
      %dma_start3A_171 = tpu.memref_squeeze %dma_start3A_170 : memref<1x3128x8xf32, #tpu.memory_space<hbm>> -> memref<3128x8xf32, #tpu.memory_space<hbm>>
      tpu.enqueue_dma source(%arg22 : memref<3128x8xf32, #tpu.memory_space<vmem>>) target(%dma_start3A_171 : memref<3128x8xf32, #tpu.memory_space<hbm>>) target_semaphore(%run_scoped3A : memref<!tpu.dma_semaphore, #tpu.memory_space<semaphore_mem>>)
      %dma_wait3A = arith.constant 0 : i32
      %dma_wait3A_172 = tpu.memref_slice %arg10[%arg0, %add3A_75, %dma_wait3A] : memref<2x100096x8xf32, #tpu.memory_space<hbm>> -> memref<1x3128x8xf32, #tpu.memory_space<hbm>>
      %dma_wait3A_173 = tpu.memref_squeeze %dma_wait3A_172 : memref<1x3128x8xf32, #tpu.memory_space<hbm>> -> memref<3128x8xf32, #tpu.memory_space<hbm>>
      %dma_wait3A_174 = arith.constant 0 : i32
      %dma_wait3A_175 = tpu.memref_slice %arg10[%arg0, %add3A_75, %dma_wait3A_174] : memref<2x100096x8xf32, #tpu.memory_space<hbm>> -> memref<1x3128x8xf32, #tpu.memory_space<hbm>>
      %dma_wait3A_176 = tpu.memref_squeeze %dma_wait3A_175 : memref<1x3128x8xf32, #tpu.memory_space<hbm>> -> memref<3128x8xf32, #tpu.memory_space<hbm>>
      tpu.wait_dma2 semaphore(%run_scoped3A : memref<!tpu.dma_semaphore, #tpu.memory_space<semaphore_mem>>) src(%arg22 : memref<3128x8xf32, #tpu.memory_space<vmem>>) dst(%dma_wait3A_176 : memref<3128x8xf32, #tpu.memory_space<hbm>>)
      tpu.yield
    }) : () -> ()
    %add3A_76 = arith.constant 3128 : i32
    %add3A_77 = arith.addi %mul3A_2, %add3A_76 : i32
    "tpu.region"() ({
      %run_scoped3A = tpu.sem_alloc : memref<!tpu.dma_semaphore, #tpu.memory_space<semaphore_mem>>
      %dma_start3A = arith.constant 0 : i32
      %dma_start3A_167 = tpu.memref_slice %arg26[%add3A_77, %dma_start3A] : memref<100096x8xf32, #tpu.memory_space<vmem_shared>> -> memref<3128x8xf32, #tpu.memory_space<vmem_shared>>
      %dma_start3A_168 = arith.constant 0 : i32
      %dma_start3A_169 = tpu.memref_slice %arg26[%add3A_77, %dma_start3A_168] : memref<100096x8xf32, #tpu.memory_space<vmem_shared>> -> memref<3128x8xf32, #tpu.memory_space<vmem_shared>>
      tpu.enqueue_dma source(%dma_start3A_169 : memref<3128x8xf32, #tpu.memory_space<vmem_shared>>) target(%arg22 : memref<3128x8xf32, #tpu.memory_space<vmem>>) target_semaphore(%run_scoped3A : memref<!tpu.dma_semaphore, #tpu.memory_space<semaphore_mem>>)
      %dma_wait3A = arith.constant 0 : i32
      %dma_wait3A_170 = tpu.memref_slice %arg26[%add3A_77, %dma_wait3A] : memref<100096x8xf32, #tpu.memory_space<vmem_shared>> -> memref<3128x8xf32, #tpu.memory_space<vmem_shared>>
      %dma_wait3A_171 = arith.constant 0 : i32
      %dma_wait3A_172 = tpu.memref_slice %arg26[%add3A_77, %dma_wait3A_171] : memref<100096x8xf32, #tpu.memory_space<vmem_shared>> -> memref<3128x8xf32, #tpu.memory_space<vmem_shared>>
      tpu.wait_dma2 semaphore(%run_scoped3A : memref<!tpu.dma_semaphore, #tpu.memory_space<semaphore_mem>>) src(%dma_wait3A_172 : memref<3128x8xf32, #tpu.memory_space<vmem_shared>>) dst(%arg22 : memref<3128x8xf32, #tpu.memory_space<vmem>>)
      tpu.yield
    }) : () -> ()
    %add3A_78 = arith.constant 3128 : i32
    %add3A_79 = arith.addi %mul3A_2, %add3A_78 : i32
    "tpu.region"() ({
      %run_scoped3A = tpu.sem_alloc : memref<!tpu.dma_semaphore, #tpu.memory_space<semaphore_mem>>
      %dma_start3A = arith.constant 0 : i32
      %dma_start3A_167 = tpu.memref_slice %arg10[%arg0, %add3A_79, %dma_start3A] : memref<2x100096x8xf32, #tpu.memory_space<hbm>> -> memref<1x3128x8xf32, #tpu.memory_space<hbm>>
      %dma_start3A_168 = tpu.memref_squeeze %dma_start3A_167 : memref<1x3128x8xf32, #tpu.memory_space<hbm>> -> memref<3128x8xf32, #tpu.memory_space<hbm>>
      %dma_start3A_169 = arith.constant 0 : i32
      %dma_start3A_170 = tpu.memref_slice %arg10[%arg0, %add3A_79, %dma_start3A_169] : memref<2x100096x8xf32, #tpu.memory_space<hbm>> -> memref<1x3128x8xf32, #tpu.memory_space<hbm>>
      %dma_start3A_171 = tpu.memref_squeeze %dma_start3A_170 : memref<1x3128x8xf32, #tpu.memory_space<hbm>> -> memref<3128x8xf32, #tpu.memory_space<hbm>>
      tpu.enqueue_dma source(%arg22 : memref<3128x8xf32, #tpu.memory_space<vmem>>) target(%dma_start3A_171 : memref<3128x8xf32, #tpu.memory_space<hbm>>) target_semaphore(%run_scoped3A : memref<!tpu.dma_semaphore, #tpu.memory_space<semaphore_mem>>)
      %dma_wait3A = arith.constant 0 : i32
      %dma_wait3A_172 = tpu.memref_slice %arg10[%arg0, %add3A_79, %dma_wait3A] : memref<2x100096x8xf32, #tpu.memory_space<hbm>> -> memref<1x3128x8xf32, #tpu.memory_space<hbm>>
      %dma_wait3A_173 = tpu.memref_squeeze %dma_wait3A_172 : memref<1x3128x8xf32, #tpu.memory_space<hbm>> -> memref<3128x8xf32, #tpu.memory_space<hbm>>
      %dma_wait3A_174 = arith.constant 0 : i32
      %dma_wait3A_175 = tpu.memref_slice %arg10[%arg0, %add3A_79, %dma_wait3A_174] : memref<2x100096x8xf32, #tpu.memory_space<hbm>> -> memref<1x3128x8xf32, #tpu.memory_space<hbm>>
      %dma_wait3A_176 = tpu.memref_squeeze %dma_wait3A_175 : memref<1x3128x8xf32, #tpu.memory_space<hbm>> -> memref<3128x8xf32, #tpu.memory_space<hbm>>
      tpu.wait_dma2 semaphore(%run_scoped3A : memref<!tpu.dma_semaphore, #tpu.memory_space<semaphore_mem>>) src(%arg22 : memref<3128x8xf32, #tpu.memory_space<vmem>>) dst(%dma_wait3A_176 : memref<3128x8xf32, #tpu.memory_space<hbm>>)
      tpu.yield
    }) : () -> ()
    %scan3A_80 = arith.constant 0 : i32
    %scan3A_81 = arith.constant 0 : i32
    %scan3A_82 = arith.constant 1564 : i32
    %scan3A_83 = arith.addi %scan3A_81, %scan3A_82 : i32
    %scan3A_84 = arith.constant 1 : i32
    %scan3A_85 = scf.for %scan3A_167 = %scan3A_81 to %scan3A_83 step %scan3A_84 iter_args(%scan3A_168 = %scan3A_80) -> (i32)  : i32 {
      %mul3A_169 = arith.constant 2 : i32
      %mul3A_170 = arith.muli %mul3A_169, %scan3A_167 : i32
      %add3A_171 = vector.broadcast %mul3A_170 : i32 to vector<16xi32>
      %add3A_172 = arith.addi %add3A_171, %select_n3A : vector<16xi32>
      tpu.vector_store_idx %arg22[%add3A_172, %select_n3A_45], %broadcast_in_dim3A_46 : memref<3128x8xf32, #tpu.memory_space<vmem>>[vector<16xi32>, vector<16xi32>], vector<16xf32>,
      %scan3A_173 = arith.constant 0 : i32
      scf.yield %scan3A_173 : i32
    }
    %scan3A_86 = arith.constant 1564 : i32
    %add3A_87 = arith.constant 0 : i32
    %add3A_88 = arith.addi %mul3A_2, %add3A_87 : i32
    "tpu.region"() ({
      %run_scoped3A = tpu.sem_alloc : memref<!tpu.dma_semaphore, #tpu.memory_space<semaphore_mem>>
      %dma_start3A = arith.constant 0 : i32
      %dma_start3A_167 = tpu.memref_slice %arg26[%add3A_88, %dma_start3A] : memref<100096x8xf32, #tpu.memory_space<vmem_shared>> -> memref<3128x8xf32, #tpu.memory_space<vmem_shared>>
      %dma_start3A_168 = arith.constant 0 : i32
      %dma_start3A_169 = tpu.memref_slice %arg26[%add3A_88, %dma_start3A_168] : memref<100096x8xf32, #tpu.memory_space<vmem_shared>> -> memref<3128x8xf32, #tpu.memory_space<vmem_shared>>
      tpu.enqueue_dma source(%arg22 : memref<3128x8xf32, #tpu.memory_space<vmem>>) target(%dma_start3A_169 : memref<3128x8xf32, #tpu.memory_space<vmem_shared>>) target_semaphore(%run_scoped3A : memref<!tpu.dma_semaphore, #tpu.memory_space<semaphore_mem>>)
      %dma_wait3A = arith.constant 0 : i32
      %dma_wait3A_170 = tpu.memref_slice %arg26[%add3A_88, %dma_wait3A] : memref<100096x8xf32, #tpu.memory_space<vmem_shared>> -> memref<3128x8xf32, #tpu.memory_space<vmem_shared>>
      %dma_wait3A_171 = arith.constant 0 : i32
      %dma_wait3A_172 = tpu.memref_slice %arg26[%add3A_88, %dma_wait3A_171] : memref<100096x8xf32, #tpu.memory_space<vmem_shared>> -> memref<3128x8xf32, #tpu.memory_space<vmem_shared>>
      tpu.wait_dma2 semaphore(%run_scoped3A : memref<!tpu.dma_semaphore, #tpu.memory_space<semaphore_mem>>) src(%arg22 : memref<3128x8xf32, #tpu.memory_space<vmem>>) dst(%dma_wait3A_172 : memref<3128x8xf32, #tpu.memory_space<vmem_shared>>)
      tpu.yield
    }) : () -> ()
    %add3A_89 = arith.constant 3128 : i32
    %add3A_90 = arith.addi %mul3A_2, %add3A_89 : i32
    "tpu.region"() ({
      %run_scoped3A = tpu.sem_alloc : memref<!tpu.dma_semaphore, #tpu.memory_space<semaphore_mem>>
      %dma_start3A = arith.constant 0 : i32
      %dma_start3A_167 = tpu.memref_slice %arg26[%add3A_90, %dma_start3A] : memref<100096x8xf32, #tpu.memory_space<vmem_shared>> -> memref<3128x8xf32, #tpu.memory_space<vmem_shared>>
      %dma_start3A_168 = arith.constant 0 : i32
      %dma_start3A_169 = tpu.memref_slice %arg26[%add3A_90, %dma_start3A_168] : memref<100096x8xf32, #tpu.memory_space<vmem_shared>> -> memref<3128x8xf32, #tpu.memory_space<vmem_shared>>
      tpu.enqueue_dma source(%arg22 : memref<3128x8xf32, #tpu.memory_space<vmem>>) target(%dma_start3A_169 : memref<3128x8xf32, #tpu.memory_space<vmem_shared>>) target_semaphore(%run_scoped3A : memref<!tpu.dma_semaphore, #tpu.memory_space<semaphore_mem>>)
      %dma_wait3A = arith.constant 0 : i32
      %dma_wait3A_170 = tpu.memref_slice %arg26[%add3A_90, %dma_wait3A] : memref<100096x8xf32, #tpu.memory_space<vmem_shared>> -> memref<3128x8xf32, #tpu.memory_space<vmem_shared>>
      %dma_wait3A_171 = arith.constant 0 : i32
      %dma_wait3A_172 = tpu.memref_slice %arg26[%add3A_90, %dma_wait3A_171] : memref<100096x8xf32, #tpu.memory_space<vmem_shared>> -> memref<3128x8xf32, #tpu.memory_space<vmem_shared>>
      tpu.wait_dma2 semaphore(%run_scoped3A : memref<!tpu.dma_semaphore, #tpu.memory_space<semaphore_mem>>) src(%arg22 : memref<3128x8xf32, #tpu.memory_space<vmem>>) dst(%dma_wait3A_172 : memref<3128x8xf32, #tpu.memory_space<vmem_shared>>)
      tpu.yield
    }) : () -> ()
    %barrier3A_91 = arith.constant 0 : index
    tpu.barrier barrier_id(%barrier3A_91)
    %scan3A_92 = arith.constant 0 : i32
    %scan3A_93 = arith.constant 0 : i32
    %scan3A_94 = arith.constant 25 : i32
    %scan3A_95 = arith.addi %scan3A_93, %scan3A_94 : i32
    %scan3A_96 = arith.constant 1 : i32
    %scan3A_97 = scf.for %scan3A_167 = %scan3A_93 to %scan3A_95 step %scan3A_96 iter_args(%scan3A_168 = %scan3A_92) -> (i32)  : i32 {
      %mul3A_169 = arith.constant 400 : i32
      %mul3A_170 = arith.muli %add3A, %mul3A_169 : i32
      %mul3A_171 = arith.constant 16 : i32
      %mul3A_172 = arith.muli %scan3A_167, %mul3A_171 : i32
      %add3A_173 = arith.addi %mul3A_170, %mul3A_172 : i32
      %mul3A_174 = arith.constant 51200 : i32
      %mul3A_175 = arith.muli %add3A, %mul3A_174 : i32
      %mul3A_176 = arith.constant 2048 : i32
      %mul3A_177 = arith.muli %scan3A_167, %mul3A_176 : i32
      %add3A_178 = arith.addi %mul3A_175, %mul3A_177 : i32
      "tpu.region"() ({
        %run_scoped3A = tpu.sem_alloc : memref<!tpu.dma_semaphore, #tpu.memory_space<semaphore_mem>>
        %dma_start3A = arith.constant 0 : i32
        %dma_start3A_212 = tpu.memref_slice %arg2[%add3A_173, %dma_start3A] : memref<12800x128xi32, #tpu.memory_space<hbm>> -> memref<16x128xi32, #tpu.memory_space<hbm>>
        %dma_start3A_213 = arith.constant 0 : i32
        %dma_start3A_214 = tpu.memref_slice %arg2[%add3A_173, %dma_start3A_213] : memref<12800x128xi32, #tpu.memory_space<hbm>> -> memref<16x128xi32, #tpu.memory_space<hbm>>
        tpu.enqueue_dma source(%dma_start3A_214 : memref<16x128xi32, #tpu.memory_space<hbm>>) target(%arg16 : memref<16x128xi32, #tpu.memory_space<vmem>>) target_semaphore(%run_scoped3A : memref<!tpu.dma_semaphore, #tpu.memory_space<semaphore_mem>>)
        %dma_wait3A_215 = arith.constant 0 : i32
        %dma_wait3A_216 = tpu.memref_slice %arg2[%add3A_173, %dma_wait3A_215] : memref<12800x128xi32, #tpu.memory_space<hbm>> -> memref<16x128xi32, #tpu.memory_space<hbm>>
        %dma_wait3A_217 = arith.constant 0 : i32
        %dma_wait3A_218 = tpu.memref_slice %arg2[%add3A_173, %dma_wait3A_217] : memref<12800x128xi32, #tpu.memory_space<hbm>> -> memref<16x128xi32, #tpu.memory_space<hbm>>
        tpu.wait_dma2 semaphore(%run_scoped3A : memref<!tpu.dma_semaphore, #tpu.memory_space<semaphore_mem>>) src(%dma_wait3A_218 : memref<16x128xi32, #tpu.memory_space<hbm>>) dst(%arg16 : memref<16x128xi32, #tpu.memory_space<vmem>>)
        tpu.yield
      }) : () -> ()
      "tpu.region"() ({
        %run_scoped3A = tpu.sem_alloc : memref<!tpu.dma_semaphore, #tpu.memory_space<semaphore_mem>>
        %dma_start3A = arith.constant 0 : i32
        %dma_start3A_212 = tpu.memref_slice %arg3[%add3A_173, %dma_start3A] : memref<12800x128xi32, #tpu.memory_space<hbm>> -> memref<16x128xi32, #tpu.memory_space<hbm>>
        %dma_start3A_213 = arith.constant 0 : i32
        %dma_start3A_214 = tpu.memref_slice %arg3[%add3A_173, %dma_start3A_213] : memref<12800x128xi32, #tpu.memory_space<hbm>> -> memref<16x128xi32, #tpu.memory_space<hbm>>
        tpu.enqueue_dma source(%dma_start3A_214 : memref<16x128xi32, #tpu.memory_space<hbm>>) target(%arg17 : memref<16x128xi32, #tpu.memory_space<vmem>>) target_semaphore(%run_scoped3A : memref<!tpu.dma_semaphore, #tpu.memory_space<semaphore_mem>>)
        %dma_wait3A_215 = arith.constant 0 : i32
        %dma_wait3A_216 = tpu.memref_slice %arg3[%add3A_173, %dma_wait3A_215] : memref<12800x128xi32, #tpu.memory_space<hbm>> -> memref<16x128xi32, #tpu.memory_space<hbm>>
        %dma_wait3A_217 = arith.constant 0 : i32
        %dma_wait3A_218 = tpu.memref_slice %arg3[%add3A_173, %dma_wait3A_217] : memref<12800x128xi32, #tpu.memory_space<hbm>> -> memref<16x128xi32, #tpu.memory_space<hbm>>
        tpu.wait_dma2 semaphore(%run_scoped3A : memref<!tpu.dma_semaphore, #tpu.memory_space<semaphore_mem>>) src(%dma_wait3A_218 : memref<16x128xi32, #tpu.memory_space<hbm>>) dst(%arg17 : memref<16x128xi32, #tpu.memory_space<vmem>>)
        tpu.yield
      }) : () -> ()
      "tpu.region"() ({
        %run_scoped3A = tpu.sem_alloc : memref<!tpu.dma_semaphore, #tpu.memory_space<semaphore_mem>>
        %dma_start3A = tpu.memref_slice %arg15[%add3A_178] : memref<1638400xf32, #tpu.memory_space<hbm>> -> memref<2048xf32, #tpu.memory_space<hbm>>
        %dma_start3A_212 = tpu.memref_slice %arg15[%add3A_178] : memref<1638400xf32, #tpu.memory_space<hbm>> -> memref<2048xf32, #tpu.memory_space<hbm>>
        tpu.enqueue_dma source(%dma_start3A_212 : memref<2048xf32, #tpu.memory_space<hbm>>) target(%arg20 : memref<2048xf32, #tpu.memory_space<vmem>>) target_semaphore(%run_scoped3A : memref<!tpu.dma_semaphore, #tpu.memory_space<semaphore_mem>>)
        %dma_wait3A_213 = tpu.memref_slice %arg15[%add3A_178] : memref<1638400xf32, #tpu.memory_space<hbm>> -> memref<2048xf32, #tpu.memory_space<hbm>>
        %dma_wait3A_214 = tpu.memref_slice %arg15[%add3A_178] : memref<1638400xf32, #tpu.memory_space<hbm>> -> memref<2048xf32, #tpu.memory_space<hbm>>
        tpu.wait_dma2 semaphore(%run_scoped3A : memref<!tpu.dma_semaphore, #tpu.memory_space<semaphore_mem>>) src(%dma_wait3A_214 : memref<2048xf32, #tpu.memory_space<hbm>>) dst(%arg20 : memref<2048xf32, #tpu.memory_space<vmem>>)
        tpu.yield
      }) : () -> ()
      %scan3A_179 = arith.constant 0 : i32
      %scan3A_180 = arith.constant 0 : i32
      %scan3A_181 = arith.constant 16 : i32
      %scan3A_182 = arith.addi %scan3A_180, %scan3A_181 : i32
      %scan3A_183 = arith.constant 1 : i32
      %scan3A_184 = scf.for %scan3A_212 = %scan3A_180 to %scan3A_182 step %scan3A_183 iter_args(%scan3A_213 = %scan3A_179) -> (i32)  : i32 {
        %mul3A_214 = arith.constant 128 : i32
        %mul3A_215 = arith.muli %scan3A_212, %mul3A_214 : i32
        %dma_start3A = arith.constant 0 : i32
        %dma_start3A_216 = tpu.memref_slice %arg21[%mul3A_215, %dma_start3A] : memref<2048x8xf32, #tpu.memory_space<vmem>> -> memref<128x8xf32, #tpu.memory_space<vmem>>
        %dma_start3A_217 = arith.constant 0 : i32
        %dma_start3A_218 = tpu.memref_slice %arg16[%scan3A_212, %dma_start3A_217] : memref<16x128xi32, #tpu.memory_space<vmem>> -> memref<1x128xi32, #tpu.memory_space<vmem>>
        %dma_start3A_219 = tpu.memref_squeeze %dma_start3A_218 : memref<1x128xi32, #tpu.memory_space<vmem>> -> memref<128xi32, #tpu.memory_space<vmem>>
        %dma_start3A_220 = arith.constant 0 : i32
        %dma_start3A_221 = arith.constant 0 : i32
        %dma_start3A_222 = tpu.memref_slice %arg7[%dma_start3A_220, %dma_start3A_221] : memref<100000x8xf32, #tpu.memory_space<hbm>> -> memref<100000x8xf32, #tpu.memory_space<hbm>>
        tpu.enqueue_indirect_dma source(%dma_start3A_222 : memref<100000x8xf32, #tpu.memory_space<hbm>>) target(%dma_start3A_216 : memref<128x8xf32, #tpu.memory_space<vmem>>) offsets(%dma_start3A_219 : memref<128xi32, #tpu.memory_space<vmem>>) semaphore(%arg29 : memref<!tpu.dma_semaphore, #tpu.memory_space<semaphore_mem>>)
        %scan3A_223 = arith.constant 0 : i32
        scf.yield %scan3A_223 : i32
      }
      %scan3A_185 = arith.constant 16 : i32
      %dma_wait3A = arith.constant 0 : i32
      %dma_wait3A_186 = arith.constant 0 : i32
      %dma_wait3A_187 = tpu.memref_slice %arg6[%dma_wait3A, %dma_wait3A_186] : memref<100000x8xf32, #tpu.memory_space<hbm>> -> memref<2048x8xf32, #tpu.memory_space<hbm>>
      %dma_wait3A_188 = arith.constant 0 : i32
      %dma_wait3A_189 = arith.constant 0 : i32
      %dma_wait3A_190 = tpu.memref_slice %arg6[%dma_wait3A_188, %dma_wait3A_189] : memref<100000x8xf32, #tpu.memory_space<hbm>> -> memref<2048x8xf32, #tpu.memory_space<hbm>>
      tpu.wait_dma2 semaphore(%arg29 : memref<!tpu.dma_semaphore, #tpu.memory_space<semaphore_mem>>) src(%dma_wait3A_190 : memref<2048x8xf32, #tpu.memory_space<hbm>>) dst(%arg21 : memref<2048x8xf32, #tpu.memory_space<vmem>>)
      %scan3A_191 = arith.constant 0 : i32
      %scan3A_192 = arith.constant 0 : i32
      %scan3A_193 = arith.constant 1024 : i32
      %scan3A_194 = arith.addi %scan3A_192, %scan3A_193 : i32
      %scan3A_195 = arith.constant 1 : i32
      %scan3A_196 = scf.for %scan3A_212 = %scan3A_192 to %scan3A_194 step %scan3A_195 iter_args(%scan3A_213 = %scan3A_191) -> (i32)  : i32 {
        %mul3A_214 = arith.constant 2 : i32
        %mul3A_215 = arith.muli %mul3A_214, %scan3A_212 : i32
        %add3A_216 = vector.broadcast %mul3A_215 : i32 to vector<16xi32>
        %add3A_217 = arith.addi %add3A_216, %select_n3A : vector<16xi32>
        %gather3A = tpu.vector_load_idx %arg20[%add3A_217] : memref<2048xf32, #tpu.memory_space<vmem>>[vector<16xi32>], vector<16xf32>,
        %gather3A_218 = tpu.vector_load_idx %arg21[%add3A_217, %select_n3A_45] : memref<2048x8xf32, #tpu.memory_space<vmem>>[vector<16xi32>, vector<16xi32>], vector<16xf32>,
        %mul3A_219 = arith.mulf %gather3A_218, %gather3A : vector<16xf32>
        tpu.vector_store_idx %arg21[%add3A_217, %select_n3A_45], %mul3A_219 : memref<2048x8xf32, #tpu.memory_space<vmem>>[vector<16xi32>, vector<16xi32>], vector<16xf32>,
        %scan3A_220 = arith.constant 0 : i32
        scf.yield %scan3A_220 : i32
      }
      %scan3A_197 = arith.constant 1024 : i32
      %scan3A_198 = arith.constant 0 : i32
      %scan3A_199 = arith.constant 0 : i32
      %scan3A_200 = arith.constant 16 : i32
      %scan3A_201 = arith.addi %scan3A_199, %scan3A_200 : i32
      %scan3A_202 = arith.constant 1 : i32
      %scan3A_203 = scf.for %scan3A_212 = %scan3A_199 to %scan3A_201 step %scan3A_202 iter_args(%scan3A_213 = %scan3A_198) -> (i32)  : i32 {
        %mul3A_214 = arith.constant 128 : i32
        %mul3A_215 = arith.muli %scan3A_212, %mul3A_214 : i32
        %dma_start3A = arith.constant 0 : i32
        %dma_start3A_216 = tpu.memref_slice %arg21[%mul3A_215, %dma_start3A] : memref<2048x8xf32, #tpu.memory_space<vmem>> -> memref<128x8xf32, #tpu.memory_space<vmem>>
        %dma_start3A_217 = arith.constant 0 : i32
        %dma_start3A_218 = tpu.memref_slice %arg17[%scan3A_212, %dma_start3A_217] : memref<16x128xi32, #tpu.memory_space<vmem>> -> memref<1x128xi32, #tpu.memory_space<vmem>>
        %dma_start3A_219 = tpu.memref_squeeze %dma_start3A_218 : memref<1x128xi32, #tpu.memory_space<vmem>> -> memref<128xi32, #tpu.memory_space<vmem>>
        %dma_start3A_220 = arith.constant 0 : i32
        %dma_start3A_221 = arith.constant 0 : i32
        %dma_start3A_222 = tpu.memref_slice %arg26[%dma_start3A_220, %dma_start3A_221] : memref<100096x8xf32, #tpu.memory_space<vmem_shared>> -> memref<100096x8xf32, #tpu.memory_space<vmem_shared>>
        tpu.enqueue_indirect_dma source(%dma_start3A_216 : memref<128x8xf32, #tpu.memory_space<vmem>>) target(%dma_start3A_222 : memref<100096x8xf32, #tpu.memory_space<vmem_shared>>) offsets(%dma_start3A_219 : memref<128xi32, #tpu.memory_space<vmem>>) semaphore(%arg30 : memref<!tpu.dma_semaphore, #tpu.memory_space<semaphore_mem>>) {add = true}
        %scan3A_223 = arith.constant 0 : i32
        scf.yield %scan3A_223 : i32
      }
      %scan3A_204 = arith.constant 16 : i32
      %dma_wait3A_205 = arith.constant 0 : i32
      %dma_wait3A_206 = arith.constant 0 : i32
      %dma_wait3A_207 = tpu.memref_slice %arg6[%dma_wait3A_205, %dma_wait3A_206] : memref<100000x8xf32, #tpu.memory_space<hbm>> -> memref<2048x8xf32, #tpu.memory_space<hbm>>
      %dma_wait3A_208 = arith.constant 0 : i32
      %dma_wait3A_209 = arith.constant 0 : i32
      %dma_wait3A_210 = tpu.memref_slice %arg6[%dma_wait3A_208, %dma_wait3A_209] : memref<100000x8xf32, #tpu.memory_space<hbm>> -> memref<2048x8xf32, #tpu.memory_space<hbm>>
      tpu.wait_dma2 semaphore(%arg30 : memref<!tpu.dma_semaphore, #tpu.memory_space<semaphore_mem>>) src(%dma_wait3A_210 : memref<2048x8xf32, #tpu.memory_space<hbm>>) dst(%arg21 : memref<2048x8xf32, #tpu.memory_space<vmem>>)
      %scan3A_211 = arith.constant 0 : i32
      scf.yield %scan3A_211 : i32
    }
    %scan3A_98 = arith.constant 25 : i32
    %barrier3A_99 = arith.constant 0 : index
    tpu.barrier barrier_id(%barrier3A_99)
    %add3A_100 = arith.constant 0 : i32
    %add3A_101 = arith.addi %mul3A_2, %add3A_100 : i32
    "tpu.region"() ({
      %run_scoped3A = tpu.sem_alloc : memref<!tpu.dma_semaphore, #tpu.memory_space<semaphore_mem>>
      %dma_start3A = arith.constant 0 : i32
      %dma_start3A_167 = tpu.memref_slice %arg26[%add3A_101, %dma_start3A] : memref<100096x8xf32, #tpu.memory_space<vmem_shared>> -> memref<3128x8xf32, #tpu.memory_space<vmem_shared>>
      %dma_start3A_168 = arith.constant 0 : i32
      %dma_start3A_169 = tpu.memref_slice %arg26[%add3A_101, %dma_start3A_168] : memref<100096x8xf32, #tpu.memory_space<vmem_shared>> -> memref<3128x8xf32, #tpu.memory_space<vmem_shared>>
      tpu.enqueue_dma source(%dma_start3A_169 : memref<3128x8xf32, #tpu.memory_space<vmem_shared>>) target(%arg22 : memref<3128x8xf32, #tpu.memory_space<vmem>>) target_semaphore(%run_scoped3A : memref<!tpu.dma_semaphore, #tpu.memory_space<semaphore_mem>>)
      %dma_wait3A = arith.constant 0 : i32
      %dma_wait3A_170 = tpu.memref_slice %arg26[%add3A_101, %dma_wait3A] : memref<100096x8xf32, #tpu.memory_space<vmem_shared>> -> memref<3128x8xf32, #tpu.memory_space<vmem_shared>>
      %dma_wait3A_171 = arith.constant 0 : i32
      %dma_wait3A_172 = tpu.memref_slice %arg26[%add3A_101, %dma_wait3A_171] : memref<100096x8xf32, #tpu.memory_space<vmem_shared>> -> memref<3128x8xf32, #tpu.memory_space<vmem_shared>>
      tpu.wait_dma2 semaphore(%run_scoped3A : memref<!tpu.dma_semaphore, #tpu.memory_space<semaphore_mem>>) src(%dma_wait3A_172 : memref<3128x8xf32, #tpu.memory_space<vmem_shared>>) dst(%arg22 : memref<3128x8xf32, #tpu.memory_space<vmem>>)
      tpu.yield
    }) : () -> ()
    %add3A_102 = arith.constant 0 : i32
    %add3A_103 = arith.addi %mul3A_2, %add3A_102 : i32
    "tpu.region"() ({
      %run_scoped3A = tpu.sem_alloc : memref<!tpu.dma_semaphore, #tpu.memory_space<semaphore_mem>>
      %dma_start3A = arith.constant 0 : i32
      %dma_start3A_167 = tpu.memref_slice %arg11[%arg0, %add3A_103, %dma_start3A] : memref<2x100096x8xf32, #tpu.memory_space<hbm>> -> memref<1x3128x8xf32, #tpu.memory_space<hbm>>
      %dma_start3A_168 = tpu.memref_squeeze %dma_start3A_167 : memref<1x3128x8xf32, #tpu.memory_space<hbm>> -> memref<3128x8xf32, #tpu.memory_space<hbm>>
      %dma_start3A_169 = arith.constant 0 : i32
      %dma_start3A_170 = tpu.memref_slice %arg11[%arg0, %add3A_103, %dma_start3A_169] : memref<2x100096x8xf32, #tpu.memory_space<hbm>> -> memref<1x3128x8xf32, #tpu.memory_space<hbm>>
      %dma_start3A_171 = tpu.memref_squeeze %dma_start3A_170 : memref<1x3128x8xf32, #tpu.memory_space<hbm>> -> memref<3128x8xf32, #tpu.memory_space<hbm>>
      tpu.enqueue_dma source(%arg22 : memref<3128x8xf32, #tpu.memory_space<vmem>>) target(%dma_start3A_171 : memref<3128x8xf32, #tpu.memory_space<hbm>>) target_semaphore(%run_scoped3A : memref<!tpu.dma_semaphore, #tpu.memory_space<semaphore_mem>>)
      %dma_wait3A = arith.constant 0 : i32
      %dma_wait3A_172 = tpu.memref_slice %arg11[%arg0, %add3A_103, %dma_wait3A] : memref<2x100096x8xf32, #tpu.memory_space<hbm>> -> memref<1x3128x8xf32, #tpu.memory_space<hbm>>
      %dma_wait3A_173 = tpu.memref_squeeze %dma_wait3A_172 : memref<1x3128x8xf32, #tpu.memory_space<hbm>> -> memref<3128x8xf32, #tpu.memory_space<hbm>>
      %dma_wait3A_174 = arith.constant 0 : i32
      %dma_wait3A_175 = tpu.memref_slice %arg11[%arg0, %add3A_103, %dma_wait3A_174] : memref<2x100096x8xf32, #tpu.memory_space<hbm>> -> memref<1x3128x8xf32, #tpu.memory_space<hbm>>
      %dma_wait3A_176 = tpu.memref_squeeze %dma_wait3A_175 : memref<1x3128x8xf32, #tpu.memory_space<hbm>> -> memref<3128x8xf32, #tpu.memory_space<hbm>>
      tpu.wait_dma2 semaphore(%run_scoped3A : memref<!tpu.dma_semaphore, #tpu.memory_space<semaphore_mem>>) src(%arg22 : memref<3128x8xf32, #tpu.memory_space<vmem>>) dst(%dma_wait3A_176 : memref<3128x8xf32, #tpu.memory_space<hbm>>)
      tpu.yield
    }) : () -> ()
    %add3A_104 = arith.constant 3128 : i32
    %add3A_105 = arith.addi %mul3A_2, %add3A_104 : i32
    "tpu.region"() ({
      %run_scoped3A = tpu.sem_alloc : memref<!tpu.dma_semaphore, #tpu.memory_space<semaphore_mem>>
      %dma_start3A = arith.constant 0 : i32
      %dma_start3A_167 = tpu.memref_slice %arg26[%add3A_105, %dma_start3A] : memref<100096x8xf32, #tpu.memory_space<vmem_shared>> -> memref<3128x8xf32, #tpu.memory_space<vmem_shared>>
      %dma_start3A_168 = arith.constant 0 : i32
      %dma_start3A_169 = tpu.memref_slice %arg26[%add3A_105, %dma_start3A_168] : memref<100096x8xf32, #tpu.memory_space<vmem_shared>> -> memref<3128x8xf32, #tpu.memory_space<vmem_shared>>
      tpu.enqueue_dma source(%dma_start3A_169 : memref<3128x8xf32, #tpu.memory_space<vmem_shared>>) target(%arg22 : memref<3128x8xf32, #tpu.memory_space<vmem>>) target_semaphore(%run_scoped3A : memref<!tpu.dma_semaphore, #tpu.memory_space<semaphore_mem>>)
      %dma_wait3A = arith.constant 0 : i32
      %dma_wait3A_170 = tpu.memref_slice %arg26[%add3A_105, %dma_wait3A] : memref<100096x8xf32, #tpu.memory_space<vmem_shared>> -> memref<3128x8xf32, #tpu.memory_space<vmem_shared>>
      %dma_wait3A_171 = arith.constant 0 : i32
      %dma_wait3A_172 = tpu.memref_slice %arg26[%add3A_105, %dma_wait3A_171] : memref<100096x8xf32, #tpu.memory_space<vmem_shared>> -> memref<3128x8xf32, #tpu.memory_space<vmem_shared>>
      tpu.wait_dma2 semaphore(%run_scoped3A : memref<!tpu.dma_semaphore, #tpu.memory_space<semaphore_mem>>) src(%dma_wait3A_172 : memref<3128x8xf32, #tpu.memory_space<vmem_shared>>) dst(%arg22 : memref<3128x8xf32, #tpu.memory_space<vmem>>)
      tpu.yield
    }) : () -> ()
    %add3A_106 = arith.constant 3128 : i32
    %add3A_107 = arith.addi %mul3A_2, %add3A_106 : i32
    "tpu.region"() ({
      %run_scoped3A = tpu.sem_alloc : memref<!tpu.dma_semaphore, #tpu.memory_space<semaphore_mem>>
      %dma_start3A = arith.constant 0 : i32
      %dma_start3A_167 = tpu.memref_slice %arg11[%arg0, %add3A_107, %dma_start3A] : memref<2x100096x8xf32, #tpu.memory_space<hbm>> -> memref<1x3128x8xf32, #tpu.memory_space<hbm>>
      %dma_start3A_168 = tpu.memref_squeeze %dma_start3A_167 : memref<1x3128x8xf32, #tpu.memory_space<hbm>> -> memref<3128x8xf32, #tpu.memory_space<hbm>>
      %dma_start3A_169 = arith.constant 0 : i32
      %dma_start3A_170 = tpu.memref_slice %arg11[%arg0, %add3A_107, %dma_start3A_169] : memref<2x100096x8xf32, #tpu.memory_space<hbm>> -> memref<1x3128x8xf32, #tpu.memory_space<hbm>>
      %dma_start3A_171 = tpu.memref_squeeze %dma_start3A_170 : memref<1x3128x8xf32, #tpu.memory_space<hbm>> -> memref<3128x8xf32, #tpu.memory_space<hbm>>
      tpu.enqueue_dma source(%arg22 : memref<3128x8xf32, #tpu.memory_space<vmem>>) target(%dma_start3A_171 : memref<3128x8xf32, #tpu.memory_space<hbm>>) target_semaphore(%run_scoped3A : memref<!tpu.dma_semaphore, #tpu.memory_space<semaphore_mem>>)
      %dma_wait3A = arith.constant 0 : i32
      %dma_wait3A_172 = tpu.memref_slice %arg11[%arg0, %add3A_107, %dma_wait3A] : memref<2x100096x8xf32, #tpu.memory_space<hbm>> -> memref<1x3128x8xf32, #tpu.memory_space<hbm>>
      %dma_wait3A_173 = tpu.memref_squeeze %dma_wait3A_172 : memref<1x3128x8xf32, #tpu.memory_space<hbm>> -> memref<3128x8xf32, #tpu.memory_space<hbm>>
      %dma_wait3A_174 = arith.constant 0 : i32
      %dma_wait3A_175 = tpu.memref_slice %arg11[%arg0, %add3A_107, %dma_wait3A_174] : memref<2x100096x8xf32, #tpu.memory_space<hbm>> -> memref<1x3128x8xf32, #tpu.memory_space<hbm>>
      %dma_wait3A_176 = tpu.memref_squeeze %dma_wait3A_175 : memref<1x3128x8xf32, #tpu.memory_space<hbm>> -> memref<3128x8xf32, #tpu.memory_space<hbm>>
      tpu.wait_dma2 semaphore(%run_scoped3A : memref<!tpu.dma_semaphore, #tpu.memory_space<semaphore_mem>>) src(%arg22 : memref<3128x8xf32, #tpu.memory_space<vmem>>) dst(%dma_wait3A_176 : memref<3128x8xf32, #tpu.memory_space<hbm>>)
      tpu.yield
    }) : () -> ()
    %scan3A_108 = arith.constant 0 : i32
    %scan3A_109 = arith.constant 0 : i32
    %scan3A_110 = arith.constant 1564 : i32
    %scan3A_111 = arith.addi %scan3A_109, %scan3A_110 : i32
    %scan3A_112 = arith.constant 1 : i32
    %scan3A_113 = scf.for %scan3A_167 = %scan3A_109 to %scan3A_111 step %scan3A_112 iter_args(%scan3A_168 = %scan3A_108) -> (i32)  : i32 {
      %mul3A_169 = arith.constant 2 : i32
      %mul3A_170 = arith.muli %mul3A_169, %scan3A_167 : i32
      %add3A_171 = vector.broadcast %mul3A_170 : i32 to vector<16xi32>
      %add3A_172 = arith.addi %add3A_171, %select_n3A : vector<16xi32>
      tpu.vector_store_idx %arg22[%add3A_172, %select_n3A_45], %broadcast_in_dim3A_46 : memref<3128x8xf32, #tpu.memory_space<vmem>>[vector<16xi32>, vector<16xi32>], vector<16xf32>,
      %scan3A_173 = arith.constant 0 : i32
      scf.yield %scan3A_173 : i32
    }
    %scan3A_114 = arith.constant 1564 : i32
    %add3A_115 = arith.constant 0 : i32
    %add3A_116 = arith.addi %mul3A_2, %add3A_115 : i32
    "tpu.region"() ({
      %run_scoped3A = tpu.sem_alloc : memref<!tpu.dma_semaphore, #tpu.memory_space<semaphore_mem>>
      %dma_start3A = arith.constant 0 : i32
      %dma_start3A_167 = tpu.memref_slice %arg26[%add3A_116, %dma_start3A] : memref<100096x8xf32, #tpu.memory_space<vmem_shared>> -> memref<3128x8xf32, #tpu.memory_space<vmem_shared>>
      %dma_start3A_168 = arith.constant 0 : i32
      %dma_start3A_169 = tpu.memref_slice %arg26[%add3A_116, %dma_start3A_168] : memref<100096x8xf32, #tpu.memory_space<vmem_shared>> -> memref<3128x8xf32, #tpu.memory_space<vmem_shared>>
      tpu.enqueue_dma source(%arg22 : memref<3128x8xf32, #tpu.memory_space<vmem>>) target(%dma_start3A_169 : memref<3128x8xf32, #tpu.memory_space<vmem_shared>>) target_semaphore(%run_scoped3A : memref<!tpu.dma_semaphore, #tpu.memory_space<semaphore_mem>>)
      %dma_wait3A = arith.constant 0 : i32
      %dma_wait3A_170 = tpu.memref_slice %arg26[%add3A_116, %dma_wait3A] : memref<100096x8xf32, #tpu.memory_space<vmem_shared>> -> memref<3128x8xf32, #tpu.memory_space<vmem_shared>>
      %dma_wait3A_171 = arith.constant 0 : i32
      %dma_wait3A_172 = tpu.memref_slice %arg26[%add3A_116, %dma_wait3A_171] : memref<100096x8xf32, #tpu.memory_space<vmem_shared>> -> memref<3128x8xf32, #tpu.memory_space<vmem_shared>>
      tpu.wait_dma2 semaphore(%run_scoped3A : memref<!tpu.dma_semaphore, #tpu.memory_space<semaphore_mem>>) src(%arg22 : memref<3128x8xf32, #tpu.memory_space<vmem>>) dst(%dma_wait3A_172 : memref<3128x8xf32, #tpu.memory_space<vmem_shared>>)
      tpu.yield
    }) : () -> ()
    %add3A_117 = arith.constant 3128 : i32
    %add3A_118 = arith.addi %mul3A_2, %add3A_117 : i32
    "tpu.region"() ({
      %run_scoped3A = tpu.sem_alloc : memref<!tpu.dma_semaphore, #tpu.memory_space<semaphore_mem>>
      %dma_start3A = arith.constant 0 : i32
      %dma_start3A_167 = tpu.memref_slice %arg26[%add3A_118, %dma_start3A] : memref<100096x8xf32, #tpu.memory_space<vmem_shared>> -> memref<3128x8xf32, #tpu.memory_space<vmem_shared>>
      %dma_start3A_168 = arith.constant 0 : i32
      %dma_start3A_169 = tpu.memref_slice %arg26[%add3A_118, %dma_start3A_168] : memref<100096x8xf32, #tpu.memory_space<vmem_shared>> -> memref<3128x8xf32, #tpu.memory_space<vmem_shared>>
      tpu.enqueue_dma source(%arg22 : memref<3128x8xf32, #tpu.memory_space<vmem>>) target(%dma_start3A_169 : memref<3128x8xf32, #tpu.memory_space<vmem_shared>>) target_semaphore(%run_scoped3A : memref<!tpu.dma_semaphore, #tpu.memory_space<semaphore_mem>>)
      %dma_wait3A = arith.constant 0 : i32
      %dma_wait3A_170 = tpu.memref_slice %arg26[%add3A_118, %dma_wait3A] : memref<100096x8xf32, #tpu.memory_space<vmem_shared>> -> memref<3128x8xf32, #tpu.memory_space<vmem_shared>>
      %dma_wait3A_171 = arith.constant 0 : i32
      %dma_wait3A_172 = tpu.memref_slice %arg26[%add3A_118, %dma_wait3A_171] : memref<100096x8xf32, #tpu.memory_space<vmem_shared>> -> memref<3128x8xf32, #tpu.memory_space<vmem_shared>>
      tpu.wait_dma2 semaphore(%run_scoped3A : memref<!tpu.dma_semaphore, #tpu.memory_space<semaphore_mem>>) src(%arg22 : memref<3128x8xf32, #tpu.memory_space<vmem>>) dst(%dma_wait3A_172 : memref<3128x8xf32, #tpu.memory_space<vmem_shared>>)
      tpu.yield
    }) : () -> ()
    %barrier3A_119 = arith.constant 0 : index
    tpu.barrier barrier_id(%barrier3A_119)
    %scan3A_120 = arith.constant 0 : i32
    %scan3A_121 = arith.constant 0 : i32
    %scan3A_122 = arith.constant 25 : i32
    %scan3A_123 = arith.addi %scan3A_121, %scan3A_122 : i32
    %scan3A_124 = arith.constant 1 : i32
    %scan3A_125 = scf.for %scan3A_167 = %scan3A_121 to %scan3A_123 step %scan3A_124 iter_args(%scan3A_168 = %scan3A_120) -> (i32)  : i32 {
      %mul3A_169 = arith.constant 400 : i32
      %mul3A_170 = arith.muli %add3A, %mul3A_169 : i32
      %mul3A_171 = arith.constant 16 : i32
      %mul3A_172 = arith.muli %scan3A_167, %mul3A_171 : i32
      %add3A_173 = arith.addi %mul3A_170, %mul3A_172 : i32
      %mul3A_174 = arith.constant 51200 : i32
      %mul3A_175 = arith.muli %add3A, %mul3A_174 : i32
      %mul3A_176 = arith.constant 2048 : i32
      %mul3A_177 = arith.muli %scan3A_167, %mul3A_176 : i32
      %add3A_178 = arith.addi %mul3A_175, %mul3A_177 : i32
      "tpu.region"() ({
        %run_scoped3A = tpu.sem_alloc : memref<!tpu.dma_semaphore, #tpu.memory_space<semaphore_mem>>
        %dma_start3A = arith.constant 0 : i32
        %dma_start3A_212 = tpu.memref_slice %arg2[%add3A_173, %dma_start3A] : memref<12800x128xi32, #tpu.memory_space<hbm>> -> memref<16x128xi32, #tpu.memory_space<hbm>>
        %dma_start3A_213 = arith.constant 0 : i32
        %dma_start3A_214 = tpu.memref_slice %arg2[%add3A_173, %dma_start3A_213] : memref<12800x128xi32, #tpu.memory_space<hbm>> -> memref<16x128xi32, #tpu.memory_space<hbm>>
        tpu.enqueue_dma source(%dma_start3A_214 : memref<16x128xi32, #tpu.memory_space<hbm>>) target(%arg16 : memref<16x128xi32, #tpu.memory_space<vmem>>) target_semaphore(%run_scoped3A : memref<!tpu.dma_semaphore, #tpu.memory_space<semaphore_mem>>)
        %dma_wait3A_215 = arith.constant 0 : i32
        %dma_wait3A_216 = tpu.memref_slice %arg2[%add3A_173, %dma_wait3A_215] : memref<12800x128xi32, #tpu.memory_space<hbm>> -> memref<16x128xi32, #tpu.memory_space<hbm>>
        %dma_wait3A_217 = arith.constant 0 : i32
        %dma_wait3A_218 = tpu.memref_slice %arg2[%add3A_173, %dma_wait3A_217] : memref<12800x128xi32, #tpu.memory_space<hbm>> -> memref<16x128xi32, #tpu.memory_space<hbm>>
        tpu.wait_dma2 semaphore(%run_scoped3A : memref<!tpu.dma_semaphore, #tpu.memory_space<semaphore_mem>>) src(%dma_wait3A_218 : memref<16x128xi32, #tpu.memory_space<hbm>>) dst(%arg16 : memref<16x128xi32, #tpu.memory_space<vmem>>)
        tpu.yield
      }) : () -> ()
      "tpu.region"() ({
        %run_scoped3A = tpu.sem_alloc : memref<!tpu.dma_semaphore, #tpu.memory_space<semaphore_mem>>
        %dma_start3A = arith.constant 0 : i32
        %dma_start3A_212 = tpu.memref_slice %arg3[%add3A_173, %dma_start3A] : memref<12800x128xi32, #tpu.memory_space<hbm>> -> memref<16x128xi32, #tpu.memory_space<hbm>>
        %dma_start3A_213 = arith.constant 0 : i32
        %dma_start3A_214 = tpu.memref_slice %arg3[%add3A_173, %dma_start3A_213] : memref<12800x128xi32, #tpu.memory_space<hbm>> -> memref<16x128xi32, #tpu.memory_space<hbm>>
        tpu.enqueue_dma source(%dma_start3A_214 : memref<16x128xi32, #tpu.memory_space<hbm>>) target(%arg17 : memref<16x128xi32, #tpu.memory_space<vmem>>) target_semaphore(%run_scoped3A : memref<!tpu.dma_semaphore, #tpu.memory_space<semaphore_mem>>)
        %dma_wait3A_215 = arith.constant 0 : i32
        %dma_wait3A_216 = tpu.memref_slice %arg3[%add3A_173, %dma_wait3A_215] : memref<12800x128xi32, #tpu.memory_space<hbm>> -> memref<16x128xi32, #tpu.memory_space<hbm>>
        %dma_wait3A_217 = arith.constant 0 : i32
        %dma_wait3A_218 = tpu.memref_slice %arg3[%add3A_173, %dma_wait3A_217] : memref<12800x128xi32, #tpu.memory_space<hbm>> -> memref<16x128xi32, #tpu.memory_space<hbm>>
        tpu.wait_dma2 semaphore(%run_scoped3A : memref<!tpu.dma_semaphore, #tpu.memory_space<semaphore_mem>>) src(%dma_wait3A_218 : memref<16x128xi32, #tpu.memory_space<hbm>>) dst(%arg17 : memref<16x128xi32, #tpu.memory_space<vmem>>)
        tpu.yield
      }) : () -> ()
      "tpu.region"() ({
        %run_scoped3A = tpu.sem_alloc : memref<!tpu.dma_semaphore, #tpu.memory_space<semaphore_mem>>
        %dma_start3A = tpu.memref_slice %arg15[%add3A_178] : memref<1638400xf32, #tpu.memory_space<hbm>> -> memref<2048xf32, #tpu.memory_space<hbm>>
        %dma_start3A_212 = tpu.memref_slice %arg15[%add3A_178] : memref<1638400xf32, #tpu.memory_space<hbm>> -> memref<2048xf32, #tpu.memory_space<hbm>>
        tpu.enqueue_dma source(%dma_start3A_212 : memref<2048xf32, #tpu.memory_space<hbm>>) target(%arg20 : memref<2048xf32, #tpu.memory_space<vmem>>) target_semaphore(%run_scoped3A : memref<!tpu.dma_semaphore, #tpu.memory_space<semaphore_mem>>)
        %dma_wait3A_213 = tpu.memref_slice %arg15[%add3A_178] : memref<1638400xf32, #tpu.memory_space<hbm>> -> memref<2048xf32, #tpu.memory_space<hbm>>
        %dma_wait3A_214 = tpu.memref_slice %arg15[%add3A_178] : memref<1638400xf32, #tpu.memory_space<hbm>> -> memref<2048xf32, #tpu.memory_space<hbm>>
        tpu.wait_dma2 semaphore(%run_scoped3A : memref<!tpu.dma_semaphore, #tpu.memory_space<semaphore_mem>>) src(%dma_wait3A_214 : memref<2048xf32, #tpu.memory_space<hbm>>) dst(%arg20 : memref<2048xf32, #tpu.memory_space<vmem>>)
        tpu.yield
      }) : () -> ()
      %scan3A_179 = arith.constant 0 : i32
      %scan3A_180 = arith.constant 0 : i32
      %scan3A_181 = arith.constant 16 : i32
      %scan3A_182 = arith.addi %scan3A_180, %scan3A_181 : i32
      %scan3A_183 = arith.constant 1 : i32
      %scan3A_184 = scf.for %scan3A_212 = %scan3A_180 to %scan3A_182 step %scan3A_183 iter_args(%scan3A_213 = %scan3A_179) -> (i32)  : i32 {
        %mul3A_214 = arith.constant 128 : i32
        %mul3A_215 = arith.muli %scan3A_212, %mul3A_214 : i32
        %dma_start3A = arith.constant 0 : i32
        %dma_start3A_216 = tpu.memref_slice %arg21[%mul3A_215, %dma_start3A] : memref<2048x8xf32, #tpu.memory_space<vmem>> -> memref<128x8xf32, #tpu.memory_space<vmem>>
        %dma_start3A_217 = arith.constant 0 : i32
        %dma_start3A_218 = tpu.memref_slice %arg16[%scan3A_212, %dma_start3A_217] : memref<16x128xi32, #tpu.memory_space<vmem>> -> memref<1x128xi32, #tpu.memory_space<vmem>>
        %dma_start3A_219 = tpu.memref_squeeze %dma_start3A_218 : memref<1x128xi32, #tpu.memory_space<vmem>> -> memref<128xi32, #tpu.memory_space<vmem>>
        %dma_start3A_220 = arith.constant 0 : i32
        %dma_start3A_221 = arith.constant 0 : i32
        %dma_start3A_222 = tpu.memref_slice %arg8[%dma_start3A_220, %dma_start3A_221] : memref<100000x8xf32, #tpu.memory_space<hbm>> -> memref<100000x8xf32, #tpu.memory_space<hbm>>
        tpu.enqueue_indirect_dma source(%dma_start3A_222 : memref<100000x8xf32, #tpu.memory_space<hbm>>) target(%dma_start3A_216 : memref<128x8xf32, #tpu.memory_space<vmem>>) offsets(%dma_start3A_219 : memref<128xi32, #tpu.memory_space<vmem>>) semaphore(%arg29 : memref<!tpu.dma_semaphore, #tpu.memory_space<semaphore_mem>>)
        %scan3A_223 = arith.constant 0 : i32
        scf.yield %scan3A_223 : i32
      }
      %scan3A_185 = arith.constant 16 : i32
      %dma_wait3A = arith.constant 0 : i32
      %dma_wait3A_186 = arith.constant 0 : i32
      %dma_wait3A_187 = tpu.memref_slice %arg6[%dma_wait3A, %dma_wait3A_186] : memref<100000x8xf32, #tpu.memory_space<hbm>> -> memref<2048x8xf32, #tpu.memory_space<hbm>>
      %dma_wait3A_188 = arith.constant 0 : i32
      %dma_wait3A_189 = arith.constant 0 : i32
      %dma_wait3A_190 = tpu.memref_slice %arg6[%dma_wait3A_188, %dma_wait3A_189] : memref<100000x8xf32, #tpu.memory_space<hbm>> -> memref<2048x8xf32, #tpu.memory_space<hbm>>
      tpu.wait_dma2 semaphore(%arg29 : memref<!tpu.dma_semaphore, #tpu.memory_space<semaphore_mem>>) src(%dma_wait3A_190 : memref<2048x8xf32, #tpu.memory_space<hbm>>) dst(%arg21 : memref<2048x8xf32, #tpu.memory_space<vmem>>)
      %scan3A_191 = arith.constant 0 : i32
      %scan3A_192 = arith.constant 0 : i32
      %scan3A_193 = arith.constant 1024 : i32
      %scan3A_194 = arith.addi %scan3A_192, %scan3A_193 : i32
      %scan3A_195 = arith.constant 1 : i32
      %scan3A_196 = scf.for %scan3A_212 = %scan3A_192 to %scan3A_194 step %scan3A_195 iter_args(%scan3A_213 = %scan3A_191) -> (i32)  : i32 {
        %mul3A_214 = arith.constant 2 : i32
        %mul3A_215 = arith.muli %mul3A_214, %scan3A_212 : i32
        %add3A_216 = vector.broadcast %mul3A_215 : i32 to vector<16xi32>
        %add3A_217 = arith.addi %add3A_216, %select_n3A : vector<16xi32>
        %gather3A = tpu.vector_load_idx %arg20[%add3A_217] : memref<2048xf32, #tpu.memory_space<vmem>>[vector<16xi32>], vector<16xf32>,
        %gather3A_218 = tpu.vector_load_idx %arg21[%add3A_217, %select_n3A_45] : memref<2048x8xf32, #tpu.memory_space<vmem>>[vector<16xi32>, vector<16xi32>], vector<16xf32>,
        %mul3A_219 = arith.mulf %gather3A_218, %gather3A : vector<16xf32>
        tpu.vector_store_idx %arg21[%add3A_217, %select_n3A_45], %mul3A_219 : memref<2048x8xf32, #tpu.memory_space<vmem>>[vector<16xi32>, vector<16xi32>], vector<16xf32>,
        %scan3A_220 = arith.constant 0 : i32
        scf.yield %scan3A_220 : i32
      }
      %scan3A_197 = arith.constant 1024 : i32
      %scan3A_198 = arith.constant 0 : i32
      %scan3A_199 = arith.constant 0 : i32
      %scan3A_200 = arith.constant 16 : i32
      %scan3A_201 = arith.addi %scan3A_199, %scan3A_200 : i32
      %scan3A_202 = arith.constant 1 : i32
      %scan3A_203 = scf.for %scan3A_212 = %scan3A_199 to %scan3A_201 step %scan3A_202 iter_args(%scan3A_213 = %scan3A_198) -> (i32)  : i32 {
        %mul3A_214 = arith.constant 128 : i32
        %mul3A_215 = arith.muli %scan3A_212, %mul3A_214 : i32
        %dma_start3A = arith.constant 0 : i32
        %dma_start3A_216 = tpu.memref_slice %arg21[%mul3A_215, %dma_start3A] : memref<2048x8xf32, #tpu.memory_space<vmem>> -> memref<128x8xf32, #tpu.memory_space<vmem>>
        %dma_start3A_217 = arith.constant 0 : i32
        %dma_start3A_218 = tpu.memref_slice %arg17[%scan3A_212, %dma_start3A_217] : memref<16x128xi32, #tpu.memory_space<vmem>> -> memref<1x128xi32, #tpu.memory_space<vmem>>
        %dma_start3A_219 = tpu.memref_squeeze %dma_start3A_218 : memref<1x128xi32, #tpu.memory_space<vmem>> -> memref<128xi32, #tpu.memory_space<vmem>>
        %dma_start3A_220 = arith.constant 0 : i32
        %dma_start3A_221 = arith.constant 0 : i32
        %dma_start3A_222 = tpu.memref_slice %arg26[%dma_start3A_220, %dma_start3A_221] : memref<100096x8xf32, #tpu.memory_space<vmem_shared>> -> memref<100096x8xf32, #tpu.memory_space<vmem_shared>>
        tpu.enqueue_indirect_dma source(%dma_start3A_216 : memref<128x8xf32, #tpu.memory_space<vmem>>) target(%dma_start3A_222 : memref<100096x8xf32, #tpu.memory_space<vmem_shared>>) offsets(%dma_start3A_219 : memref<128xi32, #tpu.memory_space<vmem>>) semaphore(%arg30 : memref<!tpu.dma_semaphore, #tpu.memory_space<semaphore_mem>>) {add = true}
        %scan3A_223 = arith.constant 0 : i32
        scf.yield %scan3A_223 : i32
      }
      %scan3A_204 = arith.constant 16 : i32
      %dma_wait3A_205 = arith.constant 0 : i32
      %dma_wait3A_206 = arith.constant 0 : i32
      %dma_wait3A_207 = tpu.memref_slice %arg6[%dma_wait3A_205, %dma_wait3A_206] : memref<100000x8xf32, #tpu.memory_space<hbm>> -> memref<2048x8xf32, #tpu.memory_space<hbm>>
      %dma_wait3A_208 = arith.constant 0 : i32
      %dma_wait3A_209 = arith.constant 0 : i32
      %dma_wait3A_210 = tpu.memref_slice %arg6[%dma_wait3A_208, %dma_wait3A_209] : memref<100000x8xf32, #tpu.memory_space<hbm>> -> memref<2048x8xf32, #tpu.memory_space<hbm>>
      tpu.wait_dma2 semaphore(%arg30 : memref<!tpu.dma_semaphore, #tpu.memory_space<semaphore_mem>>) src(%dma_wait3A_210 : memref<2048x8xf32, #tpu.memory_space<hbm>>) dst(%arg21 : memref<2048x8xf32, #tpu.memory_space<vmem>>)
      %scan3A_211 = arith.constant 0 : i32
      scf.yield %scan3A_211 : i32
    }
    %scan3A_126 = arith.constant 25 : i32
    %barrier3A_127 = arith.constant 0 : index
    tpu.barrier barrier_id(%barrier3A_127)
    %add3A_128 = arith.constant 0 : i32
    %add3A_129 = arith.addi %mul3A_2, %add3A_128 : i32
    "tpu.region"() ({
      %run_scoped3A = tpu.sem_alloc : memref<!tpu.dma_semaphore, #tpu.memory_space<semaphore_mem>>
      %dma_start3A = arith.constant 0 : i32
      %dma_start3A_167 = tpu.memref_slice %arg26[%add3A_129, %dma_start3A] : memref<100096x8xf32, #tpu.memory_space<vmem_shared>> -> memref<3128x8xf32, #tpu.memory_space<vmem_shared>>
      %dma_start3A_168 = arith.constant 0 : i32
      %dma_start3A_169 = tpu.memref_slice %arg26[%add3A_129, %dma_start3A_168] : memref<100096x8xf32, #tpu.memory_space<vmem_shared>> -> memref<3128x8xf32, #tpu.memory_space<vmem_shared>>
      tpu.enqueue_dma source(%dma_start3A_169 : memref<3128x8xf32, #tpu.memory_space<vmem_shared>>) target(%arg22 : memref<3128x8xf32, #tpu.memory_space<vmem>>) target_semaphore(%run_scoped3A : memref<!tpu.dma_semaphore, #tpu.memory_space<semaphore_mem>>)
      %dma_wait3A = arith.constant 0 : i32
      %dma_wait3A_170 = tpu.memref_slice %arg26[%add3A_129, %dma_wait3A] : memref<100096x8xf32, #tpu.memory_space<vmem_shared>> -> memref<3128x8xf32, #tpu.memory_space<vmem_shared>>
      %dma_wait3A_171 = arith.constant 0 : i32
      %dma_wait3A_172 = tpu.memref_slice %arg26[%add3A_129, %dma_wait3A_171] : memref<100096x8xf32, #tpu.memory_space<vmem_shared>> -> memref<3128x8xf32, #tpu.memory_space<vmem_shared>>
      tpu.wait_dma2 semaphore(%run_scoped3A : memref<!tpu.dma_semaphore, #tpu.memory_space<semaphore_mem>>) src(%dma_wait3A_172 : memref<3128x8xf32, #tpu.memory_space<vmem_shared>>) dst(%arg22 : memref<3128x8xf32, #tpu.memory_space<vmem>>)
      tpu.yield
    }) : () -> ()
    %add3A_130 = arith.constant 0 : i32
    %add3A_131 = arith.addi %mul3A_2, %add3A_130 : i32
    "tpu.region"() ({
      %run_scoped3A = tpu.sem_alloc : memref<!tpu.dma_semaphore, #tpu.memory_space<semaphore_mem>>
      %dma_start3A = arith.constant 0 : i32
      %dma_start3A_167 = tpu.memref_slice %arg12[%arg0, %add3A_131, %dma_start3A] : memref<2x100096x8xf32, #tpu.memory_space<hbm>> -> memref<1x3128x8xf32, #tpu.memory_space<hbm>>
      %dma_start3A_168 = tpu.memref_squeeze %dma_start3A_167 : memref<1x3128x8xf32, #tpu.memory_space<hbm>> -> memref<3128x8xf32, #tpu.memory_space<hbm>>
      %dma_start3A_169 = arith.constant 0 : i32
      %dma_start3A_170 = tpu.memref_slice %arg12[%arg0, %add3A_131, %dma_start3A_169] : memref<2x100096x8xf32, #tpu.memory_space<hbm>> -> memref<1x3128x8xf32, #tpu.memory_space<hbm>>
      %dma_start3A_171 = tpu.memref_squeeze %dma_start3A_170 : memref<1x3128x8xf32, #tpu.memory_space<hbm>> -> memref<3128x8xf32, #tpu.memory_space<hbm>>
      tpu.enqueue_dma source(%arg22 : memref<3128x8xf32, #tpu.memory_space<vmem>>) target(%dma_start3A_171 : memref<3128x8xf32, #tpu.memory_space<hbm>>) target_semaphore(%run_scoped3A : memref<!tpu.dma_semaphore, #tpu.memory_space<semaphore_mem>>)
      %dma_wait3A = arith.constant 0 : i32
      %dma_wait3A_172 = tpu.memref_slice %arg12[%arg0, %add3A_131, %dma_wait3A] : memref<2x100096x8xf32, #tpu.memory_space<hbm>> -> memref<1x3128x8xf32, #tpu.memory_space<hbm>>
      %dma_wait3A_173 = tpu.memref_squeeze %dma_wait3A_172 : memref<1x3128x8xf32, #tpu.memory_space<hbm>> -> memref<3128x8xf32, #tpu.memory_space<hbm>>
      %dma_wait3A_174 = arith.constant 0 : i32
      %dma_wait3A_175 = tpu.memref_slice %arg12[%arg0, %add3A_131, %dma_wait3A_174] : memref<2x100096x8xf32, #tpu.memory_space<hbm>> -> memref<1x3128x8xf32, #tpu.memory_space<hbm>>
      %dma_wait3A_176 = tpu.memref_squeeze %dma_wait3A_175 : memref<1x3128x8xf32, #tpu.memory_space<hbm>> -> memref<3128x8xf32, #tpu.memory_space<hbm>>
      tpu.wait_dma2 semaphore(%run_scoped3A : memref<!tpu.dma_semaphore, #tpu.memory_space<semaphore_mem>>) src(%arg22 : memref<3128x8xf32, #tpu.memory_space<vmem>>) dst(%dma_wait3A_176 : memref<3128x8xf32, #tpu.memory_space<hbm>>)
      tpu.yield
    }) : () -> ()
    %add3A_132 = arith.constant 3128 : i32
    %add3A_133 = arith.addi %mul3A_2, %add3A_132 : i32
    "tpu.region"() ({
      %run_scoped3A = tpu.sem_alloc : memref<!tpu.dma_semaphore, #tpu.memory_space<semaphore_mem>>
      %dma_start3A = arith.constant 0 : i32
      %dma_start3A_167 = tpu.memref_slice %arg26[%add3A_133, %dma_start3A] : memref<100096x8xf32, #tpu.memory_space<vmem_shared>> -> memref<3128x8xf32, #tpu.memory_space<vmem_shared>>
      %dma_start3A_168 = arith.constant 0 : i32
      %dma_start3A_169 = tpu.memref_slice %arg26[%add3A_133, %dma_start3A_168] : memref<100096x8xf32, #tpu.memory_space<vmem_shared>> -> memref<3128x8xf32, #tpu.memory_space<vmem_shared>>
      tpu.enqueue_dma source(%dma_start3A_169 : memref<3128x8xf32, #tpu.memory_space<vmem_shared>>) target(%arg22 : memref<3128x8xf32, #tpu.memory_space<vmem>>) target_semaphore(%run_scoped3A : memref<!tpu.dma_semaphore, #tpu.memory_space<semaphore_mem>>)
      %dma_wait3A = arith.constant 0 : i32
      %dma_wait3A_170 = tpu.memref_slice %arg26[%add3A_133, %dma_wait3A] : memref<100096x8xf32, #tpu.memory_space<vmem_shared>> -> memref<3128x8xf32, #tpu.memory_space<vmem_shared>>
      %dma_wait3A_171 = arith.constant 0 : i32
      %dma_wait3A_172 = tpu.memref_slice %arg26[%add3A_133, %dma_wait3A_171] : memref<100096x8xf32, #tpu.memory_space<vmem_shared>> -> memref<3128x8xf32, #tpu.memory_space<vmem_shared>>
      tpu.wait_dma2 semaphore(%run_scoped3A : memref<!tpu.dma_semaphore, #tpu.memory_space<semaphore_mem>>) src(%dma_wait3A_172 : memref<3128x8xf32, #tpu.memory_space<vmem_shared>>) dst(%arg22 : memref<3128x8xf32, #tpu.memory_space<vmem>>)
      tpu.yield
    }) : () -> ()
    %add3A_134 = arith.constant 3128 : i32
    %add3A_135 = arith.addi %mul3A_2, %add3A_134 : i32
    "tpu.region"() ({
      %run_scoped3A = tpu.sem_alloc : memref<!tpu.dma_semaphore, #tpu.memory_space<semaphore_mem>>
      %dma_start3A = arith.constant 0 : i32
      %dma_start3A_167 = tpu.memref_slice %arg12[%arg0, %add3A_135, %dma_start3A] : memref<2x100096x8xf32, #tpu.memory_space<hbm>> -> memref<1x3128x8xf32, #tpu.memory_space<hbm>>
      %dma_start3A_168 = tpu.memref_squeeze %dma_start3A_167 : memref<1x3128x8xf32, #tpu.memory_space<hbm>> -> memref<3128x8xf32, #tpu.memory_space<hbm>>
      %dma_start3A_169 = arith.constant 0 : i32
      %dma_start3A_170 = tpu.memref_slice %arg12[%arg0, %add3A_135, %dma_start3A_169] : memref<2x100096x8xf32, #tpu.memory_space<hbm>> -> memref<1x3128x8xf32, #tpu.memory_space<hbm>>
      %dma_start3A_171 = tpu.memref_squeeze %dma_start3A_170 : memref<1x3128x8xf32, #tpu.memory_space<hbm>> -> memref<3128x8xf32, #tpu.memory_space<hbm>>
      tpu.enqueue_dma source(%arg22 : memref<3128x8xf32, #tpu.memory_space<vmem>>) target(%dma_start3A_171 : memref<3128x8xf32, #tpu.memory_space<hbm>>) target_semaphore(%run_scoped3A : memref<!tpu.dma_semaphore, #tpu.memory_space<semaphore_mem>>)
      %dma_wait3A = arith.constant 0 : i32
      %dma_wait3A_172 = tpu.memref_slice %arg12[%arg0, %add3A_135, %dma_wait3A] : memref<2x100096x8xf32, #tpu.memory_space<hbm>> -> memref<1x3128x8xf32, #tpu.memory_space<hbm>>
      %dma_wait3A_173 = tpu.memref_squeeze %dma_wait3A_172 : memref<1x3128x8xf32, #tpu.memory_space<hbm>> -> memref<3128x8xf32, #tpu.memory_space<hbm>>
      %dma_wait3A_174 = arith.constant 0 : i32
      %dma_wait3A_175 = tpu.memref_slice %arg12[%arg0, %add3A_135, %dma_wait3A_174] : memref<2x100096x8xf32, #tpu.memory_space<hbm>> -> memref<1x3128x8xf32, #tpu.memory_space<hbm>>
      %dma_wait3A_176 = tpu.memref_squeeze %dma_wait3A_175 : memref<1x3128x8xf32, #tpu.memory_space<hbm>> -> memref<3128x8xf32, #tpu.memory_space<hbm>>
      tpu.wait_dma2 semaphore(%run_scoped3A : memref<!tpu.dma_semaphore, #tpu.memory_space<semaphore_mem>>) src(%arg22 : memref<3128x8xf32, #tpu.memory_space<vmem>>) dst(%dma_wait3A_176 : memref<3128x8xf32, #tpu.memory_space<hbm>>)
      tpu.yield
    }) : () -> ()
    %scan3A_136 = arith.constant 0 : i32
    %scan3A_137 = arith.constant 0 : i32
    %scan3A_138 = arith.constant 1564 : i32
    %scan3A_139 = arith.addi %scan3A_137, %scan3A_138 : i32
    %scan3A_140 = arith.constant 1 : i32
    %scan3A_141 = scf.for %scan3A_167 = %scan3A_137 to %scan3A_139 step %scan3A_140 iter_args(%scan3A_168 = %scan3A_136) -> (i32)  : i32 {
      %mul3A_169 = arith.constant 2 : i32
      %mul3A_170 = arith.muli %mul3A_169, %scan3A_167 : i32
      %add3A_171 = vector.broadcast %mul3A_170 : i32 to vector<16xi32>
      %add3A_172 = arith.addi %add3A_171, %select_n3A : vector<16xi32>
      tpu.vector_store_idx %arg22[%add3A_172, %select_n3A_45], %broadcast_in_dim3A_46 : memref<3128x8xf32, #tpu.memory_space<vmem>>[vector<16xi32>, vector<16xi32>], vector<16xf32>,
      %scan3A_173 = arith.constant 0 : i32
      scf.yield %scan3A_173 : i32
    }
    %scan3A_142 = arith.constant 1564 : i32
    %add3A_143 = arith.constant 0 : i32
    %add3A_144 = arith.addi %mul3A_2, %add3A_143 : i32
    "tpu.region"() ({
      %run_scoped3A = tpu.sem_alloc : memref<!tpu.dma_semaphore, #tpu.memory_space<semaphore_mem>>
      %dma_start3A = arith.constant 0 : i32
      %dma_start3A_167 = tpu.memref_slice %arg26[%add3A_144, %dma_start3A] : memref<100096x8xf32, #tpu.memory_space<vmem_shared>> -> memref<3128x8xf32, #tpu.memory_space<vmem_shared>>
      %dma_start3A_168 = arith.constant 0 : i32
      %dma_start3A_169 = tpu.memref_slice %arg26[%add3A_144, %dma_start3A_168] : memref<100096x8xf32, #tpu.memory_space<vmem_shared>> -> memref<3128x8xf32, #tpu.memory_space<vmem_shared>>
      tpu.enqueue_dma source(%arg22 : memref<3128x8xf32, #tpu.memory_space<vmem>>) target(%dma_start3A_169 : memref<3128x8xf32, #tpu.memory_space<vmem_shared>>) target_semaphore(%run_scoped3A : memref<!tpu.dma_semaphore, #tpu.memory_space<semaphore_mem>>)
      %dma_wait3A = arith.constant 0 : i32
      %dma_wait3A_170 = tpu.memref_slice %arg26[%add3A_144, %dma_wait3A] : memref<100096x8xf32, #tpu.memory_space<vmem_shared>> -> memref<3128x8xf32, #tpu.memory_space<vmem_shared>>
      %dma_wait3A_171 = arith.constant 0 : i32
      %dma_wait3A_172 = tpu.memref_slice %arg26[%add3A_144, %dma_wait3A_171] : memref<100096x8xf32, #tpu.memory_space<vmem_shared>> -> memref<3128x8xf32, #tpu.memory_space<vmem_shared>>
      tpu.wait_dma2 semaphore(%run_scoped3A : memref<!tpu.dma_semaphore, #tpu.memory_space<semaphore_mem>>) src(%arg22 : memref<3128x8xf32, #tpu.memory_space<vmem>>) dst(%dma_wait3A_172 : memref<3128x8xf32, #tpu.memory_space<vmem_shared>>)
      tpu.yield
    }) : () -> ()
    %add3A_145 = arith.constant 3128 : i32
    %add3A_146 = arith.addi %mul3A_2, %add3A_145 : i32
    "tpu.region"() ({
      %run_scoped3A = tpu.sem_alloc : memref<!tpu.dma_semaphore, #tpu.memory_space<semaphore_mem>>
      %dma_start3A = arith.constant 0 : i32
      %dma_start3A_167 = tpu.memref_slice %arg26[%add3A_146, %dma_start3A] : memref<100096x8xf32, #tpu.memory_space<vmem_shared>> -> memref<3128x8xf32, #tpu.memory_space<vmem_shared>>
      %dma_start3A_168 = arith.constant 0 : i32
      %dma_start3A_169 = tpu.memref_slice %arg26[%add3A_146, %dma_start3A_168] : memref<100096x8xf32, #tpu.memory_space<vmem_shared>> -> memref<3128x8xf32, #tpu.memory_space<vmem_shared>>
      tpu.enqueue_dma source(%arg22 : memref<3128x8xf32, #tpu.memory_space<vmem>>) target(%dma_start3A_169 : memref<3128x8xf32, #tpu.memory_space<vmem_shared>>) target_semaphore(%run_scoped3A : memref<!tpu.dma_semaphore, #tpu.memory_space<semaphore_mem>>)
      %dma_wait3A = arith.constant 0 : i32
      %dma_wait3A_170 = tpu.memref_slice %arg26[%add3A_146, %dma_wait3A] : memref<100096x8xf32, #tpu.memory_space<vmem_shared>> -> memref<3128x8xf32, #tpu.memory_space<vmem_shared>>
      %dma_wait3A_171 = arith.constant 0 : i32
      %dma_wait3A_172 = tpu.memref_slice %arg26[%add3A_146, %dma_wait3A_171] : memref<100096x8xf32, #tpu.memory_space<vmem_shared>> -> memref<3128x8xf32, #tpu.memory_space<vmem_shared>>
      tpu.wait_dma2 semaphore(%run_scoped3A : memref<!tpu.dma_semaphore, #tpu.memory_space<semaphore_mem>>) src(%arg22 : memref<3128x8xf32, #tpu.memory_space<vmem>>) dst(%dma_wait3A_172 : memref<3128x8xf32, #tpu.memory_space<vmem_shared>>)
      tpu.yield
    }) : () -> ()
    %barrier3A_147 = arith.constant 0 : index
    tpu.barrier barrier_id(%barrier3A_147)
    %scan3A_148 = arith.constant 0 : i32
    %scan3A_149 = arith.constant 0 : i32
    %scan3A_150 = arith.constant 25 : i32
    %scan3A_151 = arith.addi %scan3A_149, %scan3A_150 : i32
    %scan3A_152 = arith.constant 1 : i32
    %scan3A_153 = scf.for %scan3A_167 = %scan3A_149 to %scan3A_151 step %scan3A_152 iter_args(%scan3A_168 = %scan3A_148) -> (i32)  : i32 {
      %mul3A_169 = arith.constant 400 : i32
      %mul3A_170 = arith.muli %add3A, %mul3A_169 : i32
      %mul3A_171 = arith.constant 16 : i32
      %mul3A_172 = arith.muli %scan3A_167, %mul3A_171 : i32
      %add3A_173 = arith.addi %mul3A_170, %mul3A_172 : i32
      %mul3A_174 = arith.constant 51200 : i32
      %mul3A_175 = arith.muli %add3A, %mul3A_174 : i32
      %mul3A_176 = arith.constant 2048 : i32
      %mul3A_177 = arith.muli %scan3A_167, %mul3A_176 : i32
      %add3A_178 = arith.addi %mul3A_175, %mul3A_177 : i32
      "tpu.region"() ({
        %run_scoped3A = tpu.sem_alloc : memref<!tpu.dma_semaphore, #tpu.memory_space<semaphore_mem>>
        %dma_start3A = arith.constant 0 : i32
        %dma_start3A_212 = tpu.memref_slice %arg2[%add3A_173, %dma_start3A] : memref<12800x128xi32, #tpu.memory_space<hbm>> -> memref<16x128xi32, #tpu.memory_space<hbm>>
        %dma_start3A_213 = arith.constant 0 : i32
        %dma_start3A_214 = tpu.memref_slice %arg2[%add3A_173, %dma_start3A_213] : memref<12800x128xi32, #tpu.memory_space<hbm>> -> memref<16x128xi32, #tpu.memory_space<hbm>>
        tpu.enqueue_dma source(%dma_start3A_214 : memref<16x128xi32, #tpu.memory_space<hbm>>) target(%arg16 : memref<16x128xi32, #tpu.memory_space<vmem>>) target_semaphore(%run_scoped3A : memref<!tpu.dma_semaphore, #tpu.memory_space<semaphore_mem>>)
        %dma_wait3A_215 = arith.constant 0 : i32
        %dma_wait3A_216 = tpu.memref_slice %arg2[%add3A_173, %dma_wait3A_215] : memref<12800x128xi32, #tpu.memory_space<hbm>> -> memref<16x128xi32, #tpu.memory_space<hbm>>
        %dma_wait3A_217 = arith.constant 0 : i32
        %dma_wait3A_218 = tpu.memref_slice %arg2[%add3A_173, %dma_wait3A_217] : memref<12800x128xi32, #tpu.memory_space<hbm>> -> memref<16x128xi32, #tpu.memory_space<hbm>>
        tpu.wait_dma2 semaphore(%run_scoped3A : memref<!tpu.dma_semaphore, #tpu.memory_space<semaphore_mem>>) src(%dma_wait3A_218 : memref<16x128xi32, #tpu.memory_space<hbm>>) dst(%arg16 : memref<16x128xi32, #tpu.memory_space<vmem>>)
        tpu.yield
      }) : () -> ()
      "tpu.region"() ({
        %run_scoped3A = tpu.sem_alloc : memref<!tpu.dma_semaphore, #tpu.memory_space<semaphore_mem>>
        %dma_start3A = arith.constant 0 : i32
        %dma_start3A_212 = tpu.memref_slice %arg3[%add3A_173, %dma_start3A] : memref<12800x128xi32, #tpu.memory_space<hbm>> -> memref<16x128xi32, #tpu.memory_space<hbm>>
        %dma_start3A_213 = arith.constant 0 : i32
        %dma_start3A_214 = tpu.memref_slice %arg3[%add3A_173, %dma_start3A_213] : memref<12800x128xi32, #tpu.memory_space<hbm>> -> memref<16x128xi32, #tpu.memory_space<hbm>>
        tpu.enqueue_dma source(%dma_start3A_214 : memref<16x128xi32, #tpu.memory_space<hbm>>) target(%arg17 : memref<16x128xi32, #tpu.memory_space<vmem>>) target_semaphore(%run_scoped3A : memref<!tpu.dma_semaphore, #tpu.memory_space<semaphore_mem>>)
        %dma_wait3A_215 = arith.constant 0 : i32
        %dma_wait3A_216 = tpu.memref_slice %arg3[%add3A_173, %dma_wait3A_215] : memref<12800x128xi32, #tpu.memory_space<hbm>> -> memref<16x128xi32, #tpu.memory_space<hbm>>
        %dma_wait3A_217 = arith.constant 0 : i32
        %dma_wait3A_218 = tpu.memref_slice %arg3[%add3A_173, %dma_wait3A_217] : memref<12800x128xi32, #tpu.memory_space<hbm>> -> memref<16x128xi32, #tpu.memory_space<hbm>>
        tpu.wait_dma2 semaphore(%run_scoped3A : memref<!tpu.dma_semaphore, #tpu.memory_space<semaphore_mem>>) src(%dma_wait3A_218 : memref<16x128xi32, #tpu.memory_space<hbm>>) dst(%arg17 : memref<16x128xi32, #tpu.memory_space<vmem>>)
        tpu.yield
      }) : () -> ()
      "tpu.region"() ({
        %run_scoped3A = tpu.sem_alloc : memref<!tpu.dma_semaphore, #tpu.memory_space<semaphore_mem>>
        %dma_start3A = tpu.memref_slice %arg15[%add3A_178] : memref<1638400xf32, #tpu.memory_space<hbm>> -> memref<2048xf32, #tpu.memory_space<hbm>>
        %dma_start3A_212 = tpu.memref_slice %arg15[%add3A_178] : memref<1638400xf32, #tpu.memory_space<hbm>> -> memref<2048xf32, #tpu.memory_space<hbm>>
        tpu.enqueue_dma source(%dma_start3A_212 : memref<2048xf32, #tpu.memory_space<hbm>>) target(%arg20 : memref<2048xf32, #tpu.memory_space<vmem>>) target_semaphore(%run_scoped3A : memref<!tpu.dma_semaphore, #tpu.memory_space<semaphore_mem>>)
        %dma_wait3A_213 = tpu.memref_slice %arg15[%add3A_178] : memref<1638400xf32, #tpu.memory_space<hbm>> -> memref<2048xf32, #tpu.memory_space<hbm>>
        %dma_wait3A_214 = tpu.memref_slice %arg15[%add3A_178] : memref<1638400xf32, #tpu.memory_space<hbm>> -> memref<2048xf32, #tpu.memory_space<hbm>>
        tpu.wait_dma2 semaphore(%run_scoped3A : memref<!tpu.dma_semaphore, #tpu.memory_space<semaphore_mem>>) src(%dma_wait3A_214 : memref<2048xf32, #tpu.memory_space<hbm>>) dst(%arg20 : memref<2048xf32, #tpu.memory_space<vmem>>)
        tpu.yield
      }) : () -> ()
      %scan3A_179 = arith.constant 0 : i32
      %scan3A_180 = arith.constant 0 : i32
      %scan3A_181 = arith.constant 16 : i32
      %scan3A_182 = arith.addi %scan3A_180, %scan3A_181 : i32
      %scan3A_183 = arith.constant 1 : i32
      %scan3A_184 = scf.for %scan3A_212 = %scan3A_180 to %scan3A_182 step %scan3A_183 iter_args(%scan3A_213 = %scan3A_179) -> (i32)  : i32 {
        %mul3A_214 = arith.constant 128 : i32
        %mul3A_215 = arith.muli %scan3A_212, %mul3A_214 : i32
        %dma_start3A = arith.constant 0 : i32
        %dma_start3A_216 = tpu.memref_slice %arg21[%mul3A_215, %dma_start3A] : memref<2048x8xf32, #tpu.memory_space<vmem>> -> memref<128x8xf32, #tpu.memory_space<vmem>>
        %dma_start3A_217 = arith.constant 0 : i32
        %dma_start3A_218 = tpu.memref_slice %arg16[%scan3A_212, %dma_start3A_217] : memref<16x128xi32, #tpu.memory_space<vmem>> -> memref<1x128xi32, #tpu.memory_space<vmem>>
        %dma_start3A_219 = tpu.memref_squeeze %dma_start3A_218 : memref<1x128xi32, #tpu.memory_space<vmem>> -> memref<128xi32, #tpu.memory_space<vmem>>
        %dma_start3A_220 = arith.constant 0 : i32
        %dma_start3A_221 = arith.constant 0 : i32
        %dma_start3A_222 = tpu.memref_slice %arg9[%dma_start3A_220, %dma_start3A_221] : memref<100000x8xf32, #tpu.memory_space<hbm>> -> memref<100000x8xf32, #tpu.memory_space<hbm>>
        tpu.enqueue_indirect_dma source(%dma_start3A_222 : memref<100000x8xf32, #tpu.memory_space<hbm>>) target(%dma_start3A_216 : memref<128x8xf32, #tpu.memory_space<vmem>>) offsets(%dma_start3A_219 : memref<128xi32, #tpu.memory_space<vmem>>) semaphore(%arg29 : memref<!tpu.dma_semaphore, #tpu.memory_space<semaphore_mem>>)
        %scan3A_223 = arith.constant 0 : i32
        scf.yield %scan3A_223 : i32
      }
      %scan3A_185 = arith.constant 16 : i32
      %dma_wait3A = arith.constant 0 : i32
      %dma_wait3A_186 = arith.constant 0 : i32
      %dma_wait3A_187 = tpu.memref_slice %arg6[%dma_wait3A, %dma_wait3A_186] : memref<100000x8xf32, #tpu.memory_space<hbm>> -> memref<2048x8xf32, #tpu.memory_space<hbm>>
      %dma_wait3A_188 = arith.constant 0 : i32
      %dma_wait3A_189 = arith.constant 0 : i32
      %dma_wait3A_190 = tpu.memref_slice %arg6[%dma_wait3A_188, %dma_wait3A_189] : memref<100000x8xf32, #tpu.memory_space<hbm>> -> memref<2048x8xf32, #tpu.memory_space<hbm>>
      tpu.wait_dma2 semaphore(%arg29 : memref<!tpu.dma_semaphore, #tpu.memory_space<semaphore_mem>>) src(%dma_wait3A_190 : memref<2048x8xf32, #tpu.memory_space<hbm>>) dst(%arg21 : memref<2048x8xf32, #tpu.memory_space<vmem>>)
      %scan3A_191 = arith.constant 0 : i32
      %scan3A_192 = arith.constant 0 : i32
      %scan3A_193 = arith.constant 1024 : i32
      %scan3A_194 = arith.addi %scan3A_192, %scan3A_193 : i32
      %scan3A_195 = arith.constant 1 : i32
      %scan3A_196 = scf.for %scan3A_212 = %scan3A_192 to %scan3A_194 step %scan3A_195 iter_args(%scan3A_213 = %scan3A_191) -> (i32)  : i32 {
        %mul3A_214 = arith.constant 2 : i32
        %mul3A_215 = arith.muli %mul3A_214, %scan3A_212 : i32
        %add3A_216 = vector.broadcast %mul3A_215 : i32 to vector<16xi32>
        %add3A_217 = arith.addi %add3A_216, %select_n3A : vector<16xi32>
        %gather3A = tpu.vector_load_idx %arg20[%add3A_217] : memref<2048xf32, #tpu.memory_space<vmem>>[vector<16xi32>], vector<16xf32>,
        %gather3A_218 = tpu.vector_load_idx %arg21[%add3A_217, %select_n3A_45] : memref<2048x8xf32, #tpu.memory_space<vmem>>[vector<16xi32>, vector<16xi32>], vector<16xf32>,
        %mul3A_219 = arith.mulf %gather3A_218, %gather3A : vector<16xf32>
        tpu.vector_store_idx %arg21[%add3A_217, %select_n3A_45], %mul3A_219 : memref<2048x8xf32, #tpu.memory_space<vmem>>[vector<16xi32>, vector<16xi32>], vector<16xf32>,
        %scan3A_220 = arith.constant 0 : i32
        scf.yield %scan3A_220 : i32
      }
      %scan3A_197 = arith.constant 1024 : i32
      %scan3A_198 = arith.constant 0 : i32
      %scan3A_199 = arith.constant 0 : i32
      %scan3A_200 = arith.constant 16 : i32
      %scan3A_201 = arith.addi %scan3A_199, %scan3A_200 : i32
      %scan3A_202 = arith.constant 1 : i32
      %scan3A_203 = scf.for %scan3A_212 = %scan3A_199 to %scan3A_201 step %scan3A_202 iter_args(%scan3A_213 = %scan3A_198) -> (i32)  : i32 {
        %mul3A_214 = arith.constant 128 : i32
        %mul3A_215 = arith.muli %scan3A_212, %mul3A_214 : i32
        %dma_start3A = arith.constant 0 : i32
        %dma_start3A_216 = tpu.memref_slice %arg21[%mul3A_215, %dma_start3A] : memref<2048x8xf32, #tpu.memory_space<vmem>> -> memref<128x8xf32, #tpu.memory_space<vmem>>
        %dma_start3A_217 = arith.constant 0 : i32
        %dma_start3A_218 = tpu.memref_slice %arg17[%scan3A_212, %dma_start3A_217] : memref<16x128xi32, #tpu.memory_space<vmem>> -> memref<1x128xi32, #tpu.memory_space<vmem>>
        %dma_start3A_219 = tpu.memref_squeeze %dma_start3A_218 : memref<1x128xi32, #tpu.memory_space<vmem>> -> memref<128xi32, #tpu.memory_space<vmem>>
        %dma_start3A_220 = arith.constant 0 : i32
        %dma_start3A_221 = arith.constant 0 : i32
        %dma_start3A_222 = tpu.memref_slice %arg26[%dma_start3A_220, %dma_start3A_221] : memref<100096x8xf32, #tpu.memory_space<vmem_shared>> -> memref<100096x8xf32, #tpu.memory_space<vmem_shared>>
        tpu.enqueue_indirect_dma source(%dma_start3A_216 : memref<128x8xf32, #tpu.memory_space<vmem>>) target(%dma_start3A_222 : memref<100096x8xf32, #tpu.memory_space<vmem_shared>>) offsets(%dma_start3A_219 : memref<128xi32, #tpu.memory_space<vmem>>) semaphore(%arg30 : memref<!tpu.dma_semaphore, #tpu.memory_space<semaphore_mem>>) {add = true}
        %scan3A_223 = arith.constant 0 : i32
        scf.yield %scan3A_223 : i32
      }
      %scan3A_204 = arith.constant 16 : i32
      %dma_wait3A_205 = arith.constant 0 : i32
      %dma_wait3A_206 = arith.constant 0 : i32
      %dma_wait3A_207 = tpu.memref_slice %arg6[%dma_wait3A_205, %dma_wait3A_206] : memref<100000x8xf32, #tpu.memory_space<hbm>> -> memref<2048x8xf32, #tpu.memory_space<hbm>>
      %dma_wait3A_208 = arith.constant 0 : i32
      %dma_wait3A_209 = arith.constant 0 : i32
      %dma_wait3A_210 = tpu.memref_slice %arg6[%dma_wait3A_208, %dma_wait3A_209] : memref<100000x8xf32, #tpu.memory_space<hbm>> -> memref<2048x8xf32, #tpu.memory_space<hbm>>
      tpu.wait_dma2 semaphore(%arg30 : memref<!tpu.dma_semaphore, #tpu.memory_space<semaphore_mem>>) src(%dma_wait3A_210 : memref<2048x8xf32, #tpu.memory_space<hbm>>) dst(%arg21 : memref<2048x8xf32, #tpu.memory_space<vmem>>)
      %scan3A_211 = arith.constant 0 : i32
      scf.yield %scan3A_211 : i32
    }
    %scan3A_154 = arith.constant 25 : i32
    %barrier3A_155 = arith.constant 0 : index
    tpu.barrier barrier_id(%barrier3A_155)
    %add3A_156 = arith.constant 0 : i32
    %add3A_157 = arith.addi %mul3A_2, %add3A_156 : i32
    "tpu.region"() ({
      %run_scoped3A = tpu.sem_alloc : memref<!tpu.dma_semaphore, #tpu.memory_space<semaphore_mem>>
      %dma_start3A = arith.constant 0 : i32
      %dma_start3A_167 = tpu.memref_slice %arg26[%add3A_157, %dma_start3A] : memref<100096x8xf32, #tpu.memory_space<vmem_shared>> -> memref<3128x8xf32, #tpu.memory_space<vmem_shared>>
      %dma_start3A_168 = arith.constant 0 : i32
      %dma_start3A_169 = tpu.memref_slice %arg26[%add3A_157, %dma_start3A_168] : memref<100096x8xf32, #tpu.memory_space<vmem_shared>> -> memref<3128x8xf32, #tpu.memory_space<vmem_shared>>
      tpu.enqueue_dma source(%dma_start3A_169 : memref<3128x8xf32, #tpu.memory_space<vmem_shared>>) target(%arg22 : memref<3128x8xf32, #tpu.memory_space<vmem>>) target_semaphore(%run_scoped3A : memref<!tpu.dma_semaphore, #tpu.memory_space<semaphore_mem>>)
      %dma_wait3A = arith.constant 0 : i32
      %dma_wait3A_170 = tpu.memref_slice %arg26[%add3A_157, %dma_wait3A] : memref<100096x8xf32, #tpu.memory_space<vmem_shared>> -> memref<3128x8xf32, #tpu.memory_space<vmem_shared>>
      %dma_wait3A_171 = arith.constant 0 : i32
      %dma_wait3A_172 = tpu.memref_slice %arg26[%add3A_157, %dma_wait3A_171] : memref<100096x8xf32, #tpu.memory_space<vmem_shared>> -> memref<3128x8xf32, #tpu.memory_space<vmem_shared>>
      tpu.wait_dma2 semaphore(%run_scoped3A : memref<!tpu.dma_semaphore, #tpu.memory_space<semaphore_mem>>) src(%dma_wait3A_172 : memref<3128x8xf32, #tpu.memory_space<vmem_shared>>) dst(%arg22 : memref<3128x8xf32, #tpu.memory_space<vmem>>)
      tpu.yield
    }) : () -> ()
    %add3A_158 = arith.constant 0 : i32
    %add3A_159 = arith.addi %mul3A_2, %add3A_158 : i32
    "tpu.region"() ({
      %run_scoped3A = tpu.sem_alloc : memref<!tpu.dma_semaphore, #tpu.memory_space<semaphore_mem>>
      %dma_start3A = arith.constant 0 : i32
      %dma_start3A_167 = tpu.memref_slice %arg13[%arg0, %add3A_159, %dma_start3A] : memref<2x100096x8xf32, #tpu.memory_space<hbm>> -> memref<1x3128x8xf32, #tpu.memory_space<hbm>>
      %dma_start3A_168 = tpu.memref_squeeze %dma_start3A_167 : memref<1x3128x8xf32, #tpu.memory_space<hbm>> -> memref<3128x8xf32, #tpu.memory_space<hbm>>
      %dma_start3A_169 = arith.constant 0 : i32
      %dma_start3A_170 = tpu.memref_slice %arg13[%arg0, %add3A_159, %dma_start3A_169] : memref<2x100096x8xf32, #tpu.memory_space<hbm>> -> memref<1x3128x8xf32, #tpu.memory_space<hbm>>
      %dma_start3A_171 = tpu.memref_squeeze %dma_start3A_170 : memref<1x3128x8xf32, #tpu.memory_space<hbm>> -> memref<3128x8xf32, #tpu.memory_space<hbm>>
      tpu.enqueue_dma source(%arg22 : memref<3128x8xf32, #tpu.memory_space<vmem>>) target(%dma_start3A_171 : memref<3128x8xf32, #tpu.memory_space<hbm>>) target_semaphore(%run_scoped3A : memref<!tpu.dma_semaphore, #tpu.memory_space<semaphore_mem>>)
      %dma_wait3A = arith.constant 0 : i32
      %dma_wait3A_172 = tpu.memref_slice %arg13[%arg0, %add3A_159, %dma_wait3A] : memref<2x100096x8xf32, #tpu.memory_space<hbm>> -> memref<1x3128x8xf32, #tpu.memory_space<hbm>>
      %dma_wait3A_173 = tpu.memref_squeeze %dma_wait3A_172 : memref<1x3128x8xf32, #tpu.memory_space<hbm>> -> memref<3128x8xf32, #tpu.memory_space<hbm>>
      %dma_wait3A_174 = arith.constant 0 : i32
      %dma_wait3A_175 = tpu.memref_slice %arg13[%arg0, %add3A_159, %dma_wait3A_174] : memref<2x100096x8xf32, #tpu.memory_space<hbm>> -> memref<1x3128x8xf32, #tpu.memory_space<hbm>>
      %dma_wait3A_176 = tpu.memref_squeeze %dma_wait3A_175 : memref<1x3128x8xf32, #tpu.memory_space<hbm>> -> memref<3128x8xf32, #tpu.memory_space<hbm>>
      tpu.wait_dma2 semaphore(%run_scoped3A : memref<!tpu.dma_semaphore, #tpu.memory_space<semaphore_mem>>) src(%arg22 : memref<3128x8xf32, #tpu.memory_space<vmem>>) dst(%dma_wait3A_176 : memref<3128x8xf32, #tpu.memory_space<hbm>>)
      tpu.yield
    }) : () -> ()
    %add3A_160 = arith.constant 3128 : i32
    %add3A_161 = arith.addi %mul3A_2, %add3A_160 : i32
    "tpu.region"() ({
      %run_scoped3A = tpu.sem_alloc : memref<!tpu.dma_semaphore, #tpu.memory_space<semaphore_mem>>
      %dma_start3A = arith.constant 0 : i32
      %dma_start3A_167 = tpu.memref_slice %arg26[%add3A_161, %dma_start3A] : memref<100096x8xf32, #tpu.memory_space<vmem_shared>> -> memref<3128x8xf32, #tpu.memory_space<vmem_shared>>
      %dma_start3A_168 = arith.constant 0 : i32
      %dma_start3A_169 = tpu.memref_slice %arg26[%add3A_161, %dma_start3A_168] : memref<100096x8xf32, #tpu.memory_space<vmem_shared>> -> memref<3128x8xf32, #tpu.memory_space<vmem_shared>>
      tpu.enqueue_dma source(%dma_start3A_169 : memref<3128x8xf32, #tpu.memory_space<vmem_shared>>) target(%arg22 : memref<3128x8xf32, #tpu.memory_space<vmem>>) target_semaphore(%run_scoped3A : memref<!tpu.dma_semaphore, #tpu.memory_space<semaphore_mem>>)
      %dma_wait3A = arith.constant 0 : i32
      %dma_wait3A_170 = tpu.memref_slice %arg26[%add3A_161, %dma_wait3A] : memref<100096x8xf32, #tpu.memory_space<vmem_shared>> -> memref<3128x8xf32, #tpu.memory_space<vmem_shared>>
      %dma_wait3A_171 = arith.constant 0 : i32
      %dma_wait3A_172 = tpu.memref_slice %arg26[%add3A_161, %dma_wait3A_171] : memref<100096x8xf32, #tpu.memory_space<vmem_shared>> -> memref<3128x8xf32, #tpu.memory_space<vmem_shared>>
      tpu.wait_dma2 semaphore(%run_scoped3A : memref<!tpu.dma_semaphore, #tpu.memory_space<semaphore_mem>>) src(%dma_wait3A_172 : memref<3128x8xf32, #tpu.memory_space<vmem_shared>>) dst(%arg22 : memref<3128x8xf32, #tpu.memory_space<vmem>>)
      tpu.yield
    }) : () -> ()
    %add3A_162 = arith.constant 3128 : i32
    %add3A_163 = arith.addi %mul3A_2, %add3A_162 : i32
    "tpu.region"() ({
      %run_scoped3A = tpu.sem_alloc : memref<!tpu.dma_semaphore, #tpu.memory_space<semaphore_mem>>
      %dma_start3A = arith.constant 0 : i32
      %dma_start3A_167 = tpu.memref_slice %arg13[%arg0, %add3A_163, %dma_start3A] : memref<2x100096x8xf32, #tpu.memory_space<hbm>> -> memref<1x3128x8xf32, #tpu.memory_space<hbm>>
      %dma_start3A_168 = tpu.memref_squeeze %dma_start3A_167 : memref<1x3128x8xf32, #tpu.memory_space<hbm>> -> memref<3128x8xf32, #tpu.memory_space<hbm>>
      %dma_start3A_169 = arith.constant 0 : i32
      %dma_start3A_170 = tpu.memref_slice %arg13[%arg0, %add3A_163, %dma_start3A_169] : memref<2x100096x8xf32, #tpu.memory_space<hbm>> -> memref<1x3128x8xf32, #tpu.memory_space<hbm>>
      %dma_start3A_171 = tpu.memref_squeeze %dma_start3A_170 : memref<1x3128x8xf32, #tpu.memory_space<hbm>> -> memref<3128x8xf32, #tpu.memory_space<hbm>>
      tpu.enqueue_dma source(%arg22 : memref<3128x8xf32, #tpu.memory_space<vmem>>) target(%dma_start3A_171 : memref<3128x8xf32, #tpu.memory_space<hbm>>) target_semaphore(%run_scoped3A : memref<!tpu.dma_semaphore, #tpu.memory_space<semaphore_mem>>)
      %dma_wait3A = arith.constant 0 : i32
      %dma_wait3A_172 = tpu.memref_slice %arg13[%arg0, %add3A_163, %dma_wait3A] : memref<2x100096x8xf32, #tpu.memory_space<hbm>> -> memref<1x3128x8xf32, #tpu.memory_space<hbm>>
      %dma_wait3A_173 = tpu.memref_squeeze %dma_wait3A_172 : memref<1x3128x8xf32, #tpu.memory_space<hbm>> -> memref<3128x8xf32, #tpu.memory_space<hbm>>
      %dma_wait3A_174 = arith.constant 0 : i32
      %dma_wait3A_175 = tpu.memref_slice %arg13[%arg0, %add3A_163, %dma_wait3A_174] : memref<2x100096x8xf32, #tpu.memory_space<hbm>> -> memref<1x3128x8xf32, #tpu.memory_space<hbm>>
      %dma_wait3A_176 = tpu.memref_squeeze %dma_wait3A_175 : memref<1x3128x8xf32, #tpu.memory_space<hbm>> -> memref<3128x8xf32, #tpu.memory_space<hbm>>
      tpu.wait_dma2 semaphore(%run_scoped3A : memref<!tpu.dma_semaphore, #tpu.memory_space<semaphore_mem>>) src(%arg22 : memref<3128x8xf32, #tpu.memory_space<vmem>>) dst(%dma_wait3A_176 : memref<3128x8xf32, #tpu.memory_space<hbm>>)
      tpu.yield
    }) : () -> ()
    "tpu.region"() ({
      %run_scoped3A = tpu.sem_alloc : memref<!tpu.dma_semaphore, #tpu.memory_space<semaphore_mem>>
      %dma_start3A = tpu.memref_slice %arg27[%mul3A_2] : memref<100096xf32, #tpu.memory_space<vmem_shared>> -> memref<6256xf32, #tpu.memory_space<vmem_shared>>
      %dma_start3A_167 = tpu.memref_slice %arg27[%mul3A_2] : memref<100096xf32, #tpu.memory_space<vmem_shared>> -> memref<6256xf32, #tpu.memory_space<vmem_shared>>
      tpu.enqueue_dma source(%dma_start3A_167 : memref<6256xf32, #tpu.memory_space<vmem_shared>>) target(%arg23 : memref<6256xf32, #tpu.memory_space<vmem>>) target_semaphore(%run_scoped3A : memref<!tpu.dma_semaphore, #tpu.memory_space<semaphore_mem>>)
      %dma_wait3A = tpu.memref_slice %arg27[%mul3A_2] : memref<100096xf32, #tpu.memory_space<vmem_shared>> -> memref<6256xf32, #tpu.memory_space<vmem_shared>>
      %dma_wait3A_168 = tpu.memref_slice %arg27[%mul3A_2] : memref<100096xf32, #tpu.memory_space<vmem_shared>> -> memref<6256xf32, #tpu.memory_space<vmem_shared>>
      tpu.wait_dma2 semaphore(%run_scoped3A : memref<!tpu.dma_semaphore, #tpu.memory_space<semaphore_mem>>) src(%dma_wait3A_168 : memref<6256xf32, #tpu.memory_space<vmem_shared>>) dst(%arg23 : memref<6256xf32, #tpu.memory_space<vmem>>)
      tpu.yield
    }) : () -> ()
    %mul3A_164 = arith.constant 100096 : i32
    %mul3A_165 = arith.muli %arg0, %mul3A_164 : i32
    %add3A_166 = arith.addi %mul3A_165, %mul3A_2 : i32
    "tpu.region"() ({
      %run_scoped3A = tpu.sem_alloc : memref<!tpu.dma_semaphore, #tpu.memory_space<semaphore_mem>>
      %dma_start3A = tpu.memref_slice %arg14[%add3A_166] : memref<200192xf32, #tpu.memory_space<hbm>> -> memref<6256xf32, #tpu.memory_space<hbm>>
      %dma_start3A_167 = tpu.memref_slice %arg14[%add3A_166] : memref<200192xf32, #tpu.memory_space<hbm>> -> memref<6256xf32, #tpu.memory_space<hbm>>
      tpu.enqueue_dma source(%arg23 : memref<6256xf32, #tpu.memory_space<vmem>>) target(%dma_start3A_167 : memref<6256xf32, #tpu.memory_space<hbm>>) target_semaphore(%run_scoped3A : memref<!tpu.dma_semaphore, #tpu.memory_space<semaphore_mem>>)
      %dma_wait3A = tpu.memref_slice %arg14[%add3A_166] : memref<200192xf32, #tpu.memory_space<hbm>> -> memref<6256xf32, #tpu.memory_space<hbm>>
      %dma_wait3A_168 = tpu.memref_slice %arg14[%add3A_166] : memref<200192xf32, #tpu.memory_space<hbm>> -> memref<6256xf32, #tpu.memory_space<hbm>>
      tpu.wait_dma2 semaphore(%run_scoped3A : memref<!tpu.dma_semaphore, #tpu.memory_space<semaphore_mem>>) src(%arg23 : memref<6256xf32, #tpu.memory_space<vmem>>) dst(%dma_wait3A_168 : memref<6256xf32, #tpu.memory_space<hbm>>)
      tpu.yield
    }) : () -> ()
    return
  }
}

module attributes {stable_mosaic.version = 14 : i64} {
  func.func @_tc1_body(%arg0: i32, %arg1: memref<2000x48xf32, #tpu.memory_space<vmem>>, %arg2: memref<48x32xf32, #tpu.memory_space<vmem>>, %arg3: memref<1x32xf32, #tpu.memory_space<vmem>>, %arg4: memref<32x32xf32, #tpu.memory_space<vmem>>, %arg5: memref<32x1xf32, #tpu.memory_space<vmem>>, %arg6: memref<32x1xf32, #tpu.memory_space<vmem>>, %arg7: memref<2000x32xf32, #tpu.memory_space<vmem>>, %arg8: memref<2000x8xf32, #tpu.memory_space<vmem>>, %arg9: memref<2000x8xf32, #tpu.memory_space<vmem>>, %arg10: memref<2000x8xf32, #tpu.memory_space<vmem>>, %arg11: memref<2000x8xf32, #tpu.memory_space<vmem>>, %arg12: memref<2000x1xf32, #tpu.memory_space<vmem>>, %arg13: memref<2000x1xf32, #tpu.memory_space<vmem>>) attributes {dimension_semantics = [#tpu.dimension_semantics<arbitrary>], iteration_bounds = array<i64: 50>, scalar_prefetch = 0 : i64, scratch_operands = 0 : i64, tpu.core_type = #tpu.core_type<tc>, window_params = [{transform_indices = @transform_0, window_bounds = array<i64: 2000, 48>}, {pipeline_mode = #tpu.pipeline_mode<synchronous>, transform_indices = @transform_1, window_bounds = array<i64: 48, 32>}, {pipeline_mode = #tpu.pipeline_mode<synchronous>, transform_indices = @transform_2, window_bounds = array<i64: 1, 32>}, {pipeline_mode = #tpu.pipeline_mode<synchronous>, transform_indices = @transform_3, window_bounds = array<i64: 32, 32>}, {pipeline_mode = #tpu.pipeline_mode<synchronous>, transform_indices = @transform_4, window_bounds = array<i64: 32, 1>}, {pipeline_mode = #tpu.pipeline_mode<synchronous>, transform_indices = @transform_5, window_bounds = array<i64: 32, 1>}, {transform_indices = @transform_6, window_bounds = array<i64: 2000, 32>}, {transform_indices = @transform_7, window_bounds = array<i64: 2000, 8>}, {transform_indices = @transform_8, window_bounds = array<i64: 2000, 8>}, {transform_indices = @transform_9, window_bounds = array<i64: 2000, 8>}, {transform_indices = @transform_10, window_bounds = array<i64: 2000, 8>}, {transform_indices = @transform_11, window_bounds = array<i64: 2000, 1>}, {transform_indices = @transform_12, window_bounds = array<i64: 2000, 1>}]} {
    %get3A = arith.constant 0 : index
    %get3A_0 = arith.constant 0 : index
    %get3A_1 = vector.load %arg1[%get3A, %get3A_0] : memref<2000x48xf32, #tpu.memory_space<vmem>>, vector<2000x48xf32>
    %get3A_2 = arith.constant 0 : index
    %get3A_3 = arith.constant 0 : index
    %get3A_4 = vector.load %arg2[%get3A_2, %get3A_3] : memref<48x32xf32, #tpu.memory_space<vmem>>, vector<48x32xf32>
    %dot_general3A = arith.constant dense<0.000000e+00> : vector<2000x32xf32>
    %dot_general3A_5 = tpu.matmul %get3A_1, %get3A_4, %dot_general3A {dimension_numbers = #tpu.dot_dimension_numbers<[1], [0], [0], [1], [0, 0, 1, 1], [], []>, precision = #tpu.contract_precision<fp32>, transpose_lhs_hint = false} : vector<2000x48xf32>, vector<48x32xf32>, vector<2000x32xf32> -> vector<2000x32xf32>
    %get3A_6 = arith.constant 0 : index
    %get3A_7 = arith.constant 0 : index
    %get3A_8 = vector.load %arg3[%get3A_6, %get3A_7] : memref<1x32xf32, #tpu.memory_space<vmem>>, vector<1x32xf32>
    %add3A = vector.broadcast %get3A_8 : vector<1x32xf32> to vector<2000x32xf32>
    %add3A_9 = arith.addf %dot_general3A_5, %add3A : vector<2000x32xf32>
    %gt3A = arith.constant 0.000000e+00 : f32
    %gt3A_10 = vector.broadcast %gt3A : f32 to vector<2000x32xf32>
    %gt3A_11 = arith.cmpf ogt, %add3A_9, %gt3A_10 : vector<2000x32xf32>
    %exp3A = math.exp %add3A_9 : vector<2000x32xf32>
    %sub3A = arith.constant 1.000000e+00 : f32
    %sub3A_12 = vector.broadcast %sub3A : f32 to vector<2000x32xf32>
    %sub3A_13 = arith.subf %exp3A, %sub3A_12 : vector<2000x32xf32>
    %select_n3A = arith.select %gt3A_11, %add3A_9, %sub3A_13 : vector<2000x32xi1>, vector<2000x32xf32>
    %get3A_14 = arith.constant 0 : index
    %get3A_15 = arith.constant 0 : index
    %get3A_16 = vector.load %arg4[%get3A_14, %get3A_15] : memref<32x32xf32, #tpu.memory_space<vmem>>, vector<32x32xf32>
    %dot_general3A_17 = arith.constant dense<0.000000e+00> : vector<2000x32xf32>
    %dot_general3A_18 = tpu.matmul %select_n3A, %get3A_16, %dot_general3A_17 {dimension_numbers = #tpu.dot_dimension_numbers<[1], [0], [0], [1], [0, 0, 1, 1], [], []>, precision = #tpu.contract_precision<fp32>, transpose_lhs_hint = false} : vector<2000x32xf32>, vector<32x32xf32>, vector<2000x32xf32> -> vector<2000x32xf32>
    %swap3A = arith.constant 0 : index
    %swap3A_19 = arith.constant 0 : index
    %swap3A_20 = vector.load %arg7[%swap3A, %swap3A_19] : memref<2000x32xf32, #tpu.memory_space<vmem>>, vector<2000x32xf32>
    tpu.vector_store %arg7[%swap3A, %swap3A_19], %select_n3A {strides = array<i32>} : memref<2000x32xf32, #tpu.memory_space<vmem>>, vector<2000x32xf32>,
    %slice3A = vector.extract_strided_slice %dot_general3A_18 {offsets = [0, 0], sizes = [2000, 8], strides = [1, 1]} : vector<2000x32xf32> to vector<2000x8xf32>
    %swap3A_21 = arith.constant 0 : index
    %swap3A_22 = arith.constant 0 : index
    %swap3A_23 = vector.load %arg8[%swap3A_21, %swap3A_22] : memref<2000x8xf32, #tpu.memory_space<vmem>>, vector<2000x8xf32>
    tpu.vector_store %arg8[%swap3A_21, %swap3A_22], %slice3A {strides = array<i32>} : memref<2000x8xf32, #tpu.memory_space<vmem>>, vector<2000x8xf32>,
    %slice3A_24 = vector.extract_strided_slice %dot_general3A_18 {offsets = [0, 8], sizes = [2000, 8], strides = [1, 1]} : vector<2000x32xf32> to vector<2000x8xf32>
    %swap3A_25 = arith.constant 0 : index
    %swap3A_26 = arith.constant 0 : index
    %swap3A_27 = vector.load %arg9[%swap3A_25, %swap3A_26] : memref<2000x8xf32, #tpu.memory_space<vmem>>, vector<2000x8xf32>
    tpu.vector_store %arg9[%swap3A_25, %swap3A_26], %slice3A_24 {strides = array<i32>} : memref<2000x8xf32, #tpu.memory_space<vmem>>, vector<2000x8xf32>,
    %slice3A_28 = vector.extract_strided_slice %dot_general3A_18 {offsets = [0, 16], sizes = [2000, 8], strides = [1, 1]} : vector<2000x32xf32> to vector<2000x8xf32>
    %swap3A_29 = arith.constant 0 : index
    %swap3A_30 = arith.constant 0 : index
    %swap3A_31 = vector.load %arg10[%swap3A_29, %swap3A_30] : memref<2000x8xf32, #tpu.memory_space<vmem>>, vector<2000x8xf32>
    tpu.vector_store %arg10[%swap3A_29, %swap3A_30], %slice3A_28 {strides = array<i32>} : memref<2000x8xf32, #tpu.memory_space<vmem>>, vector<2000x8xf32>,
    %slice3A_32 = vector.extract_strided_slice %dot_general3A_18 {offsets = [0, 24], sizes = [2000, 8], strides = [1, 1]} : vector<2000x32xf32> to vector<2000x8xf32>
    %swap3A_33 = arith.constant 0 : index
    %swap3A_34 = arith.constant 0 : index
    %swap3A_35 = vector.load %arg11[%swap3A_33, %swap3A_34] : memref<2000x8xf32, #tpu.memory_space<vmem>>, vector<2000x8xf32>
    tpu.vector_store %arg11[%swap3A_33, %swap3A_34], %slice3A_32 {strides = array<i32>} : memref<2000x8xf32, #tpu.memory_space<vmem>>, vector<2000x8xf32>,
    %get3A_36 = arith.constant 0 : index
    %get3A_37 = arith.constant 0 : index
    %get3A_38 = vector.load %arg5[%get3A_36, %get3A_37] : memref<32x1xf32, #tpu.memory_space<vmem>>, vector<32x1xf32>
    %dot_general3A_39 = arith.constant dense<0.000000e+00> : vector<2000x1xf32>
    %dot_general3A_40 = tpu.matmul %dot_general3A_18, %get3A_38, %dot_general3A_39 {dimension_numbers = #tpu.dot_dimension_numbers<[1], [0], [0], [1], [0, 0, 1, 1], [], []>, precision = #tpu.contract_precision<fp32>, transpose_lhs_hint = false} : vector<2000x32xf32>, vector<32x1xf32>, vector<2000x1xf32> -> vector<2000x1xf32>
    %swap3A_41 = arith.constant 0 : index
    %swap3A_42 = arith.constant 0 : index
    %swap3A_43 = vector.load %arg12[%swap3A_41, %swap3A_42] : memref<2000x1xf32, #tpu.memory_space<vmem>>, vector<2000x1xf32>
    tpu.vector_store %arg12[%swap3A_41, %swap3A_42], %dot_general3A_40 {strides = array<i32>} : memref<2000x1xf32, #tpu.memory_space<vmem>>, vector<2000x1xf32>,
    %get3A_44 = arith.constant 0 : index
    %get3A_45 = arith.constant 0 : index
    %get3A_46 = vector.load %arg6[%get3A_44, %get3A_45] : memref<32x1xf32, #tpu.memory_space<vmem>>, vector<32x1xf32>
    %dot_general3A_47 = arith.constant dense<0.000000e+00> : vector<2000x1xf32>
    %dot_general3A_48 = tpu.matmul %dot_general3A_18, %get3A_46, %dot_general3A_47 {dimension_numbers = #tpu.dot_dimension_numbers<[1], [0], [0], [1], [0, 0, 1, 1], [], []>, precision = #tpu.contract_precision<fp32>, transpose_lhs_hint = false} : vector<2000x32xf32>, vector<32x1xf32>, vector<2000x1xf32> -> vector<2000x1xf32>
    %swap3A_49 = arith.constant 0 : index
    %swap3A_50 = arith.constant 0 : index
    %swap3A_51 = vector.load %arg13[%swap3A_49, %swap3A_50] : memref<2000x1xf32, #tpu.memory_space<vmem>>, vector<2000x1xf32>
    tpu.vector_store %arg13[%swap3A_49, %swap3A_50], %dot_general3A_48 {strides = array<i32>} : memref<2000x1xf32, #tpu.memory_space<vmem>>, vector<2000x1xf32>,
    return
  }
  func.func @transform_0(%arg0: i32) -> (i32, i32) {
    %c0_i32 = arith.constant 0 : i32
    %c0_i32_0 = arith.constant 0 : i32
    return %arg0, %c0_i32 : i32, i32
  }
  func.func @transform_1(%arg0: i32) -> (i32, i32) {
    %c0_i32 = arith.constant 0 : i32
    %c0_i32_0 = arith.constant 0 : i32
    %c0_i32_1 = arith.constant 0 : i32
    return %c0_i32, %c0_i32_0 : i32, i32
  }
  func.func @transform_2(%arg0: i32) -> (i32, i32) {
    %c0_i32 = arith.constant 0 : i32
    %c0_i32_0 = arith.constant 0 : i32
    %c0_i32_1 = arith.constant 0 : i32
    return %c0_i32, %c0_i32_0 : i32, i32
  }
  func.func @transform_3(%arg0: i32) -> (i32, i32) {
    %c0_i32 = arith.constant 0 : i32
    %c0_i32_0 = arith.constant 0 : i32
    %c0_i32_1 = arith.constant 0 : i32
    return %c0_i32, %c0_i32_0 : i32, i32
  }
  func.func @transform_4(%arg0: i32) -> (i32, i32) {
    %c0_i32 = arith.constant 0 : i32
    %c0_i32_0 = arith.constant 0 : i32
    %c0_i32_1 = arith.constant 0 : i32
    return %c0_i32, %c0_i32_0 : i32, i32
  }
  func.func @transform_5(%arg0: i32) -> (i32, i32) {
    %c0_i32 = arith.constant 0 : i32
    %c0_i32_0 = arith.constant 0 : i32
    %c0_i32_1 = arith.constant 0 : i32
    return %c0_i32, %c0_i32_0 : i32, i32
  }
  func.func @transform_6(%arg0: i32) -> (i32, i32) {
    %c0_i32 = arith.constant 0 : i32
    %c0_i32_0 = arith.constant 0 : i32
    return %arg0, %c0_i32 : i32, i32
  }
  func.func @transform_7(%arg0: i32) -> (i32, i32) {
    %c0_i32 = arith.constant 0 : i32
    %c0_i32_0 = arith.constant 0 : i32
    return %arg0, %c0_i32 : i32, i32
  }
  func.func @transform_8(%arg0: i32) -> (i32, i32) {
    %c0_i32 = arith.constant 0 : i32
    %c0_i32_0 = arith.constant 0 : i32
    return %arg0, %c0_i32 : i32, i32
  }
  func.func @transform_9(%arg0: i32) -> (i32, i32) {
    %c0_i32 = arith.constant 0 : i32
    %c0_i32_0 = arith.constant 0 : i32
    return %arg0, %c0_i32 : i32, i32
  }
  func.func @transform_10(%arg0: i32) -> (i32, i32) {
    %c0_i32 = arith.constant 0 : i32
    %c0_i32_0 = arith.constant 0 : i32
    return %arg0, %c0_i32 : i32, i32
  }
  func.func @transform_11(%arg0: i32) -> (i32, i32) {
    %c0_i32 = arith.constant 0 : i32
    %c0_i32_0 = arith.constant 0 : i32
    return %arg0, %c0_i32 : i32, i32
  }
  func.func @transform_12(%arg0: i32) -> (i32, i32) {
    %c0_i32 = arith.constant 0 : i32
    %c0_i32_0 = arith.constant 0 : i32
    return %arg0, %c0_i32 : i32, i32
  }
}

module attributes {stable_mosaic.version = 14 : i64} {
  func.func @_tc2_body(%arg0: i32, %arg1: memref<2000x32xf32, #tpu.memory_space<vmem>>, %arg2: memref<2000x8xf32, #tpu.memory_space<vmem>>, %arg3: memref<2000x8xf32, #tpu.memory_space<vmem>>, %arg4: memref<2000x8xf32, #tpu.memory_space<vmem>>, %arg5: memref<2000x8xf32, #tpu.memory_space<vmem>>, %arg6: memref<2000x8xf32, #tpu.memory_space<vmem>>, %arg7: memref<2000x8xf32, #tpu.memory_space<vmem>>, %arg8: memref<2000x8xf32, #tpu.memory_space<vmem>>, %arg9: memref<2000x8xf32, #tpu.memory_space<vmem>>, %arg10: memref<2000x1xf32, #tpu.memory_space<vmem>>, %arg11: memref<2000x1xf32, #tpu.memory_space<vmem>>, %arg12: memref<32x32xf32, #tpu.memory_space<vmem>>, %arg13: memref<1x32xf32, #tpu.memory_space<vmem>>, %arg14: memref<32x6xf32, #tpu.memory_space<vmem>>, %arg15: memref<1x6xf32, #tpu.memory_space<vmem>>, %arg16: memref<2000x6xf32, #tpu.memory_space<vmem>>) attributes {dimension_semantics = [#tpu.dimension_semantics<arbitrary>], iteration_bounds = array<i64: 50>, scalar_prefetch = 0 : i64, scratch_operands = 0 : i64, tpu.core_type = #tpu.core_type<tc>, window_params = [{transform_indices = @transform_0, window_bounds = array<i64: 2000, 32>}, {transform_indices = @transform_1, window_bounds = array<i64: 2000, 8>}, {transform_indices = @transform_2, window_bounds = array<i64: 2000, 8>}, {transform_indices = @transform_3, window_bounds = array<i64: 2000, 8>}, {transform_indices = @transform_4, window_bounds = array<i64: 2000, 8>}, {transform_indices = @transform_5, window_bounds = array<i64: 2000, 8>}, {transform_indices = @transform_6, window_bounds = array<i64: 2000, 8>}, {transform_indices = @transform_7, window_bounds = array<i64: 2000, 8>}, {transform_indices = @transform_8, window_bounds = array<i64: 2000, 8>}, {transform_indices = @transform_9, window_bounds = array<i64: 2000, 1>}, {transform_indices = @transform_10, window_bounds = array<i64: 2000, 1>}, {pipeline_mode = #tpu.pipeline_mode<synchronous>, transform_indices = @transform_11, window_bounds = array<i64: 32, 32>}, {pipeline_mode = #tpu.pipeline_mode<synchronous>, transform_indices = @transform_12, window_bounds = array<i64: 1, 32>}, {pipeline_mode = #tpu.pipeline_mode<synchronous>, transform_indices = @transform_13, window_bounds = array<i64: 32, 6>}, {pipeline_mode = #tpu.pipeline_mode<synchronous>, transform_indices = @transform_14, window_bounds = array<i64: 1, 6>}, {transform_indices = @transform_15, window_bounds = array<i64: 2000, 6>}]} {
    %get3A = arith.constant 0 : index
    %get3A_0 = arith.constant 0 : index
    %get3A_1 = vector.load %arg10[%get3A, %get3A_0] : memref<2000x1xf32, #tpu.memory_space<vmem>>, vector<2000x1xf32>
    %get3A_2 = arith.constant 0 : index
    %get3A_3 = arith.constant 0 : index
    %get3A_4 = vector.load %arg11[%get3A_2, %get3A_3] : memref<2000x1xf32, #tpu.memory_space<vmem>>, vector<2000x1xf32>
    %add3A = arith.addf %get3A_1, %get3A_4 : vector<2000x1xf32>
    %add3A_5 = arith.constant 1.000000e-16 : f32
    %add3A_6 = vector.broadcast %add3A_5 : f32 to vector<2000x1xf32>
    %add3A_7 = arith.addf %add3A, %add3A_6 : vector<2000x1xf32>
    %get3A_8 = arith.constant 0 : index
    %get3A_9 = arith.constant 0 : index
    %get3A_10 = vector.load %arg2[%get3A_8, %get3A_9] : memref<2000x8xf32, #tpu.memory_space<vmem>>, vector<2000x8xf32>
    %get3A_11 = arith.constant 0 : index
    %get3A_12 = arith.constant 0 : index
    %get3A_13 = vector.load %arg3[%get3A_11, %get3A_12] : memref<2000x8xf32, #tpu.memory_space<vmem>>, vector<2000x8xf32>
    %add3A_14 = arith.addf %get3A_10, %get3A_13 : vector<2000x8xf32>
    %get3A_15 = arith.constant 0 : index
    %get3A_16 = arith.constant 0 : index
    %get3A_17 = vector.load %arg4[%get3A_15, %get3A_16] : memref<2000x8xf32, #tpu.memory_space<vmem>>, vector<2000x8xf32>
    %get3A_18 = arith.constant 0 : index
    %get3A_19 = arith.constant 0 : index
    %get3A_20 = vector.load %arg5[%get3A_18, %get3A_19] : memref<2000x8xf32, #tpu.memory_space<vmem>>, vector<2000x8xf32>
    %add3A_21 = arith.addf %get3A_17, %get3A_20 : vector<2000x8xf32>
    %get3A_22 = arith.constant 0 : index
    %get3A_23 = arith.constant 0 : index
    %get3A_24 = vector.load %arg6[%get3A_22, %get3A_23] : memref<2000x8xf32, #tpu.memory_space<vmem>>, vector<2000x8xf32>
    %get3A_25 = arith.constant 0 : index
    %get3A_26 = arith.constant 0 : index
    %get3A_27 = vector.load %arg7[%get3A_25, %get3A_26] : memref<2000x8xf32, #tpu.memory_space<vmem>>, vector<2000x8xf32>
    %add3A_28 = arith.addf %get3A_24, %get3A_27 : vector<2000x8xf32>
    %get3A_29 = arith.constant 0 : index
    %get3A_30 = arith.constant 0 : index
    %get3A_31 = vector.load %arg8[%get3A_29, %get3A_30] : memref<2000x8xf32, #tpu.memory_space<vmem>>, vector<2000x8xf32>
    %get3A_32 = arith.constant 0 : index
    %get3A_33 = arith.constant 0 : index
    %get3A_34 = vector.load %arg9[%get3A_32, %get3A_33] : memref<2000x8xf32, #tpu.memory_space<vmem>>, vector<2000x8xf32>
    %add3A_35 = arith.addf %get3A_31, %get3A_34 : vector<2000x8xf32>
    %concatenate3A = tpu.concatenate %add3A_14, %add3A_21, %add3A_28, %add3A_35 in 1 : vector<2000x8xf32>, vector<2000x8xf32>, vector<2000x8xf32>, vector<2000x8xf32> -> vector<2000x32xf32>
    %div3A = vector.broadcast %add3A_7 : vector<2000x1xf32> to vector<2000x32xf32>
    %div3A_36 = arith.divf %concatenate3A, %div3A : vector<2000x32xf32>
    %get3A_37 = arith.constant 0 : index
    %get3A_38 = arith.constant 0 : index
    %get3A_39 = vector.load %arg1[%get3A_37, %get3A_38] : memref<2000x32xf32, #tpu.memory_space<vmem>>, vector<2000x32xf32>
    %add3A_40 = arith.addf %get3A_39, %div3A_36 : vector<2000x32xf32>
    %gt3A = arith.constant 0.000000e+00 : f32
    %gt3A_41 = vector.broadcast %gt3A : f32 to vector<2000x32xf32>
    %gt3A_42 = arith.cmpf ogt, %add3A_40, %gt3A_41 : vector<2000x32xf32>
    %exp3A = math.exp %add3A_40 : vector<2000x32xf32>
    %sub3A = arith.constant 1.000000e+00 : f32
    %sub3A_43 = vector.broadcast %sub3A : f32 to vector<2000x32xf32>
    %sub3A_44 = arith.subf %exp3A, %sub3A_43 : vector<2000x32xf32>
    %select_n3A = arith.select %gt3A_42, %add3A_40, %sub3A_44 : vector<2000x32xi1>, vector<2000x32xf32>
    %get3A_45 = arith.constant 0 : index
    %get3A_46 = arith.constant 0 : index
    %get3A_47 = vector.load %arg12[%get3A_45, %get3A_46] : memref<32x32xf32, #tpu.memory_space<vmem>>, vector<32x32xf32>
    %dot_general3A = arith.constant dense<0.000000e+00> : vector<2000x32xf32>
    %dot_general3A_48 = tpu.matmul %select_n3A, %get3A_47, %dot_general3A {dimension_numbers = #tpu.dot_dimension_numbers<[1], [0], [0], [1], [0, 0, 1, 1], [], []>, precision = #tpu.contract_precision<fp32>, transpose_lhs_hint = false} : vector<2000x32xf32>, vector<32x32xf32>, vector<2000x32xf32> -> vector<2000x32xf32>
    %get3A_49 = arith.constant 0 : index
    %get3A_50 = arith.constant 0 : index
    %get3A_51 = vector.load %arg13[%get3A_49, %get3A_50] : memref<1x32xf32, #tpu.memory_space<vmem>>, vector<1x32xf32>
    %add3A_52 = vector.broadcast %get3A_51 : vector<1x32xf32> to vector<2000x32xf32>
    %add3A_53 = arith.addf %dot_general3A_48, %add3A_52 : vector<2000x32xf32>
    %gt3A_54 = arith.constant 0.000000e+00 : f32
    %gt3A_55 = vector.broadcast %gt3A_54 : f32 to vector<2000x32xf32>
    %gt3A_56 = arith.cmpf ogt, %add3A_53, %gt3A_55 : vector<2000x32xf32>
    %exp3A_57 = math.exp %add3A_53 : vector<2000x32xf32>
    %sub3A_58 = arith.constant 1.000000e+00 : f32
    %sub3A_59 = vector.broadcast %sub3A_58 : f32 to vector<2000x32xf32>
    %sub3A_60 = arith.subf %exp3A_57, %sub3A_59 : vector<2000x32xf32>
    %select_n3A_61 = arith.select %gt3A_56, %add3A_53, %sub3A_60 : vector<2000x32xi1>, vector<2000x32xf32>
    %get3A_62 = arith.constant 0 : index
    %get3A_63 = arith.constant 0 : index
    %get3A_64 = vector.load %arg14[%get3A_62, %get3A_63] : memref<32x6xf32, #tpu.memory_space<vmem>>, vector<32x6xf32>
    %dot_general3A_65 = arith.constant dense<0.000000e+00> : vector<2000x6xf32>
    %dot_general3A_66 = tpu.matmul %select_n3A_61, %get3A_64, %dot_general3A_65 {dimension_numbers = #tpu.dot_dimension_numbers<[1], [0], [0], [1], [0, 0, 1, 1], [], []>, precision = #tpu.contract_precision<fp32>, transpose_lhs_hint = false} : vector<2000x32xf32>, vector<32x6xf32>, vector<2000x6xf32> -> vector<2000x6xf32>
    %get3A_67 = arith.constant 0 : index
    %get3A_68 = arith.constant 0 : index
    %get3A_69 = vector.load %arg15[%get3A_67, %get3A_68] : memref<1x6xf32, #tpu.memory_space<vmem>>, vector<1x6xf32>
    %add3A_70 = vector.broadcast %get3A_69 : vector<1x6xf32> to vector<2000x6xf32>
    %add3A_71 = arith.addf %dot_general3A_66, %add3A_70 : vector<2000x6xf32>
    %swap3A = arith.constant 0 : index
    %swap3A_72 = arith.constant 0 : index
    %swap3A_73 = vector.load %arg16[%swap3A, %swap3A_72] : memref<2000x6xf32, #tpu.memory_space<vmem>>, vector<2000x6xf32>
    tpu.vector_store %arg16[%swap3A, %swap3A_72], %add3A_71 {strides = array<i32>} : memref<2000x6xf32, #tpu.memory_space<vmem>>, vector<2000x6xf32>,
    return
  }
  func.func @transform_0(%arg0: i32) -> (i32, i32) {
    %c0_i32 = arith.constant 0 : i32
    %c0_i32_0 = arith.constant 0 : i32
    return %arg0, %c0_i32 : i32, i32
  }
  func.func @transform_1(%arg0: i32) -> (i32, i32) {
    %c0_i32 = arith.constant 0 : i32
    %c0_i32_0 = arith.constant 0 : i32
    return %arg0, %c0_i32 : i32, i32
  }
  func.func @transform_2(%arg0: i32) -> (i32, i32) {
    %c0_i32 = arith.constant 0 : i32
    %c0_i32_0 = arith.constant 0 : i32
    return %arg0, %c0_i32 : i32, i32
  }
  func.func @transform_3(%arg0: i32) -> (i32, i32) {
    %c0_i32 = arith.constant 0 : i32
    %c0_i32_0 = arith.constant 0 : i32
    return %arg0, %c0_i32 : i32, i32
  }
  func.func @transform_4(%arg0: i32) -> (i32, i32) {
    %c0_i32 = arith.constant 0 : i32
    %c0_i32_0 = arith.constant 0 : i32
    return %arg0, %c0_i32 : i32, i32
  }
  func.func @transform_5(%arg0: i32) -> (i32, i32) {
    %c0_i32 = arith.constant 0 : i32
    %c0_i32_0 = arith.constant 0 : i32
    return %arg0, %c0_i32 : i32, i32
  }
  func.func @transform_6(%arg0: i32) -> (i32, i32) {
    %c0_i32 = arith.constant 0 : i32
    %c0_i32_0 = arith.constant 0 : i32
    return %arg0, %c0_i32 : i32, i32
  }
  func.func @transform_7(%arg0: i32) -> (i32, i32) {
    %c0_i32 = arith.constant 0 : i32
    %c0_i32_0 = arith.constant 0 : i32
    return %arg0, %c0_i32 : i32, i32
  }
  func.func @transform_8(%arg0: i32) -> (i32, i32) {
    %c0_i32 = arith.constant 0 : i32
    %c0_i32_0 = arith.constant 0 : i32
    return %arg0, %c0_i32 : i32, i32
  }
  func.func @transform_9(%arg0: i32) -> (i32, i32) {
    %c0_i32 = arith.constant 0 : i32
    %c0_i32_0 = arith.constant 0 : i32
    return %arg0, %c0_i32 : i32, i32
  }
  func.func @transform_10(%arg0: i32) -> (i32, i32) {
    %c0_i32 = arith.constant 0 : i32
    %c0_i32_0 = arith.constant 0 : i32
    return %arg0, %c0_i32 : i32, i32
  }
  func.func @transform_11(%arg0: i32) -> (i32, i32) {
    %c0_i32 = arith.constant 0 : i32
    %c0_i32_0 = arith.constant 0 : i32
    %c0_i32_1 = arith.constant 0 : i32
    return %c0_i32, %c0_i32_0 : i32, i32
  }
  func.func @transform_12(%arg0: i32) -> (i32, i32) {
    %c0_i32 = arith.constant 0 : i32
    %c0_i32_0 = arith.constant 0 : i32
    %c0_i32_1 = arith.constant 0 : i32
    return %c0_i32, %c0_i32_0 : i32, i32
  }
  func.func @transform_13(%arg0: i32) -> (i32, i32) {
    %c0_i32 = arith.constant 0 : i32
    %c0_i32_0 = arith.constant 0 : i32
    %c0_i32_1 = arith.constant 0 : i32
    return %c0_i32, %c0_i32_0 : i32, i32
  }
  func.func @transform_14(%arg0: i32) -> (i32, i32) {
    %c0_i32 = arith.constant 0 : i32
    %c0_i32_0 = arith.constant 0 : i32
    %c0_i32_1 = arith.constant 0 : i32
    return %c0_i32, %c0_i32_0 : i32, i32
  }
  func.func @transform_15(%arg0: i32) -> (i32, i32) {
    %c0_i32 = arith.constant 0 : i32
    %c0_i32_0 = arith.constant 0 : i32
    return %arg0, %c0_i32 : i32, i32
  }
}

</mosaic_0001>

<sc_bundles>
// kernel: kernel.5.cloned.1.call-start
scs
__scs_entry_jumppad:
0x0: {  	(pc) =	sbr.rel $0x88, $3  }
0x1: {  	(tag) =	ssettag $0x0;
	lr =	simm.s32 $0x1  }
0x2: {  	[smem:$0x3F93] =	sst lr;
	_ =	strace $0xD0000000  }
0x3: {  	_ = 	snop  }
0x4: {  	_ = 	snop  }
0x5: {  	_ = 	snop  }
0x6: {  	_ = 	snop  }
0x7: {  	_ = 	snop  }
__scs_overlays_trampoline_lowered:
0x8: {  	[smem:$0x3FA2] =	sst s0  }
0x9: {  	[smem:$0x3FA3] =	sst s1  }
0xa: {  	[smem:$0x3FA4] =	sst s2  }
0xb: {  	[smem:$0x3FA5] =	sst s3  }
0xc: {  	[smem:$0x3FA6] =	sst s4  }
0xd: {  	[smem:$0x3FA7] =	sst s5  }
0xe: {  	[smem:$0x3FA8] =	sst s6  }
0xf: {  	[smem:$0x3FA9] =	sst s7  }
0x10: {  	[smem:$0x3FAA] =	sst s8  }
0x11: {  	[smem:$0x3FAB] =	sst s9;
	s0 =	simm.s32 @!p0 $0x0  }
0x12: {  	s1 =	sld [smem:$0x3F91];
	s0 =	simm.s32 @p0 $0x1  }
0x13: {  	[smem:$0x3FAC] =	sst s0;
	s0 =	simm.s32 @!p1 $0x0  }
0x14: {  	s2 =	sld [smem:$0x3F90];
	s0 =	simm.s32 @p1 $0x1  }
0x15: {  	[smem:$0x3FAD] =	sst s0;
	s0 =	simm.s32 @!p2 $0x0  }
0x16: {  	s3 =	sld [smem:$0x3FDB];
	s0 =	simm.s32 @p2 $0x1  }
0x17: {  	s4 =	simm.s32 $0x1BF5;
	[smem:$0x3FAF] =	sst s0  }
0x18: {  	s0 =	sld [smem:$0x3F92];
	_ =	swait.ge [sflag:s4], $0x0  }
0x19: {  	s7 =	sld [smem:$0x3F93]  }
0x1a: {  	s8 =	sadd.s32 $0xFFFFE003, lr  }
0x1b: {  	s9 =	sadd.s32 $0xFFFFFEF7, lr;
	s5 =	simm.s32 $0xFFFFFFFF;
	p2 =	slt.u32 s8, $0xFFFFF086  }
0x1c: {  	p1 =	slt.u32 s9, $0xF7A;
	s5 =	simm.s32 @!p2 $0x0  }
0x1d: {  	s5 =	simm.s32 @p1 $0x1;
	p0 =	seq.s32 s7, s2  }
0x1e: {  	s7 =	smul.u32 @!p0 $0xF7A, s2;
	p2 =	seq.s32 @!p0 s5, $0x0  }
0x1f: {  	s9 =	smul.u32 $0xF7A, s1;
	s8 =	simm.s32 @!p0 $0x1BF5;
	p2 =	por !p2, p0  }
0x20: {  	[sflag:s8] =	ssyncset.s32 @!p0 $0xFFFFF086;
	s6 =	sadd.s32 @!p0 s3, s7;
	s7 =	simm.s32 @!p0 $0x108  }
0x21: {  	s3 =	sadd.s32 s3, s9;
	s6 =	sadd.s32 @!p0 $0x88, s6;
	s7 =	simm.s32 @p2 $0x1082  }
0x22: {  	[simem:s7], [sflag:s8] =	dma.local @!p0 [hbm:s6], $0xF7A  }
0x23: {  	s9 =	sor.u32 $0xD0000000, s2;
	s6 =	simm.s32 $0x108;
	_ =	swait.ge @!p0 [sflag:s8], $0x0  }
0x24: {  	s3 =	sadd.s32 $0x88, s3;
	s6 =	simm.s32 @!p1 $0x1082;
	[sflag:s4] =	ssyncset.s32 $0xFFFFF086  }
0x25: {  	[simem:s6], [sflag:s4] =	dma.local [hbm:s3], $0xF7A  }
0x26: {  	[smem:$0x3F93] =	sst s1;
	(tag) =	ssettag s2;
	_ =	strace s9  }
0x27: {  	s1 =	sld [smem:$0x3FA3]  }
0x28: {  	s2 =	sld [smem:$0x3FA4]  }
0x29: {  	s4 =	sld [smem:$0x3FA6]  }
0x2a: {  	p0 =	seq.s32 s5, $0x0;
	s5 =	sld [smem:$0x3FA7]  }
0x2b: {  	s6 =	sld [smem:$0x3FA8]  }
0x2c: {  	s7 =	sld [smem:$0x3FA9]  }
0x2d: {  	s3 =	simm.s32 $0x108;
	s8 =	sld [smem:$0x3FAA]  }
0x2e: {  	s3 =	simm.s32 @!p0 $0x1082;
	s9 =	sld [smem:$0x3FAB]  }
0x2f: {  	lr =	sadd.s32 s0, s3;
	s0 =	sld [smem:$0x3FA2]  }
0x30: {  	s3 =	sld [smem:$0x3FA5]  }
0x31: {  	[smem:$0x3FAE] =	sst s10  }
0x32: {  	s10 =	sld [smem:$0x3FAC];
	_ =	sdelay $0x3  }
0x33: {  	p0 =	seq.s32 s10, $0x1;
	s10 =	sld [smem:$0x3FAE];
	_ =	sdelay $0x3  }
0x34: {  	[smem:$0x3FAE] =	sst s10  }
0x35: {  	s10 =	sld [smem:$0x3FAD];
	_ =	sdelay $0x3  }
0x36: {  	p1 =	seq.s32 s10, $0x1;
	s10 =	sld [smem:$0x3FAE];
	_ =	sdelay $0x3  }
0x37: {  	[smem:$0x3FAE] =	sst s10  }
0x38: {  	s10 =	sld [smem:$0x3FAF]  }
0x39: {  	_ = 	snop;
	(pc) =	sbr.ind lr, $3  }
0x3a: {  	_ = 	snop  }
0x3b: {  	_ = 	snop  }
0x3c: {  	p2 =	seq.s32 s10, $0x1;
	s10 =	sld [smem:$0x3FAE]  }
0x3d: {  	_ =	shalt  }
0x3e: {  	_ =	shalt  }
0x3f: {  	_ =	shalt  }
0x40: {  	_ =	shalt  }
0x41: {  	_ =	shalt  }
0x42: {  	_ =	shalt  }
0x43: {  	_ =	shalt  }
0x44: {  	_ =	shalt  }
0x45: {  	_ =	shalt  }
0x46: {  	_ =	shalt  }
0x47: {  	_ =	shalt  }
0x48: {  	_ =	shalt  }
0x49: {  	_ =	shalt  }
0x4a: {  	_ =	shalt  }
0x4b: {  	_ =	shalt  }
0x4c: {  	_ =	shalt  }
0x4d: {  	_ =	shalt  }
0x4e: {  	_ =	shalt  }
0x4f: {  	_ =	shalt  }
0x50: {  	_ =	shalt  }
0x51: {  	_ =	shalt  }
0x52: {  	_ =	shalt  }
0x53: {  	_ =	shalt  }
0x54: {  	_ =	shalt  }
0x55: {  	_ =	shalt  }
0x56: {  	_ =	shalt  }
0x57: {  	_ =	shalt  }
0x58: {  	_ =	shalt  }
0x59: {  	_ =	shalt  }
0x5a: {  	_ =	shalt  }
0x5b: {  	_ =	shalt  }
0x5c: {  	_ =	shalt  }
0x5d: {  	_ =	shalt  }
0x5e: {  	_ =	shalt  }
0x5f: {  	_ =	shalt  }
0x60: {  	_ =	shalt  }
0x61: {  	_ =	shalt  }
0x62: {  	_ =	shalt  }
0x63: {  	_ =	shalt  }
0x64: {  	_ =	shalt  }
0x65: {  	_ =	shalt  }
0x66: {  	_ =	shalt  }
0x67: {  	_ =	shalt  }
0x68: {  	_ =	shalt  }
0x69: {  	_ =	shalt  }
0x6a: {  	_ =	shalt  }
0x6b: {  	_ =	shalt  }
0x6c: {  	_ =	shalt  }
0x6d: {  	_ =	shalt  }
0x6e: {  	_ =	shalt  }
0x6f: {  	_ =	shalt  }
0x70: {  	_ =	shalt  }
0x71: {  	_ =	shalt  }
0x72: {  	_ =	shalt  }
0x73: {  	_ =	shalt  }
0x74: {  	_ =	shalt  }
0x75: {  	_ =	shalt  }
0x76: {  	_ =	shalt  }
0x77: {  	_ =	shalt  }
0x78: {  	_ =	shalt  }
0x79: {  	_ =	shalt  }
0x7a: {  	_ =	shalt  }
0x7b: {  	_ =	shalt  }
0x7c: {  	_ =	shalt  }
0x7d: {  	_ =	shalt  }
0x7e: {  	_ =	shalt  }
0x7f: {  	_ =	shalt  }
0x80: {  	_ =	shalt  }
0x81: {  	_ =	shalt  }
0x82: {  	_ =	shalt  }
0x83: {  	_ =	shalt  }
0x84: {  	_ =	shalt  }
0x85: {  	_ =	shalt  }
0x86: {  	_ =	shalt  }
0x87: {  	_ =	shalt  }
.Lfunc_end0:
.L_simem_size_0:
called_computation_lowered:
.L_overlay_start_0:
0x88: {  	s2 =	sld [smem:$0x3FD9]  }
0x89: {  	s3 =	sld [smem:$0x3FFE];
	_ =	sdelay $0x1  }
0x8a: {  	s1 =	srdreg.scid  }
0x8b: {  	s0 =	sand.u32 $0x1, s1  }
0x8c: {  	s17 =	sshll.u32 s0, $0xA;
	s2 =	sadd.s32 s3, s2  }
0x8d: {  	s2 =	sadd.s32 s2, s17  }
0x8e: {  	[smem:$0x3FBA] =	sst s2  }
0x8f: {  	_ = 	snop  }
0x90: {  	s2 =	sld [smem:$0x3FD0];
	(tm) =	ssettm $0x1  }
0x91: {  	s18 =	sld [smem:$0x3FFB];
	_ =	sdelay $0x3  }
0x92: {  	_ =	strace s18  }
0x93: {  	s3 =	sld [smem:$0x3FFC];
	_ =	sdelay $0x3  }
0x94: {  	_ =	strace s3  }
0x95: {  	s3 =	sld [smem:$0x3FFD];
	_ =	sdelay $0x3  }
0x96: {  	_ =	strace s3  }
0x97: {  	_ =	strace $0x8FFFFFFF  }
0x98: {  	s19 =	sld [smem:$0x3FDB];
	_ =	sdelay $0x1  }
0x99: {  	s4 =	simm.s32 $_scs_section_size  }
0x9a: {  	s5 =	simm.s32 $_size__tile_overlayer_lowered;
	s6 =	simm.s32 $_tile_overlayer_lowered  }
0x9b: {  	s22 =	simm.s32 $0x1BFF;
	s21 =	sshll.u32 s6, $0x1;
	s3 =	sadd.s32 s4, s19  }
0x9c: {  	s7 =	simm.s32 $0x0;
	s20 =	sshll.u32 s5, $0x1;
	s5 =	sadd.s32 s21, s3  }
0x9d: {  	[timem:s7], [sflag:s22] =	dma.local [hbm:s5], s20  }
0x9e: {  	_ =	swait.ge [sflag:s22], s20  }
0x9f: {  	s4 =	ssub.s32 $0x0, s20;
	[sflag:s22] =	ssyncset.done $0x0  }
0xa0: {  	[sflag:s22] =	ssyncadd.s32 s4;
	_ =	sdelay $0x1  }
0xa1: {  	s23 =	simm.s32 $0x1B8B  }
0xa2: {  	_ =	swait.ge [sflag:s23], $0x1  }
0xa3: {  	[sflag:s23] =	ssyncset.done $0x0  }
0xa4: {  	s25 =	simm.s32 $0x1B8E;
	s24 =	sld [smem:$0x3FFE];
	[sflag:s23] =	ssyncadd.s32 $0xFFFFFFFF  }
0xa5: {  	s26 =	simm.s32 $execute0_lowered;
	[smem:$0x3FD2] =	sst s25  }
0xa6: {  	s5 =	sshll.u32 s26, $0x1;
	_ =	strace $0x80000046;
	[dreg:$0x1] =	wrdreg $0xFFFFFFFF  }
0xa7: {  	s28 =	simm.s32 $_size_execute0_lowered;
	s3 =	sadd.s32 s3, s5;
	[dreg:$0x0] =	wrdreg $0x0  }
0xa8: {  	s5 =	sshll.u32 s28, $0x1;
	[dreg:$0x2] =	wrdreg s3  }
0xa9: {  	[dreg:$0x3] =	wrdreg s5  }
0xaa: {  	[dreg:$0x4] =	wrdreg $0xC0  }
0xab: {  	_ =	task [dreg:s7], $0x5FFFF  }
0xac: {  	[dreg:$0x1] =	wrdreg $0xFFFFFFFF  }
0xad: {  	[dreg:$0x0] =	wrdreg $0x60  }
0xae: {  	[dreg:$0x2] =	wrdreg s24  }
0xaf: {  	[dreg:$0x3] =	wrdreg s2  }
0xb0: {  	[dreg:$0x4] =	wrdreg $0xE2300  }
0xb1: {  	[dreg:$0x5] =	wrdreg $0xFAA00  }
0xb2: {  	[dreg:$0x6] =	wrdreg $0x1D6900  }
0xb3: {  	[dreg:$0x7] =	wrdreg $0x113100  }
0xb4: {  	[dreg:$0x8] =	wrdreg $0x9  }
0xb5: {  	_ =	task.clear_ibuf [dreg:s7], $0x9FFFF;
	_ =	strace $0x90000046  }
0xb6: {  	s29 =	simm.s32 $0x9;
	_ =	strace $0x80000048  }
0xb7: {  	_ =	swait.ge [sflag:s29], $0x1  }
0xb8: {  	[sflag:s29] =	ssyncadd.s32 $0xFFFFFFFF  }
0xb9: {  	_ =	strace $0x90000048  }
0xba: {  	_ =	sfence  }
0xbb: {  	s30 =	sld [smem:$0x0];
	_ =	sdelay $0x2  }
0xbc: {  	s31 =	sshll.u32 s1, $0xD;
	s1 =	sshrl.u32 s1, $0x2  }
0xbd: {  	s3 =	sand.u32 $0x4000, s31;
	s1 =	sadd.s32 s1, s30  }
0xbe: {  	s0 =	sor.u32 s3, s0;
	s1 =	sshll.u32 s1, $0x11  }
0xbf: {  	s0 =	sor.u32 s1, s0  }
0xc0: {  	s0 =	sadd.s32 $0x8F2B, s0  }
0xc1: {  	[sflag:s0] =	ssyncadd.remote.s32 $0x1  }
0xc2: {  	_ =	sfence.sel $0xFFFF  }
0xc3: {  	[dreg:$0x0] =	wrdreg $0xFFFFFFFF;
	(pc) =	sbr.abs _section_cstart, $3  }
0xc4: {  	[dreg:$0x1] =	wrdreg $0xFFFFFFFF  }
0xc5: {  	_ =	task.clear_ibuf [dreg:s7], $0x2FFFF;
	_ =	strace $0x9FFFFFFF  }
0xc6: {  	(tm) =	ssettm $0x7FFFFFFF  }
0xc7: {  	_ =	shalt  }
tec
execute0_lowered:
.L_overlay_start_1:
0x0: {  	(tag) =	ssettag $0x1  }
0x1: {  	s0 =	rddreg [dreg:$0x0]  }
0x2: {  	s1 =	rddreg [dreg:$0x2]  }
0x3: {  	s2 =	rddreg [dreg:$0x3]  }
0x4: {  	s3 =	rddreg [dreg:$0x4]  }
0x5: {  	s6 =	rddreg [dreg:$0x5];
	s5 =	simm.s32 $0x0;
	s21 =	stileid.u32  }
0x6: {  	s4 =	srdreg.scid;
	[smem:$0x7FF] =	sst s5  }
0x7: {  	s7 =	smul.u32 $0x1870, s21;
	s4 =	sand.u32 $0x1, s4;
	s23 =	sadd.s32 $0x53A00, s0  }
0x8: {  	s24 =	sadd.s32 $0x85A00, s0;
	s9 =	smul.u32 $0xC380, s21;
	s10 =	sadd.s32 $0x11A800, s0  }
0x9: {  	s11 =	sadd.s32 $0xE9A00, s0;
	s13 =	sadd.s32 $0x17C400, s0;
	s12 =	smul.u32 $0xC3800, s4  }
0xa: {  	s14 =	sadd.s32 $0x14B600, s0;
	s19 =	sadd.s32 $0x22A00, s0;
	s31 =	sadd.s32 $0xB7A00, s0  }
0xb: {  	_ =	strace $0x80000047;
	s16 =	sadd.s32 $0x61C0, s9;
	s17 =	sadd.s32 s9, s12  }
0xc: {  	[dreg:$0x19] =	wrdreg s23;
	s12 =	sadd.s32 s12, s16;
	s17 =	sshrl.u32 s17, $0x3  }
0xd: {  	[dreg:$0x1b] =	wrdreg s31;
	s12 =	sshrl.u32 s12, $0x3;
	s22 =	sadd.s32 s10, s17  }
0xe: {  	s20 =	sadd.s32 $0x3B200, s0;
	s10 =	sadd.s32 s10, s12;
	[dreg:$0x7] =	wrdreg s22  }
0xf: {  	s8 =	smul.u32 $0x18700, s4;
	s25 =	sadd.s32 s11, s17;
	[dreg:$0x8] =	wrdreg s10  }
0x10: {  	s15 =	ssub.s32 $0x2, s4;
	s26 =	sadd.s32 s11, s12;
	[dreg:$0x9] =	wrdreg s25  }
0x11: {  	s4 =	sshll.u32 s4, $0x4;
	s28 =	sadd.s32 s13, s17;
	[dreg:$0xa] =	wrdreg s26  }
0x12: {  	s18 =	sshrl.u32 s15, $0x1;
	s30 =	sadd.s32 s13, s12;
	[dreg:$0xb] =	wrdreg s28  }
0x13: {  	s8 =	sadd.s32 s7, s8;
	s11 =	sadd.s32 s14, s17;
	[dreg:$0xc] =	wrdreg s30  }
0x14: {  	s15 =	ssub.s32 s15, s18;
	s13 =	sadd.s32 s14, s12;
	[dreg:$0xd] =	wrdreg s11  }
0x15: {  	s8 =	sshrl.u32 s8, $0x3;
	[dreg:$0xe] =	wrdreg s13;
	s25 =	sadd.s32 s7, s1  }
0x16: {  	s8 =	sadd.s32 s8, s0;
	s26 =	sadd.s32 s7, s2;
	[dreg:$0x11] =	wrdreg s25  }
0x17: {  	s18 =	sadd.s32 $0xA200, s0;
	s28 =	sadd.s32 $0x1AD200, s8;
	[dreg:$0x12] =	wrdreg s26  }
0x18: {  	s14 =	sshrl.u32 s7, $0x3;
	s30 =	smax.u32 s15, $0x1;
	[dreg:$0x16] =	wrdreg s28  }
0x19: {  	s10 =	sadd.s32 s14, s0;
	s14 =	sadd.s32 s7, s3;
	[dreg:$0x17] =	wrdreg s30  }
0x1a: {  	s17 =	sor.u32 s21, s4;
	s2 =	sadd.s32 s9, s6;
	[dreg:$0x13] =	wrdreg s14  }
0x1b: {  	s3 =	sadd.s32 s16, s6;
	s29 =	smul.u32 $0xC800, s17;
	[dreg:$0x14] =	wrdreg s2  }
0x1c: {  	s15 =	smov.u32 s24;
	s8 =	simm.s32 $0xC9C0;
	[dreg:$0x15] =	wrdreg s3  }
0x1d: {  	s11 =	simm.s32 $0x6800;
	s21 =	sadd.s32 $0x3E00, s10;
	[dreg:$0x1a] =	wrdreg s15  }
0x1e: {  	v3 =	vlaneseq.u32;
	s13 =	simm.s32 $0x80;
	s22 =	sadd.s32 $0x7000, s10;
	[dreg:$0xf] =	wrdreg s21  }
0x1f: {  	v0 =	vshrl.u32 v3, $0x3;
	s7 =	simm.s32 $0x2800;
	s1 =	simm.s32 $0x0;
	[dreg:$0x10] =	wrdreg s22  }
0x20: {  	v1 =	vimm.f32 $0.0e+00;
	v3 =	vand.u32 $0x7, v3;
	v2 =	vmul.u32 $0x8, v0;
	s10 =	simm.s32 $0x4;
	s25 =	simm.s32 $0x2000;
	[dreg:$0x18] =	wrdreg s29  }
.LBB2_1:
0x21: {  	s0 =	rddreg [dreg:$0xf]  }
0x22: {  	[tilespmem:s8], [sflag:$0x4] =	stream.linear.gather [hbm4b:s0+s5], $0x1870, $0x38;
	[tilespmem:$0x1EF00] =	vst v63  }
0x23: {  	_ =	swait.ge [sflag:s10], $0x1870  }
0x24: {  	[sflag:s10] =	ssyncset.done $0x0  }
0x25: {  	s26 =	rddreg [dreg:$0x11];
	[sflag:s10] =	ssyncadd.s32 $0xFFFFE790  }
0x26: {  	[spmem:s26] =	stream.linear.scatter [tilespmem:s8], [sflag:$0x4], $0x1870, $0x38;
	[tilespmem:$0x1EF00] =	vst v63  }
0x27: {  	_ =	swait.ge [sflag:s10], $0x1870  }
0x28: {  	[sflag:s10] =	ssyncset.done $0x0  }
0x29: {  	s28 =	rddreg [dreg:$0x10];
	[sflag:s10] =	ssyncadd.s32 $0xFFFFE790  }
0x2a: {  	[tilespmem:s8], [sflag:$0x4] =	stream.linear.gather [hbm4b:s28+s5], $0x1870, $0x38;
	[tilespmem:$0x1EF00] =	vst v63  }
0x2b: {  	_ =	swait.ge [sflag:s10], $0x1870  }
0x2c: {  	[sflag:s10] =	ssyncset.done $0x0  }
0x2d: {  	s30 =	rddreg [dreg:$0x12];
	[sflag:s10] =	ssyncadd.s32 $0xFFFFE790  }
0x2e: {  	[spmem:s30] =	stream.linear.scatter [tilespmem:s8], [sflag:$0x4], $0x1870, $0x38;
	[tilespmem:$0x1EF00] =	vst v63  }
0x2f: {  	_ =	swait.ge [sflag:s10], $0x1870  }
0x30: {  	[sflag:s10] =	ssyncset.done $0x0  }
0x31: {  	s4 =	simm.s32 $0x0;
	s0 =	simm.s32 $0x40;
	[sflag:s10] =	ssyncadd.s32 $0xFFFFE790  }
.LBB2_2:
0x32: {  	p0 =	sne.s32 s0, $0x6180;
	[tilespmem:s4+$0xC9C0] =	vst v1;
	s4 =	smov.u32 s0;
	s0 =	sadd.s32 $0x40, s0  }
.Ltmp0:
0x33: {  	(pc) =	sbr.rel @p0 .LBB2_2-.Ltmp0, $2  }
0x34: {  	_ =	sdelay $0x2  }
0x35: {  	s4 =	sshra.s32 s4, $0x2  }
0x36: {  	[dreg:$0x1c] =	wrdreg s1;
	[tilespmem:s4+$0xC9C0] =	vst v1;
	s0 =	simm.s32 $0x0  }
0x37: {  	[spmem:s14] =	stream.linear.scatter [tilespmem:s8], [sflag:$0x4], $0x1870, $0x38;
	v4 =	vmov s0;
	[tilespmem:$0x1EF00] =	vst v63  }
0x38: {  	_ =	swait.ge [sflag:s10], $0x1870;
	v4 =	vshll.u32 v4, $0x3  }
0x39: {  	[sflag:s10] =	ssyncset.done $0x0;
	v4 =	vor.u32 v2, v4  }
0x3a: {  	s22 =	simm.s32 $0x900;
	s0 =	simm.s32 $0x2;
	[sflag:s10] =	ssyncadd.s32 $0xFFFFE790;
	v4 =	vor.u32 v3, v4  }
.LBB2_4:
0x3b: {  	p0 =	sne.s32 s0, $0xC36  }
.Ltmp1:
0x3c: {  	_ = 	snop;
	(pc) =	sbr.rel @p0 .LBB2_4-.Ltmp1, $4  }
0x3d: {  	v5 =	vmov s0  }
0x3e: {  	v5 =	vshll.u32 v5, $0x3  }
0x3f: {  	v5 =	vor.u32 v2, v5  }
0x40: {  	s0 =	sadd.s32 $0x2, s0;
	[tilespmem:v4+s11+$0x0] =	vst.idx.msk $0xffff, v1;
	v4 =	vor.u32 v3, v5  }
0x41: {  	_ =	sdelay $0x3  }
0x42: {  	[tilespmem:v4+s11+$0x0] =	vst.idx.msk $0xffff, v1;
	s24 =	simm.s32 $0x0  }
0x43: {  	[spmem:s2] =	stream.linear.scatter [tilespmem:s11], [sflag:$0x4], $0x61C0, $0x38;
	[tilespmem:$0x1EF00] =	vst v63  }
0x44: {  	s16 =	simm.s32 $0x980;
	s8 =	simm.s32 $0xA00;
	_ =	swait.ge [sflag:s10], $0x61C0  }
0x45: {  	s9 =	simm.s32 $0xA80;
	s12 =	simm.s32 $0xB00;
	[sflag:s10] =	ssyncset.done $0x0  }
0x46: {  	s14 =	simm.s32 $0x800;
	s21 =	simm.s32 $0xB80;
	[sflag:s10] =	ssyncadd.s32 $0xFFFF9E40  }
0x47: {  	[spmem:s3] =	stream.linear.scatter [tilespmem:s11], [sflag:$0x4], $0x61C0, $0x38;
	[tilespmem:$0x1EF00] =	vst v63  }
0x48: {  	s17 =	simm.s32 $0xC00;
	s1 =	simm.s32 $0xC80;
	_ =	swait.ge [sflag:s10], $0x61C0  }
0x49: {  	s26 =	simm.s32 $0xD80;
	s5 =	simm.s32 $0xE80;
	[sflag:s10] =	ssyncset.done $0x0  }
0x4a: {  	s30 =	simm.s32 $0xF00;
	s28 =	simm.s32 $0xF80;
	[sflag:s10] =	ssyncadd.s32 $0xFFFF9E40  }
0x4b: {  	s2 =	simm.s32 $0xD00;
	s3 =	simm.s32 $0xE00;
	[bflag:$0x0] =	sbarrier.arrive $0xFFFF  }
.LBB2_6:
0x4c: {  	s0 =	sshll.u32 s24, $0xB  }
0x4d: {  	s0 =	sadd.s32 s29, s0  }
0x4e: {  	s29 =	sshrl.u32 s0, $0x3  }
0x4f: {  	s0 =	sadd.s32 s23, s29;
	s23 =	simm.s32 $0x0  }
0x50: {  	[tilespmem:s23], [sflag:$0x4] =	stream.linear.gather [hbm4b:s0+s23], $0x800, $0x38;
	[tilespmem:$0x1EF00] =	vst v63  }
0x51: {  	_ =	swait.ge [sflag:s10], $0x800  }
0x52: {  	[sflag:s10] =	ssyncset.done $0x0  }
0x53: {  	s15 =	sadd.s32 s15, s29;
	[sflag:s10] =	ssyncadd.s32 $0xFFFFF800  }
0x54: {  	[tilespmem:s14], [sflag:$0x4] =	stream.linear.gather [hbm4b:s15+s23], $0x800, $0x38;
	[tilespmem:$0x1EF00] =	vst v63  }
0x55: {  	_ =	swait.ge [sflag:s10], $0x800  }
0x56: {  	[sflag:s10] =	ssyncset.done $0x0  }
0x57: {  	[sflag:s10] =	ssyncadd.s32 $0xFFFFF800  }
0x58: {  	s0 =	simm.s32 $0x1000;
	s15 =	rddreg [dreg:$0x2]  }
0x59: {  	[tilespmem:s0], [sflag:$0x1] =	stream.indirect.gather [spmem:s15], $0x1, s23, s13, $0xb8;
	[tilespmem:$0x1EF00] =	vst v63  }
0x5a: {  	s0 =	simm.s32 $0x1800;
	s23 =	rddreg [dreg:$0x3]  }
0x5b: {  	[tilespmem:s0], [sflag:$0x1] =	stream.indirect.gather [spmem:s23], $0x1, s14, s13, $0xb8;
	[tilespmem:$0x1EF00] =	vst v63  }
0x5c: {  	s14 =	simm.s32 $0x1080  }
0x5d: {  	[tilespmem:s14], [sflag:$0x1] =	stream.indirect.gather [spmem:s15], $0x1, s13, s13, $0xb8;
	[tilespmem:$0x1EF00] =	vst v63  }
0x5e: {  	s4 =	simm.s32 $0x880;
	s14 =	simm.s32 $0x1880  }
0x5f: {  	[tilespmem:s14], [sflag:$0x1] =	stream.indirect.gather [spmem:s23], $0x1, s4, s13, $0xb8;
	[tilespmem:$0x1EF00] =	vst v63  }
0x60: {  	s4 =	simm.s32 $0x100;
	s14 =	simm.s32 $0x1100  }
0x61: {  	[tilespmem:s14], [sflag:$0x1] =	stream.indirect.gather [spmem:s15], $0x1, s4, s13, $0xb8;
	[tilespmem:$0x1EF00] =	vst v63  }
0x62: {  	s4 =	simm.s32 $0x1900  }
0x63: {  	[tilespmem:s4], [sflag:$0x1] =	stream.indirect.gather [spmem:s23], $0x1, s22, s13, $0xb8;
	[tilespmem:$0x1EF00] =	vst v63  }
0x64: {  	s14 =	simm.s32 $0x180;
	s22 =	simm.s32 $0x1180  }
0x65: {  	[tilespmem:s22], [sflag:$0x1] =	stream.indirect.gather [spmem:s15], $0x1, s14, s13, $0xb8;
	[tilespmem:$0x1EF00] =	vst v63  }
0x66: {  	s14 =	simm.s32 $0x1980  }
0x67: {  	[tilespmem:s14], [sflag:$0x1] =	stream.indirect.gather [spmem:s23], $0x1, s16, s13, $0xb8;
	[tilespmem:$0x1EF00] =	vst v63  }
0x68: {  	s22 =	simm.s32 $0x1200;
	s16 =	simm.s32 $0x200  }
0x69: {  	[tilespmem:s22], [sflag:$0x1] =	stream.indirect.gather [spmem:s15], $0x1, s16, s13, $0xb8;
	[tilespmem:$0x1EF00] =	vst v63  }
0x6a: {  	s14 =	simm.s32 $0x1A00  }
0x6b: {  	[tilespmem:s14], [sflag:$0x1] =	stream.indirect.gather [spmem:s23], $0x1, s8, s13, $0xb8;
	[tilespmem:$0x1EF00] =	vst v63  }
0x6c: {  	s16 =	simm.s32 $0x1280;
	s8 =	simm.s32 $0x280  }
0x6d: {  	[tilespmem:s16], [sflag:$0x1] =	stream.indirect.gather [spmem:s15], $0x1, s8, s13, $0xb8;
	[tilespmem:$0x1EF00] =	vst v63  }
0x6e: {  	s22 =	simm.s32 $0x1A80  }
0x6f: {  	[tilespmem:s22], [sflag:$0x1] =	stream.indirect.gather [spmem:s23], $0x1, s9, s13, $0xb8;
	[tilespmem:$0x1EF00] =	vst v63  }
0x70: {  	s4 =	simm.s32 $0x1300;
	s9 =	simm.s32 $0x300  }
0x71: {  	[tilespmem:s4], [sflag:$0x1] =	stream.indirect.gather [spmem:s15], $0x1, s9, s13, $0xb8;
	[tilespmem:$0x1EF00] =	vst v63  }
0x72: {  	s14 =	simm.s32 $0x1B00  }
0x73: {  	[tilespmem:s14], [sflag:$0x1] =	stream.indirect.gather [spmem:s23], $0x1, s12, s13, $0xb8;
	[tilespmem:$0x1EF00] =	vst v63  }
0x74: {  	s16 =	simm.s32 $0x380;
	s22 =	simm.s32 $0x1380  }
0x75: {  	[tilespmem:s22], [sflag:$0x1] =	stream.indirect.gather [spmem:s15], $0x1, s16, s13, $0xb8;
	[tilespmem:$0x1EF00] =	vst v63  }
0x76: {  	s12 =	simm.s32 $0x1B80  }
0x77: {  	[tilespmem:s12], [sflag:$0x1] =	stream.indirect.gather [spmem:s23], $0x1, s21, s13, $0xb8;
	[tilespmem:$0x1EF00] =	vst v63  }
0x78: {  	s14 =	simm.s32 $0x1400;
	s12 =	simm.s32 $0x400  }
0x79: {  	[tilespmem:s14], [sflag:$0x1] =	stream.indirect.gather [spmem:s15], $0x1, s12, s13, $0xb8;
	[tilespmem:$0x1EF00] =	vst v63  }
0x7a: {  	s16 =	simm.s32 $0x1C00  }
0x7b: {  	[tilespmem:s16], [sflag:$0x1] =	stream.indirect.gather [spmem:s23], $0x1, s17, s13, $0xb8;
	[tilespmem:$0x1EF00] =	vst v63  }
0x7c: {  	s21 =	simm.s32 $0x1480;
	s17 =	simm.s32 $0x480  }
0x7d: {  	[tilespmem:s21], [sflag:$0x1] =	stream.indirect.gather [spmem:s15], $0x1, s17, s13, $0xb8;
	[tilespmem:$0x1EF00] =	vst v63  }
0x7e: {  	s22 =	simm.s32 $0x1C80  }
0x7f: {  	[tilespmem:s22], [sflag:$0x1] =	stream.indirect.gather [spmem:s23], $0x1, s1, s13, $0xb8;
	[tilespmem:$0x1EF00] =	vst v63  }
0x80: {  	s4 =	simm.s32 $0x500;
	s14 =	simm.s32 $0x1500  }
0x81: {  	[tilespmem:s14], [sflag:$0x1] =	stream.indirect.gather [spmem:s15], $0x1, s4, s13, $0xb8;
	[tilespmem:$0x1EF00] =	vst v63  }
0x82: {  	s16 =	simm.s32 $0x1D00  }
0x83: {  	[tilespmem:s16], [sflag:$0x1] =	stream.indirect.gather [spmem:s23], $0x1, s2, s13, $0xb8;
	[tilespmem:$0x1EF00] =	vst v63  }
0x84: {  	s17 =	simm.s32 $0x1580;
	s2 =	simm.s32 $0x580  }
0x85: {  	[tilespmem:s17], [sflag:$0x1] =	stream.indirect.gather [spmem:s15], $0x1, s2, s13, $0xb8;
	[tilespmem:$0x1EF00] =	vst v63  }
0x86: {  	s21 =	simm.s32 $0x1D80  }
0x87: {  	[tilespmem:s21], [sflag:$0x1] =	stream.indirect.gather [spmem:s23], $0x1, s26, s13, $0xb8;
	[tilespmem:$0x1EF00] =	vst v63  }
0x88: {  	s22 =	simm.s32 $0x600;
	s26 =	simm.s32 $0x1600  }
0x89: {  	[tilespmem:s26], [sflag:$0x1] =	stream.indirect.gather [spmem:s15], $0x1, s22, s13, $0xb8;
	[tilespmem:$0x1EF00] =	vst v63  }
0x8a: {  	s4 =	simm.s32 $0x1E00  }
0x8b: {  	[tilespmem:s4], [sflag:$0x1] =	stream.indirect.gather [spmem:s23], $0x1, s3, s13, $0xb8;
	[tilespmem:$0x1EF00] =	vst v63  }
0x8c: {  	s14 =	simm.s32 $0x1680;
	s3 =	simm.s32 $0x680  }
0x8d: {  	[tilespmem:s14], [sflag:$0x1] =	stream.indirect.gather [spmem:s15], $0x1, s3, s13, $0xb8;
	[tilespmem:$0x1EF00] =	vst v63  }
0x8e: {  	s16 =	simm.s32 $0x1E80  }
0x8f: {  	[tilespmem:s16], [sflag:$0x1] =	stream.indirect.gather [spmem:s23], $0x1, s5, s13, $0xb8;
	[tilespmem:$0x1EF00] =	vst v63  }
0x90: {  	s17 =	simm.s32 $0x1700;
	s5 =	simm.s32 $0x700  }
0x91: {  	[tilespmem:s17], [sflag:$0x1] =	stream.indirect.gather [spmem:s15], $0x1, s5, s13, $0xb8;
	[tilespmem:$0x1EF00] =	vst v63  }
0x92: {  	s21 =	simm.s32 $0x1F00  }
0x93: {  	[tilespmem:s21], [sflag:$0x1] =	stream.indirect.gather [spmem:s23], $0x1, s30, s13, $0xb8;
	[tilespmem:$0x1EF00] =	vst v63  }
0x94: {  	s22 =	simm.s32 $0x1780;
	s14 =	simm.s32 $0x780  }
0x95: {  	[tilespmem:s22], [sflag:$0x1] =	stream.indirect.gather [spmem:s15], $0x1, s14, s13, $0xb8;
	[tilespmem:$0x1EF00] =	vst v63  }
0x96: {  	s26 =	simm.s32 $0x1F80;
	s30 =	simm.s32 $0x1  }
0x97: {  	[tilespmem:s26], [sflag:$0x1] =	stream.indirect.gather [spmem:s23], $0x1, s28, s13, $0xb8;
	[tilespmem:$0x1EF00] =	vst v63  }
0x98: {  	_ =	swait.ge [sflag:s30], $0x800  }
0x99: {  	[sflag:s30] =	ssyncset.done $0x0  }
0x9a: {  	[sflag:s30] =	ssyncadd.s32 $0xFFFFF800  }
0x9b: {  	_ =	swait.ge [sflag:s30], $0x800  }
0x9c: {  	[sflag:s30] =	ssyncset.done $0x0  }
0x9d: {  	s4 =	simm.s32 $0x0;
	[sflag:s30] =	ssyncadd.s32 $0xFFFFF800  }
0x9e: {  	v4 =	vld [tilespmem:s4+$0x1000]  }
0x9f: {  	v5 =	vld [tilespmem:s4+$0x1800];
	_ =	sdelay $0x4  }
0xa0: {  	v4 =	vadd.f32 v5, v4;
	_ =	sdelay $0x1  }
0xa1: {  	s15 =	simm.s32 $0x10;
	v5 =	vmul.f32 $2.000000030e-01, v4  }
0xa2: {  	v6 =	vld [tilespmem:s15+$0x1000]  }
0xa3: {  	v7 =	vld [tilespmem:s15+$0x1800];
	v4 =	vmax.f32 v4, v5  }
0xa4: {  	s16 =	simm.s32 $0x20;
	v4 =	vmul.f32 $1.442695020e+00, v4  }
0xa5: {  	v5 =	vld [tilespmem:s16+$0x1000]  }
0xa6: {  	(erf) = vpow2.f32 v4;
	v4 =	vld [tilespmem:s16+$0x1800];
	_ =	sdelay $0x1  }
0xa7: {  	v6 =	vadd.f32 v7, v6;
	_ =	sdelay $0x1  }
0xa8: {  	v7 =	vmul.f32 $2.000000030e-01, v6  }
0xa9: {  	v8 =	vadd.f32 v4, v5  }
0xaa: {  	v4 =	vmax.f32 v6, v7  }
0xab: {  	s0 =	simm.s32 $0x30;
	v5 =	vmul.f32 $1.442695020e+00, v4;
	v6 =	vmul.f32 $2.000000030e-01, v8  }
0xac: {  	v4 =	vld [tilespmem:s0+$0x1000]  }
0xad: {  	(erf) = vpow2.f32 v5;
	v5 =	vld [tilespmem:s0+$0x1800];
	_ =	sdelay $0x1  }
0xae: {  	s22 =	simm.s32 $0x100;
	v7 =	vmax.f32 v8, v6;
	v6 =	vpop (erf)  }
.LBB2_7:
0xaf: {  	s23 =	sshra.s32 s22, $0x2  }
0xb0: {  	v7 =	vmul.f32 $1.442695020e+00, v7;
	[tilespmem:s4+$0x2000] =	vst v6;
	s4 =	smov.u32 s15;
	s15 =	smov.u32 s16;
	p0 =	sne.s32 s22, $0x1FC0  }
.Ltmp2:
0xb1: {  	s22 =	sadd.s32 $0x40, s22;
	v6 =	vadd.f32 v5, v4;
	v4 =	vld [tilespmem:s23+$0x1000];
	(pc) =	sbr.rel @p0 .LBB2_7-.Ltmp2, $3  }
0xb2: {  	s16 =	smov.u32 s0;
	s0 =	smov.u32 s23;
	v5 =	vld [tilespmem:s23+$0x1800];
	(erf) = vpow2.f32 v7  }
0xb3: {  	v7 =	vmul.f32 $2.000000030e-01, v6;
	_ =	sdelay $0x1  }
0xb4: {  	v7 =	vmax.f32 v6, v7;
	v6 =	vpop (erf)  }
0xb5: {  	_ = 	snop  }
0xb6: {  	v4 =	vadd.f32 v5, v4;
	_ =	sdelay $0x1  }
0xb7: {  	v5 =	vmul.f32 $2.000000030e-01, v4;
	_ =	sdelay $0x1  }
0xb8: {  	v7 =	vmul.f32 $1.442695020e+00, v7;
	v4 =	vmax.f32 v4, v5  }
0xb9: {  	v4 =	vmul.f32 $1.442695020e+00, v4  }
0xba: {  	(erf) = vpow2.f32 v7  }
0xbb: {  	(erf) = vpow2.f32 v4;
	_ =	sdelay $0x6  }
0xbc: {  	[tilespmem:s4+$0x2000] =	vst v6;
	v4 =	vpop (erf)  }
0xbd: {  	[tilespmem:s15+$0x2000] =	vst v4;
	v4 =	vpop (erf)  }
0xbe: {  	[tilespmem:s16+$0x2000] =	vst v4;
	v4 =	vpop (erf)  }
0xbf: {  	s26 =	sadd.s32 s31, s29;
	s4 =	simm.s32 $0x0;
	[tilespmem:s0+$0x2000] =	vst v4  }
0xc0: {  	[hbm4b:s26+s4] =	stream.linear.scatter [tilespmem:s25], [sflag:$0x4], $0x800, $0x38;
	[tilespmem:$0x1EF00] =	vst v63  }
0xc1: {  	_ =	swait.ge [sflag:s10], $0x800  }
0xc2: {  	[sflag:s10] =	ssyncset.done $0x0  }
0xc3: {  	[sflag:s10] =	ssyncadd.s32 $0xFFFFF800  }
0xc4: {  	s1 =	rddreg [dreg:$0x1]  }
0xc5: {  	[tilespmem:s7], [sflag:$0x2] =	stream.indirect.gather [hbm4b:s1+s13], $0x8, s4, s13, $0xb8;
	[tilespmem:$0x1EF00] =	vst v63  }
0xc6: {  	s15 =	simm.s32 $0x2C00  }
0xc7: {  	[tilespmem:s15], [sflag:$0x2] =	stream.indirect.gather [hbm4b:s1+s13], $0x8, s13, s13, $0xb8;
	[tilespmem:$0x1EF00] =	vst v63  }
0xc8: {  	s28 =	simm.s32 $0x100;
	s29 =	simm.s32 $0x3000  }
0xc9: {  	[tilespmem:s29], [sflag:$0x2] =	stream.indirect.gather [hbm4b:s1+s13], $0x8, s28, s13, $0xb8;
	[tilespmem:$0x1EF00] =	vst v63  }
0xca: {  	s30 =	simm.s32 $0x180;
	s17 =	simm.s32 $0x3400  }
0xcb: {  	[tilespmem:s17], [sflag:$0x2] =	stream.indirect.gather [hbm4b:s1+s13], $0x8, s30, s13, $0xb8;
	[tilespmem:$0x1EF00] =	vst v63  }
0xcc: {  	s21 =	simm.s32 $0x3800;
	s16 =	simm.s32 $0x200  }
0xcd: {  	[tilespmem:s21], [sflag:$0x2] =	stream.indirect.gather [hbm4b:s1+s13], $0x8, s16, s13, $0xb8;
	[tilespmem:$0x1EF00] =	vst v63  }
0xce: {  	s22 =	simm.s32 $0x3C00  }
0xcf: {  	[tilespmem:s22], [sflag:$0x2] =	stream.indirect.gather [hbm4b:s1+s13], $0x8, s8, s13, $0xb8;
	[tilespmem:$0x1EF00] =	vst v63  }
0xd0: {  	s21 =	simm.s32 $0x4000  }
0xd1: {  	[tilespmem:s21], [sflag:$0x2] =	stream.indirect.gather [hbm4b:s1+s13], $0x8, s9, s13, $0xb8;
	[tilespmem:$0x1EF00] =	vst v63  }
0xd2: {  	s23 =	simm.s32 $0x380;
	s26 =	simm.s32 $0x4400  }
0xd3: {  	[tilespmem:s26], [sflag:$0x2] =	stream.indirect.gather [hbm4b:s1+s13], $0x8, s23, s13, $0xb8;
	[tilespmem:$0x1EF00] =	vst v63  }
0xd4: {  	s28 =	simm.s32 $0x4800  }
0xd5: {  	[tilespmem:s28], [sflag:$0x2] =	stream.indirect.gather [hbm4b:s1+s13], $0x8, s12, s13, $0xb8;
	[tilespmem:$0x1EF00] =	vst v63  }
0xd6: {  	s29 =	simm.s32 $0x480;
	s30 =	simm.s32 $0x4C00  }
0xd7: {  	[tilespmem:s30], [sflag:$0x2] =	stream.indirect.gather [hbm4b:s1+s13], $0x8, s29, s13, $0xb8;
	[tilespmem:$0x1EF00] =	vst v63  }
0xd8: {  	s8 =	simm.s32 $0x500;
	s9 =	simm.s32 $0x5000  }
0xd9: {  	[tilespmem:s9], [sflag:$0x2] =	stream.indirect.gather [hbm4b:s1+s13], $0x8, s8, s13, $0xb8;
	[tilespmem:$0x1EF00] =	vst v63  }
0xda: {  	s23 =	simm.s32 $0x5400  }
0xdb: {  	[tilespmem:s23], [sflag:$0x2] =	stream.indirect.gather [hbm4b:s1+s13], $0x8, s2, s13, $0xb8;
	[tilespmem:$0x1EF00] =	vst v63  }
0xdc: {  	s16 =	simm.s32 $0x5800;
	s12 =	simm.s32 $0x600  }
0xdd: {  	[tilespmem:s16], [sflag:$0x2] =	stream.indirect.gather [hbm4b:s1+s13], $0x8, s12, s13, $0xb8;
	[tilespmem:$0x1EF00] =	vst v63  }
0xde: {  	s22 =	simm.s32 $0x5C00  }
0xdf: {  	[tilespmem:s22], [sflag:$0x2] =	stream.indirect.gather [hbm4b:s1+s13], $0x8, s3, s13, $0xb8;
	[tilespmem:$0x1EF00] =	vst v63  }
0xe0: {  	v7 =	vor.u32 s4, v0;
	s26 =	simm.s32 $0x6000  }
0xe1: {  	v4 =	vshll.u32 v7, $0x3;
	[tilespmem:s26], [sflag:$0x2] =	stream.indirect.gather [hbm4b:s1+s13], $0x8, s5, s13, $0xb8;
	[tilespmem:$0x1EF00] =	vst v63  }
0xe2: {  	v4 =	vor.u32 v3, v4;
	s28 =	simm.s32 $0x6400;
	s29 =	simm.s32 $0x2  }
0xe3: {  	[tilespmem:s28], [sflag:$0x2] =	stream.indirect.gather [hbm4b:s1+s13], $0x8, s14, s13, $0xb8;
	[tilespmem:$0x1EF00] =	vst v63  }
0xe4: {  	_ =	swait.ge [sflag:s29], $0x4000  }
0xe5: {  	[sflag:s29] =	ssyncset.done $0x0  }
0xe6: {  	[sflag:s29] =	ssyncadd.s32 $0xFFFFC000  }
0xe7: {  	v6 =	vld.idx.msk [tilespmem:v4+s7+$0x0], $0xffff  }
0xe8: {  	s30 =	simm.s32 $0x2;
	v7 =	vld.idx.msk [tilespmem:v7+s25+$0x0], $0xffff  }
0xe9: {  	v5 =	vor.u32 s30, v0  }
0xea: {  	s0 =	simm.s32 $0x4;
	v8 =	vshll.u32 v5, $0x3  }
.LBB2_9:
0xeb: {  	p0 =	sne.s32 s0, $0x7FE;
	v8 =	vor.u32 v3, v8;
	_ =	sdelay $0x1  }
0xec: {  	v6 =	vmul.f32 v6, v7;
	_ =	sdelay $0x1  }
0xed: {  	[tilespmem:v4+s7+$0x0] =	vst.idx.msk $0xffff, v6;
	v4 =	vmov v8  }
.Ltmp3:
0xee: {  	v6 =	vld.idx.msk [tilespmem:v8+s7+$0x0], $0xffff;
	(pc) =	sbr.rel @p0 .LBB2_9-.Ltmp3, $3  }
0xef: {  	v7 =	vld.idx.msk [tilespmem:v5+s25+$0x0], $0xffff;
	_ =	sdelay $0x1  }
0xf0: {  	v5 =	vor.u32 s0, v0  }
0xf1: {  	s0 =	sadd.s32 $0x2, s0;
	v8 =	vshll.u32 v5, $0x3  }
0xf2: {  	_ = 	snop  }
0xf3: {  	v8 =	vor.u32 v3, v8  }
0xf4: {  	v6 =	vmul.f32 v6, v7;
	_ =	sdelay $0x1  }
0xf5: {  	[tilespmem:v4+s7+$0x0] =	vst.idx.msk $0xffff, v6  }
0xf6: {  	v5 =	vld.idx.msk [tilespmem:v5+s25+$0x0], $0xffff  }
0xf7: {  	v4 =	vld.idx.msk [tilespmem:v8+s7+$0x0], $0xffff;
	_ =	sdelay $0x4  }
0xf8: {  	v4 =	vmul.f32 v4, v5;
	_ =	sdelay $0x1  }
0xf9: {  	s14 =	simm.s32 $0x800;
	[tilespmem:v8+s7+$0x0] =	vst.idx.msk $0xffff, v4  }
0xfa: {  	[spmem:s6] =	stream.indirect.scatter.add.f32 [tilespmem:s7], [sflag:$0x3], $0x8, s14, s13, $0xb8;
	[tilespmem:$0x1EF00] =	vst v63  }
0xfb: {  	s29 =	simm.s32 $0x880  }
0xfc: {  	[spmem:s6] =	stream.indirect.scatter.add.f32 [tilespmem:s15], [sflag:$0x3], $0x8, s29, s13, $0xb8;
	[tilespmem:$0x1EF00] =	vst v63  }
0xfd: {  	s22 =	simm.s32 $0x900;
	s0 =	simm.s32 $0x3000  }
0xfe: {  	[spmem:s6] =	stream.indirect.scatter.add.f32 [tilespmem:s0], [sflag:$0x3], $0x8, s22, s13, $0xb8;
	[tilespmem:$0x1EF00] =	vst v63  }
0xff: {  	s16 =	simm.s32 $0x980  }
0x100: {  	[spmem:s6] =	stream.indirect.scatter.add.f32 [tilespmem:s17], [sflag:$0x3], $0x8, s16, s13, $0xb8;
	[tilespmem:$0x1EF00] =	vst v63  }
0x101: {  	s8 =	simm.s32 $0xA00;
	s26 =	simm.s32 $0x3800  }
0x102: {  	[spmem:s6] =	stream.indirect.scatter.add.f32 [tilespmem:s26], [sflag:$0x3], $0x8, s8, s13, $0xb8;
	[tilespmem:$0x1EF00] =	vst v63  }
0x103: {  	s9 =	simm.s32 $0xA80;
	s1 =	simm.s32 $0x3C00  }
0x104: {  	[spmem:s6] =	stream.indirect.scatter.add.f32 [tilespmem:s1], [sflag:$0x3], $0x8, s9, s13, $0xb8;
	[tilespmem:$0x1EF00] =	vst v63  }
0x105: {  	s12 =	simm.s32 $0xB00  }
0x106: {  	[spmem:s6] =	stream.indirect.scatter.add.f32 [tilespmem:s21], [sflag:$0x3], $0x8, s12, s13, $0xb8;
	[tilespmem:$0x1EF00] =	vst v63  }
0x107: {  	s2 =	simm.s32 $0x4400;
	s21 =	simm.s32 $0xB80  }
0x108: {  	[spmem:s6] =	stream.indirect.scatter.add.f32 [tilespmem:s2], [sflag:$0x3], $0x8, s21, s13, $0xb8;
	[tilespmem:$0x1EF00] =	vst v63  }
0x109: {  	s3 =	simm.s32 $0x4800;
	s17 =	simm.s32 $0xC00  }
0x10a: {  	[spmem:s6] =	stream.indirect.scatter.add.f32 [tilespmem:s3], [sflag:$0x3], $0x8, s17, s13, $0xb8;
	[tilespmem:$0x1EF00] =	vst v63  }
0x10b: {  	s4 =	simm.s32 $0x4C00;
	s1 =	simm.s32 $0xC80  }
0x10c: {  	[spmem:s6] =	stream.indirect.scatter.add.f32 [tilespmem:s4], [sflag:$0x3], $0x8, s1, s13, $0xb8;
	[tilespmem:$0x1EF00] =	vst v63  }
0x10d: {  	s5 =	simm.s32 $0x5000;
	s2 =	simm.s32 $0xD00  }
0x10e: {  	[spmem:s6] =	stream.indirect.scatter.add.f32 [tilespmem:s5], [sflag:$0x3], $0x8, s2, s13, $0xb8;
	[tilespmem:$0x1EF00] =	vst v63  }
0x10f: {  	s26 =	simm.s32 $0xD80  }
0x110: {  	[spmem:s6] =	stream.indirect.scatter.add.f32 [tilespmem:s23], [sflag:$0x3], $0x8, s26, s13, $0xb8;
	[tilespmem:$0x1EF00] =	vst v63  }
0x111: {  	s15 =	simm.s32 $0x5800;
	s3 =	simm.s32 $0xE00  }
0x112: {  	[spmem:s6] =	stream.indirect.scatter.add.f32 [tilespmem:s15], [sflag:$0x3], $0x8, s3, s13, $0xb8;
	[tilespmem:$0x1EF00] =	vst v63  }
0x113: {  	s5 =	simm.s32 $0xE80;
	s23 =	simm.s32 $0x5C00  }
0x114: {  	[spmem:s6] =	stream.indirect.scatter.add.f32 [tilespmem:s23], [sflag:$0x3], $0x8, s5, s13, $0xb8;
	[tilespmem:$0x1EF00] =	vst v63  }
0x115: {  	s30 =	simm.s32 $0xF00;
	s4 =	simm.s32 $0x6000  }
0x116: {  	[spmem:s6] =	stream.indirect.scatter.add.f32 [tilespmem:s4], [sflag:$0x3], $0x8, s30, s13, $0xb8;
	[tilespmem:$0x1EF00] =	vst v63  }
0x117: {  	s28 =	simm.s32 $0xF80;
	s15 =	simm.s32 $0x6400  }
0x118: {  	[spmem:s6] =	stream.indirect.scatter.add.f32 [tilespmem:s15], [sflag:$0x3], $0x8, s28, s13, $0xb8;
	[tilespmem:$0x1EF00] =	vst v63  }
0x119: {  	s0 =	rddreg [dreg:$0x4]  }
0x11a: {  	[spmem:s0] =	stream.indirect.scatter.add.f32 [tilespmem:s25], [sflag:$0x3], $0x1, s14, s13, $0xb8;
	[tilespmem:$0x1EF00] =	vst v63  }
0x11b: {  	s4 =	simm.s32 $0x2080  }
0x11c: {  	[spmem:s0] =	stream.indirect.scatter.add.f32 [tilespmem:s4], [sflag:$0x3], $0x1, s29, s13, $0xb8;
	[tilespmem:$0x1EF00] =	vst v63  }
0x11d: {  	s23 =	simm.s32 $0x2100  }
0x11e: {  	[spmem:s0] =	stream.indirect.scatter.add.f32 [tilespmem:s23], [sflag:$0x3], $0x1, s22, s13, $0xb8;
	[tilespmem:$0x1EF00] =	vst v63  }
0x11f: {  	s15 =	simm.s32 $0x2180  }
0x120: {  	[spmem:s0] =	stream.indirect.scatter.add.f32 [tilespmem:s15], [sflag:$0x3], $0x1, s16, s13, $0xb8;
	[tilespmem:$0x1EF00] =	vst v63  }
0x121: {  	s23 =	simm.s32 $0x2200  }
0x122: {  	[spmem:s0] =	stream.indirect.scatter.add.f32 [tilespmem:s23], [sflag:$0x3], $0x1, s8, s13, $0xb8;
	[tilespmem:$0x1EF00] =	vst v63  }
0x123: {  	s15 =	simm.s32 $0x2280  }
0x124: {  	[spmem:s0] =	stream.indirect.scatter.add.f32 [tilespmem:s15], [sflag:$0x3], $0x1, s9, s13, $0xb8;
	[tilespmem:$0x1EF00] =	vst v63  }
0x125: {  	s23 =	simm.s32 $0x2300  }
0x126: {  	[spmem:s0] =	stream.indirect.scatter.add.f32 [tilespmem:s23], [sflag:$0x3], $0x1, s12, s13, $0xb8;
	[tilespmem:$0x1EF00] =	vst v63  }
0x127: {  	s15 =	simm.s32 $0x2380  }
0x128: {  	[spmem:s0] =	stream.indirect.scatter.add.f32 [tilespmem:s15], [sflag:$0x3], $0x1, s21, s13, $0xb8;
	[tilespmem:$0x1EF00] =	vst v63  }
0x129: {  	s23 =	simm.s32 $0x2400  }
0x12a: {  	[spmem:s0] =	stream.indirect.scatter.add.f32 [tilespmem:s23], [sflag:$0x3], $0x1, s17, s13, $0xb8;
	[tilespmem:$0x1EF00] =	vst v63  }
0x12b: {  	s15 =	simm.s32 $0x2480  }
0x12c: {  	[spmem:s0] =	stream.indirect.scatter.add.f32 [tilespmem:s15], [sflag:$0x3], $0x1, s1, s13, $0xb8;
	[tilespmem:$0x1EF00] =	vst v63  }
0x12d: {  	s23 =	simm.s32 $0x2500  }
0x12e: {  	[spmem:s0] =	stream.indirect.scatter.add.f32 [tilespmem:s23], [sflag:$0x3], $0x1, s2, s13, $0xb8;
	[tilespmem:$0x1EF00] =	vst v63  }
0x12f: {  	s15 =	simm.s32 $0x2580  }
0x130: {  	[spmem:s0] =	stream.indirect.scatter.add.f32 [tilespmem:s15], [sflag:$0x3], $0x1, s26, s13, $0xb8;
	[tilespmem:$0x1EF00] =	vst v63  }
0x131: {  	s23 =	simm.s32 $0x2600  }
0x132: {  	[spmem:s0] =	stream.indirect.scatter.add.f32 [tilespmem:s23], [sflag:$0x3], $0x1, s3, s13, $0xb8;
	[tilespmem:$0x1EF00] =	vst v63  }
0x133: {  	s15 =	simm.s32 $0x2680  }
0x134: {  	[spmem:s0] =	stream.indirect.scatter.add.f32 [tilespmem:s15], [sflag:$0x3], $0x1, s5, s13, $0xb8;
	[tilespmem:$0x1EF00] =	vst v63  }
0x135: {  	s23 =	simm.s32 $0x2700  }
0x136: {  	[spmem:s0] =	stream.indirect.scatter.add.f32 [tilespmem:s23], [sflag:$0x3], $0x1, s30, s13, $0xb8;
	[tilespmem:$0x1EF00] =	vst v63  }
0x137: {  	s15 =	simm.s32 $0x2780;
	s23 =	simm.s32 $0x3  }
0x138: {  	[spmem:s0] =	stream.indirect.scatter.add.f32 [tilespmem:s15], [sflag:$0x3], $0x1, s28, s13, $0xb8;
	[tilespmem:$0x1EF00] =	vst v63  }
0x139: {  	s24 =	sadd.s32 $0x1, s24;
	_ =	swait.ge [sflag:s23], $0x4000  }
0x13a: {  	p0 =	sne.s32 s24, $0x19;
	[sflag:s23] =	ssyncset.done $0x0  }
.Ltmp4:
0x13b: {  	[sflag:s23] =	ssyncadd.s32 $0xFFFFC000;
	(pc) =	sbr.rel @p0 .LBB2_6-.Ltmp4, $4  }
0x13c: {  	_ =	swait.ge [sflag:s23], $0x800  }
0x13d: {  	s15 =	rddreg [dreg:$0x1a]  }
0x13e: {  	[sflag:s23] =	ssyncset.done $0x0;
	s29 =	rddreg [dreg:$0x18]  }
0x13f: {  	[sflag:s23] =	ssyncadd.s32 $0xFFFFF800;
	s23 =	rddreg [dreg:$0x19]  }
0x140: {  	[bflag:$0x0] =	sbarrier.arrive $0xFFFF  }
0x141: {  	s1 =	rddreg [dreg:$0x14]  }
0x142: {  	[tilespmem:s11], [sflag:$0x4] =	stream.linear.gather [spmem:s1], $0x61C0, $0x38;
	[tilespmem:$0x1EF00] =	vst v63  }
0x143: {  	_ =	swait.ge [sflag:s10], $0x61C0  }
0x144: {  	[sflag:s10] =	ssyncset.done $0x0  }
0x145: {  	s0 =	simm.s32 $0x0;
	s4 =	rddreg [dreg:$0x7];
	[sflag:s10] =	ssyncadd.s32 $0xFFFF9E40  }
0x146: {  	[hbm4b:s4+s0] =	stream.linear.scatter [tilespmem:s11], [sflag:$0x4], $0x61C0, $0x38;
	[tilespmem:$0x1EF00] =	vst v63  }
0x147: {  	_ =	swait.ge [sflag:s10], $0x61C0  }
0x148: {  	[sflag:s10] =	ssyncset.done $0x0  }
0x149: {  	s2 =	rddreg [dreg:$0x15];
	[sflag:s10] =	ssyncadd.s32 $0xFFFF9E40  }
0x14a: {  	[tilespmem:s11], [sflag:$0x4] =	stream.linear.gather [spmem:s2], $0x61C0, $0x38;
	[tilespmem:$0x1EF00] =	vst v63  }
0x14b: {  	_ =	swait.ge [sflag:s10], $0x61C0  }
0x14c: {  	[sflag:s10] =	ssyncset.done $0x0  }
0x14d: {  	s31 =	rddreg [dreg:$0x8];
	[sflag:s10] =	ssyncadd.s32 $0xFFFF9E40  }
0x14e: {  	v4 =	vmov s0;
	[hbm4b:s31+s0] =	stream.linear.scatter [tilespmem:s11], [sflag:$0x4], $0x61C0, $0x38;
	[tilespmem:$0x1EF00] =	vst v63  }
0x14f: {  	v4 =	vshll.u32 v4, $0x3;
	_ =	swait.ge [sflag:s10], $0x61C0  }
0x150: {  	v4 =	vor.u32 v2, v4;
	[sflag:s10] =	ssyncset.done $0x0  }
0x151: {  	v4 =	vor.u32 v3, v4;
	s0 =	simm.s32 $0x2;
	[sflag:s10] =	ssyncadd.s32 $0xFFFF9E40  }
.LBB2_12:
0x152: {  	p0 =	sne.s32 s0, $0xC36  }
.Ltmp5:
0x153: {  	_ = 	snop;
	(pc) =	sbr.rel @p0 .LBB2_12-.Ltmp5, $4  }
0x154: {  	v5 =	vmov s0  }
0x155: {  	v5 =	vshll.u32 v5, $0x3  }
0x156: {  	v5 =	vor.u32 v2, v5  }
0x157: {  	s0 =	sadd.s32 $0x2, s0;
	[tilespmem:v4+s11+$0x0] =	vst.idx.msk $0xffff, v1;
	v4 =	vor.u32 v3, v5  }
0x158: {  	_ =	sdelay $0x2  }
0x159: {  	s14 =	simm.s32 $0x0  }
0x15a: {  	[tilespmem:v4+s11+$0x0] =	vst.idx.msk $0xffff, v1;
	s24 =	simm.s32 $0x0;
	s23 =	simm.s32 $0x800;
	s15 =	simm.s32 $0x2C00  }
0x15b: {  	[spmem:s1] =	stream.linear.scatter [tilespmem:s11], [sflag:$0x4], $0x61C0, $0x38;
	[tilespmem:$0x1EF00] =	vst v63  }
0x15c: {  	s26 =	simm.s32 $0x3000;
	s8 =	simm.s32 $0x3400;
	_ =	swait.ge [sflag:s10], $0x61C0  }
0x15d: {  	s9 =	simm.s32 $0x3800;
	s21 =	simm.s32 $0x3C00;
	[sflag:s10] =	ssyncset.done $0x0  }
0x15e: {  	s3 =	simm.s32 $0x4800;
	s5 =	simm.s32 $0x4C00;
	[sflag:s10] =	ssyncadd.s32 $0xFFFF9E40  }
0x15f: {  	[spmem:s2] =	stream.linear.scatter [tilespmem:s11], [sflag:$0x4], $0x61C0, $0x38;
	[tilespmem:$0x1EF00] =	vst v63  }
0x160: {  	s30 =	simm.s32 $0x5000;
	s16 =	simm.s32 $0x5400;
	_ =	swait.ge [sflag:s10], $0x61C0  }
0x161: {  	s17 =	simm.s32 $0x5800;
	s12 =	simm.s32 $0x5C00;
	[sflag:s10] =	ssyncset.done $0x0  }
0x162: {  	s28 =	simm.s32 $0x6000;
	s31 =	simm.s32 $0x6400;
	[sflag:s10] =	ssyncadd.s32 $0xFFFF9E40  }
0x163: {  	s1 =	simm.s32 $0x4000;
	s2 =	simm.s32 $0x4400;
	[bflag:$0x0] =	sbarrier.arrive $0xFFFF  }
.LBB2_14:
0x164: {  	s0 =	sshll.u32 s24, $0xB  }
0x165: {  	s0 =	sadd.s32 s29, s0  }
0x166: {  	s4 =	rddreg [dreg:$0x19];
	s0 =	sshrl.u32 s0, $0x3  }
0x167: {  	s4 =	sadd.s32 s4, s0  }
0x168: {  	[tilespmem:s14], [sflag:$0x4] =	stream.linear.gather [hbm4b:s4+s14], $0x800, $0x38;
	[tilespmem:$0x1EF00] =	vst v63  }
0x169: {  	_ =	swait.ge [sflag:s10], $0x800  }
0x16a: {  	[sflag:s10] =	ssyncset.done $0x0;
	s4 =	rddreg [dreg:$0x1a]  }
0x16b: {  	[sflag:s10] =	ssyncadd.s32 $0xFFFFF800;
	s4 =	sadd.s32 s4, s0  }
0x16c: {  	[tilespmem:s23], [sflag:$0x4] =	stream.linear.gather [hbm4b:s4+s14], $0x800, $0x38;
	[tilespmem:$0x1EF00] =	vst v63  }
0x16d: {  	_ =	swait.ge [sflag:s10], $0x800  }
0x16e: {  	[sflag:s10] =	ssyncset.done $0x0;
	s23 =	rddreg [dreg:$0x1b]  }
0x16f: {  	[sflag:s10] =	ssyncadd.s32 $0xFFFFF800;
	s0 =	sadd.s32 s23, s0  }
0x170: {  	[tilespmem:s25], [sflag:$0x4] =	stream.linear.gather [hbm4b:s0+s14], $0x800, $0x38;
	[tilespmem:$0x1EF00] =	vst v63  }
0x171: {  	_ =	swait.ge [sflag:s10], $0x800  }
0x172: {  	[sflag:s10] =	ssyncset.done $0x0  }
0x173: {  	[sflag:s10] =	ssyncadd.s32 $0xFFFFF800  }
0x174: {  	[tilespmem:s7], [sflag:$0x2] =	stream.indirect.gather [hbm4b:s18+s13], $0x8, s14, s13, $0xb8;
	[tilespmem:$0x1EF00] =	vst v63  }
0x175: {  	_ = 	snop  }
0x176: {  	[tilespmem:s15], [sflag:$0x2] =	stream.indirect.gather [hbm4b:s18+s13], $0x8, s13, s13, $0xb8;
	[tilespmem:$0x1EF00] =	vst v63  }
0x177: {  	s23 =	simm.s32 $0x100  }
0x178: {  	[tilespmem:s26], [sflag:$0x2] =	stream.indirect.gather [hbm4b:s18+s13], $0x8, s23, s13, $0xb8;
	[tilespmem:$0x1EF00] =	vst v63  }
0x179: {  	s4 =	simm.s32 $0x180  }
0x17a: {  	[tilespmem:s8], [sflag:$0x2] =	stream.indirect.gather [hbm4b:s18+s13], $0x8, s4, s13, $0xb8;
	[tilespmem:$0x1EF00] =	vst v63  }
0x17b: {  	s15 =	simm.s32 $0x200  }
0x17c: {  	[tilespmem:s9], [sflag:$0x2] =	stream.indirect.gather [hbm4b:s18+s13], $0x8, s15, s13, $0xb8;
	[tilespmem:$0x1EF00] =	vst v63  }
0x17d: {  	s23 =	simm.s32 $0x280  }
0x17e: {  	[tilespmem:s21], [sflag:$0x2] =	stream.indirect.gather [hbm4b:s18+s13], $0x8, s23, s13, $0xb8;
	[tilespmem:$0x1EF00] =	vst v63  }
0x17f: {  	s26 =	simm.s32 $0x300  }
0x180: {  	[tilespmem:s1], [sflag:$0x2] =	stream.indirect.gather [hbm4b:s18+s13], $0x8, s26, s13, $0xb8;
	[tilespmem:$0x1EF00] =	vst v63  }
0x181: {  	s1 =	simm.s32 $0x380  }
0x182: {  	[tilespmem:s2], [sflag:$0x2] =	stream.indirect.gather [hbm4b:s18+s13], $0x8, s1, s13, $0xb8;
	[tilespmem:$0x1EF00] =	vst v63  }
0x183: {  	s4 =	simm.s32 $0x400  }
0x184: {  	[tilespmem:s3], [sflag:$0x2] =	stream.indirect.gather [hbm4b:s18+s13], $0x8, s4, s13, $0xb8;
	[tilespmem:$0x1EF00] =	vst v63  }
0x185: {  	s8 =	simm.s32 $0x480  }
0x186: {  	[tilespmem:s5], [sflag:$0x2] =	stream.indirect.gather [hbm4b:s18+s13], $0x8, s8, s13, $0xb8;
	[tilespmem:$0x1EF00] =	vst v63  }
0x187: {  	s9 =	simm.s32 $0x500  }
0x188: {  	[tilespmem:s30], [sflag:$0x2] =	stream.indirect.gather [hbm4b:s18+s13], $0x8, s9, s13, $0xb8;
	[tilespmem:$0x1EF00] =	vst v63  }
0x189: {  	s15 =	simm.s32 $0x580  }
0x18a: {  	[tilespmem:s16], [sflag:$0x2] =	stream.indirect.gather [hbm4b:s18+s13], $0x8, s15, s13, $0xb8;
	[tilespmem:$0x1EF00] =	vst v63  }
0x18b: {  	s16 =	simm.s32 $0x600  }
0x18c: {  	[tilespmem:s17], [sflag:$0x2] =	stream.indirect.gather [hbm4b:s18+s13], $0x8, s16, s13, $0xb8;
	[tilespmem:$0x1EF00] =	vst v63  }
0x18d: {  	s17 =	simm.s32 $0x680  }
0x18e: {  	[tilespmem:s12], [sflag:$0x2] =	stream.indirect.gather [hbm4b:s18+s13], $0x8, s17, s13, $0xb8;
	[tilespmem:$0x1EF00] =	vst v63  }
0x18f: {  	v7 =	vor.u32 s14, v0;
	s21 =	simm.s32 $0x700  }
0x190: {  	v4 =	vshll.u32 v7, $0x3;
	[tilespmem:s28], [sflag:$0x2] =	stream.indirect.gather [hbm4b:s18+s13], $0x8, s21, s13, $0xb8;
	[tilespmem:$0x1EF00] =	vst v63  }
0x191: {  	v4 =	vor.u32 v3, v4;
	s23 =	simm.s32 $0x780;
	s26 =	simm.s32 $0x2  }
0x192: {  	[tilespmem:s31], [sflag:$0x2] =	stream.indirect.gather [hbm4b:s18+s13], $0x8, s23, s13, $0xb8;
	[tilespmem:$0x1EF00] =	vst v63  }
0x193: {  	_ =	swait.ge [sflag:s26], $0x4000  }
0x194: {  	s0 =	simm.s32 $0x4;
	s1 =	simm.s32 $0x4400;
	[sflag:s26] =	ssyncset.done $0x0  }
0x195: {  	s2 =	simm.s32 $0x4800;
	s4 =	simm.s32 $0x3000;
	[sflag:s26] =	ssyncadd.s32 $0xFFFFC000  }
0x196: {  	s3 =	simm.s32 $0x4C00;
	s8 =	simm.s32 $0x3800;
	s5 =	simm.s32 $0x5000;
	v6 =	vld.idx.msk [tilespmem:v4+s7+$0x0], $0xffff  }
0x197: {  	s9 =	simm.s32 $0x3C00;
	s30 =	simm.s32 $0x5400;
	s31 =	simm.s32 $0x2;
	v7 =	vld.idx.msk [tilespmem:v7+s25+$0x0], $0xffff  }
0x198: {  	s16 =	simm.s32 $0x5800;
	s17 =	simm.s32 $0x5C00;
	s12 =	simm.s32 $0x6000;
	v5 =	vor.u32 s31, v0  }
0x199: {  	s21 =	simm.s32 $0x4000;
	s28 =	simm.s32 $0x6400;
	v8 =	vshll.u32 v5, $0x3;
	s26 =	simm.s32 $0x3400  }
.LBB2_15:
0x19a: {  	p0 =	sne.s32 s0, $0x7FE;
	v8 =	vor.u32 v3, v8;
	_ =	sdelay $0x1  }
0x19b: {  	v6 =	vmul.f32 v6, v7;
	_ =	sdelay $0x1  }
0x19c: {  	[tilespmem:v4+s7+$0x0] =	vst.idx.msk $0xffff, v6;
	v4 =	vmov v8  }
.Ltmp6:
0x19d: {  	v6 =	vld.idx.msk [tilespmem:v8+s7+$0x0], $0xffff;
	(pc) =	sbr.rel @p0 .LBB2_15-.Ltmp6, $3  }
0x19e: {  	v7 =	vld.idx.msk [tilespmem:v5+s25+$0x0], $0xffff;
	_ =	sdelay $0x1  }
0x19f: {  	v5 =	vor.u32 s0, v0  }
0x1a0: {  	s0 =	sadd.s32 $0x2, s0;
	v8 =	vshll.u32 v5, $0x3  }
0x1a1: {  	_ = 	snop  }
0x1a2: {  	v8 =	vor.u32 v3, v8  }
0x1a3: {  	v6 =	vmul.f32 v6, v7;
	_ =	sdelay $0x1  }
0x1a4: {  	[tilespmem:v4+s7+$0x0] =	vst.idx.msk $0xffff, v6  }
0x1a5: {  	v5 =	vld.idx.msk [tilespmem:v5+s25+$0x0], $0xffff  }
0x1a6: {  	v4 =	vld.idx.msk [tilespmem:v8+s7+$0x0], $0xffff;
	_ =	sdelay $0x4  }
0x1a7: {  	v4 =	vmul.f32 v4, v5;
	_ =	sdelay $0x1  }
0x1a8: {  	s23 =	simm.s32 $0x800;
	[tilespmem:v8+s7+$0x0] =	vst.idx.msk $0xffff, v4  }
0x1a9: {  	[spmem:s6] =	stream.indirect.scatter.add.f32 [tilespmem:s7], [sflag:$0x3], $0x8, s23, s13, $0xb8;
	[tilespmem:$0x1EF00] =	vst v63  }
0x1aa: {  	s0 =	simm.s32 $0x880;
	s15 =	simm.s32 $0x2C00  }
0x1ab: {  	[spmem:s6] =	stream.indirect.scatter.add.f32 [tilespmem:s15], [sflag:$0x3], $0x8, s0, s13, $0xb8;
	[tilespmem:$0x1EF00] =	vst v63  }
0x1ac: {  	_ = 	snop  }
0x1ad: {  	[spmem:s6] =	stream.indirect.scatter.add.f32 [tilespmem:s4], [sflag:$0x3], $0x8, s22, s13, $0xb8;
	[tilespmem:$0x1EF00] =	vst v63  }
0x1ae: {  	s4 =	simm.s32 $0x980  }
0x1af: {  	[spmem:s6] =	stream.indirect.scatter.add.f32 [tilespmem:s26], [sflag:$0x3], $0x8, s4, s13, $0xb8;
	[tilespmem:$0x1EF00] =	vst v63  }
0x1b0: {  	s4 =	simm.s32 $0xA00  }
0x1b1: {  	[spmem:s6] =	stream.indirect.scatter.add.f32 [tilespmem:s8], [sflag:$0x3], $0x8, s4, s13, $0xb8;
	[tilespmem:$0x1EF00] =	vst v63  }
0x1b2: {  	s8 =	simm.s32 $0xA80  }
0x1b3: {  	[spmem:s6] =	stream.indirect.scatter.add.f32 [tilespmem:s9], [sflag:$0x3], $0x8, s8, s13, $0xb8;
	[tilespmem:$0x1EF00] =	vst v63  }
0x1b4: {  	s9 =	simm.s32 $0xB00  }
0x1b5: {  	[spmem:s6] =	stream.indirect.scatter.add.f32 [tilespmem:s21], [sflag:$0x3], $0x8, s9, s13, $0xb8;
	[tilespmem:$0x1EF00] =	vst v63  }
0x1b6: {  	s26 =	simm.s32 $0xB80  }
0x1b7: {  	[spmem:s6] =	stream.indirect.scatter.add.f32 [tilespmem:s1], [sflag:$0x3], $0x8, s26, s13, $0xb8;
	[tilespmem:$0x1EF00] =	vst v63  }
0x1b8: {  	s1 =	simm.s32 $0xC00  }
0x1b9: {  	[spmem:s6] =	stream.indirect.scatter.add.f32 [tilespmem:s2], [sflag:$0x3], $0x8, s1, s13, $0xb8;
	[tilespmem:$0x1EF00] =	vst v63  }
0x1ba: {  	s2 =	simm.s32 $0xC80  }
0x1bb: {  	[spmem:s6] =	stream.indirect.scatter.add.f32 [tilespmem:s3], [sflag:$0x3], $0x8, s2, s13, $0xb8;
	[tilespmem:$0x1EF00] =	vst v63  }
0x1bc: {  	s24 =	sadd.s32 $0x1, s24;
	s31 =	simm.s32 $0x6400;
	s4 =	simm.s32 $0xD00  }
0x1bd: {  	[spmem:s6] =	stream.indirect.scatter.add.f32 [tilespmem:s5], [sflag:$0x3], $0x8, s4, s13, $0xb8;
	[tilespmem:$0x1EF00] =	vst v63  }
0x1be: {  	p0 =	sne.s32 s24, $0x19;
	s8 =	simm.s32 $0xD80;
	s9 =	simm.s32 $0xE00  }
0x1bf: {  	[spmem:s6] =	stream.indirect.scatter.add.f32 [tilespmem:s30], [sflag:$0x3], $0x8, s8, s13, $0xb8;
	[tilespmem:$0x1EF00] =	vst v63  }
0x1c0: {  	s21 =	simm.s32 $0xF80;
	s26 =	simm.s32 $0x3;
	s1 =	simm.s32 $0x4000  }
0x1c1: {  	[spmem:s6] =	stream.indirect.scatter.add.f32 [tilespmem:s16], [sflag:$0x3], $0x8, s9, s13, $0xb8;
	[tilespmem:$0x1EF00] =	vst v63  }
0x1c2: {  	s3 =	simm.s32 $0x4800;
	s2 =	simm.s32 $0x4400;
	s16 =	simm.s32 $0xE80  }
0x1c3: {  	[spmem:s6] =	stream.indirect.scatter.add.f32 [tilespmem:s17], [sflag:$0x3], $0x8, s16, s13, $0xb8;
	[tilespmem:$0x1EF00] =	vst v63  }
0x1c4: {  	s5 =	simm.s32 $0x4C00;
	s30 =	simm.s32 $0x5000;
	s17 =	simm.s32 $0xF00  }
0x1c5: {  	[spmem:s6] =	stream.indirect.scatter.add.f32 [tilespmem:s12], [sflag:$0x3], $0x8, s17, s13, $0xb8;
	[tilespmem:$0x1EF00] =	vst v63  }
.Ltmp7:
0x1c6: {  	s8 =	simm.s32 $0x3400;
	s9 =	simm.s32 $0x3800;
	(pc) =	sbr.rel @p0 .LBB2_14-.Ltmp7, $4  }
0x1c7: {  	[spmem:s6] =	stream.indirect.scatter.add.f32 [tilespmem:s28], [sflag:$0x3], $0x8, s21, s13, $0xb8;
	[tilespmem:$0x1EF00] =	vst v63  }
0x1c8: {  	s16 =	simm.s32 $0x5400;
	s12 =	simm.s32 $0x5C00;
	_ =	swait.ge [sflag:s26], $0x4000  }
0x1c9: {  	s17 =	simm.s32 $0x5800;
	s28 =	simm.s32 $0x6000;
	[sflag:s26] =	ssyncset.done $0x0  }
0x1ca: {  	s21 =	simm.s32 $0x3C00;
	[sflag:s26] =	ssyncadd.s32 $0xFFFFC000;
	s26 =	simm.s32 $0x3000  }
0x1cb: {  	[bflag:$0x0] =	sbarrier.arrive $0xFFFF  }
0x1cc: {  	s1 =	rddreg [dreg:$0x14]  }
0x1cd: {  	[tilespmem:s11], [sflag:$0x4] =	stream.linear.gather [spmem:s1], $0x61C0, $0x38;
	[tilespmem:$0x1EF00] =	vst v63  }
0x1ce: {  	_ =	swait.ge [sflag:s10], $0x61C0  }
0x1cf: {  	[sflag:s10] =	ssyncset.done $0x0  }
0x1d0: {  	s0 =	simm.s32 $0x0;
	s4 =	rddreg [dreg:$0x9];
	[sflag:s10] =	ssyncadd.s32 $0xFFFF9E40  }
0x1d1: {  	[hbm4b:s4+s0] =	stream.linear.scatter [tilespmem:s11], [sflag:$0x4], $0x61C0, $0x38;
	[tilespmem:$0x1EF00] =	vst v63  }
0x1d2: {  	_ =	swait.ge [sflag:s10], $0x61C0  }
0x1d3: {  	[sflag:s10] =	ssyncset.done $0x0  }
0x1d4: {  	s2 =	rddreg [dreg:$0x15];
	[sflag:s10] =	ssyncadd.s32 $0xFFFF9E40  }
0x1d5: {  	[tilespmem:s11], [sflag:$0x4] =	stream.linear.gather [spmem:s2], $0x61C0, $0x38;
	[tilespmem:$0x1EF00] =	vst v63  }
0x1d6: {  	_ =	swait.ge [sflag:s10], $0x61C0  }
0x1d7: {  	[sflag:s10] =	ssyncset.done $0x0  }
0x1d8: {  	s31 =	rddreg [dreg:$0xa];
	[sflag:s10] =	ssyncadd.s32 $0xFFFF9E40  }
0x1d9: {  	v4 =	vmov s0;
	[hbm4b:s31+s0] =	stream.linear.scatter [tilespmem:s11], [sflag:$0x4], $0x61C0, $0x38;
	[tilespmem:$0x1EF00] =	vst v63  }
0x1da: {  	v4 =	vshll.u32 v4, $0x3;
	_ =	swait.ge [sflag:s10], $0x61C0  }
0x1db: {  	v4 =	vor.u32 v2, v4;
	[sflag:s10] =	ssyncset.done $0x0  }
0x1dc: {  	s22 =	simm.s32 $0x900;
	v4 =	vor.u32 v3, v4;
	s0 =	simm.s32 $0x2;
	[sflag:s10] =	ssyncadd.s32 $0xFFFF9E40  }
.LBB2_18:
0x1dd: {  	p0 =	sne.s32 s0, $0xC36  }
.Ltmp8:
0x1de: {  	_ = 	snop;
	(pc) =	sbr.rel @p0 .LBB2_18-.Ltmp8, $4  }
0x1df: {  	v5 =	vmov s0  }
0x1e0: {  	v5 =	vshll.u32 v5, $0x3  }
0x1e1: {  	v5 =	vor.u32 v2, v5  }
0x1e2: {  	s0 =	sadd.s32 $0x2, s0;
	[tilespmem:v4+s11+$0x0] =	vst.idx.msk $0xffff, v1;
	v4 =	vor.u32 v3, v5  }
0x1e3: {  	_ =	sdelay $0x2  }
0x1e4: {  	s14 =	simm.s32 $0x0  }
0x1e5: {  	[tilespmem:v4+s11+$0x0] =	vst.idx.msk $0xffff, v1;
	s24 =	simm.s32 $0x0;
	s16 =	simm.s32 $0x3000;
	s26 =	simm.s32 $0x3400  }
0x1e6: {  	[spmem:s1] =	stream.linear.scatter [tilespmem:s11], [sflag:$0x4], $0x61C0, $0x38;
	[tilespmem:$0x1EF00] =	vst v63  }
0x1e7: {  	s8 =	simm.s32 $0x3800;
	s9 =	simm.s32 $0x3C00;
	_ =	swait.ge [sflag:s10], $0x61C0  }
0x1e8: {  	s21 =	simm.s32 $0x4000;
	s3 =	simm.s32 $0x4C00;
	[sflag:s10] =	ssyncset.done $0x0  }
0x1e9: {  	s5 =	simm.s32 $0x5000;
	s30 =	simm.s32 $0x5400;
	[sflag:s10] =	ssyncadd.s32 $0xFFFF9E40  }
0x1ea: {  	[spmem:s2] =	stream.linear.scatter [tilespmem:s11], [sflag:$0x4], $0x61C0, $0x38;
	[tilespmem:$0x1EF00] =	vst v63  }
0x1eb: {  	s17 =	simm.s32 $0x5800;
	s12 =	simm.s32 $0x5C00;
	_ =	swait.ge [sflag:s10], $0x61C0  }
0x1ec: {  	s28 =	simm.s32 $0x6000;
	s31 =	simm.s32 $0x6400;
	[sflag:s10] =	ssyncset.done $0x0  }
0x1ed: {  	s23 =	simm.s32 $0x800;
	s15 =	simm.s32 $0x2C00;
	[sflag:s10] =	ssyncadd.s32 $0xFFFF9E40  }
0x1ee: {  	s1 =	simm.s32 $0x4400;
	s2 =	simm.s32 $0x4800;
	[bflag:$0x0] =	sbarrier.arrive $0xFFFF  }
.LBB2_20:
0x1ef: {  	s0 =	sshll.u32 s24, $0xB  }
0x1f0: {  	s0 =	sadd.s32 s29, s0  }
0x1f1: {  	s4 =	rddreg [dreg:$0x19];
	s0 =	sshrl.u32 s0, $0x3  }
0x1f2: {  	s4 =	sadd.s32 s4, s0  }
0x1f3: {  	[tilespmem:s14], [sflag:$0x4] =	stream.linear.gather [hbm4b:s4+s14], $0x800, $0x38;
	[tilespmem:$0x1EF00] =	vst v63  }
0x1f4: {  	_ =	swait.ge [sflag:s10], $0x800  }
0x1f5: {  	[sflag:s10] =	ssyncset.done $0x0;
	s4 =	rddreg [dreg:$0x1a]  }
0x1f6: {  	[sflag:s10] =	ssyncadd.s32 $0xFFFFF800;
	s4 =	sadd.s32 s4, s0  }
0x1f7: {  	[tilespmem:s23], [sflag:$0x4] =	stream.linear.gather [hbm4b:s4+s14], $0x800, $0x38;
	[tilespmem:$0x1EF00] =	vst v63  }
0x1f8: {  	_ =	swait.ge [sflag:s10], $0x800  }
0x1f9: {  	[sflag:s10] =	ssyncset.done $0x0;
	s23 =	rddreg [dreg:$0x1b]  }
0x1fa: {  	[sflag:s10] =	ssyncadd.s32 $0xFFFFF800;
	s0 =	sadd.s32 s23, s0  }
0x1fb: {  	[tilespmem:s25], [sflag:$0x4] =	stream.linear.gather [hbm4b:s0+s14], $0x800, $0x38;
	[tilespmem:$0x1EF00] =	vst v63  }
0x1fc: {  	_ =	swait.ge [sflag:s10], $0x800  }
0x1fd: {  	[sflag:s10] =	ssyncset.done $0x0  }
0x1fe: {  	[sflag:s10] =	ssyncadd.s32 $0xFFFFF800  }
0x1ff: {  	[tilespmem:s7], [sflag:$0x2] =	stream.indirect.gather [hbm4b:s19+s13], $0x8, s14, s13, $0xb8;
	[tilespmem:$0x1EF00] =	vst v63  }
0x200: {  	_ = 	snop  }
0x201: {  	[tilespmem:s15], [sflag:$0x2] =	stream.indirect.gather [hbm4b:s19+s13], $0x8, s13, s13, $0xb8;
	[tilespmem:$0x1EF00] =	vst v63  }
0x202: {  	s15 =	simm.s32 $0x100  }
0x203: {  	[tilespmem:s16], [sflag:$0x2] =	stream.indirect.gather [hbm4b:s19+s13], $0x8, s15, s13, $0xb8;
	[tilespmem:$0x1EF00] =	vst v63  }
0x204: {  	s23 =	simm.s32 $0x180  }
0x205: {  	[tilespmem:s26], [sflag:$0x2] =	stream.indirect.gather [hbm4b:s19+s13], $0x8, s23, s13, $0xb8;
	[tilespmem:$0x1EF00] =	vst v63  }
0x206: {  	s4 =	simm.s32 $0x200  }
0x207: {  	[tilespmem:s8], [sflag:$0x2] =	stream.indirect.gather [hbm4b:s19+s13], $0x8, s4, s13, $0xb8;
	[tilespmem:$0x1EF00] =	vst v63  }
0x208: {  	s15 =	simm.s32 $0x280  }
0x209: {  	[tilespmem:s9], [sflag:$0x2] =	stream.indirect.gather [hbm4b:s19+s13], $0x8, s15, s13, $0xb8;
	[tilespmem:$0x1EF00] =	vst v63  }
0x20a: {  	s16 =	simm.s32 $0x300  }
0x20b: {  	[tilespmem:s21], [sflag:$0x2] =	stream.indirect.gather [hbm4b:s19+s13], $0x8, s16, s13, $0xb8;
	[tilespmem:$0x1EF00] =	vst v63  }
0x20c: {  	s23 =	simm.s32 $0x380  }
0x20d: {  	[tilespmem:s1], [sflag:$0x2] =	stream.indirect.gather [hbm4b:s19+s13], $0x8, s23, s13, $0xb8;
	[tilespmem:$0x1EF00] =	vst v63  }
0x20e: {  	s4 =	simm.s32 $0x400  }
0x20f: {  	[tilespmem:s2], [sflag:$0x2] =	stream.indirect.gather [hbm4b:s19+s13], $0x8, s4, s13, $0xb8;
	[tilespmem:$0x1EF00] =	vst v63  }
0x210: {  	s15 =	simm.s32 $0x480  }
0x211: {  	[tilespmem:s3], [sflag:$0x2] =	stream.indirect.gather [hbm4b:s19+s13], $0x8, s15, s13, $0xb8;
	[tilespmem:$0x1EF00] =	vst v63  }
0x212: {  	s16 =	simm.s32 $0x500  }
0x213: {  	[tilespmem:s5], [sflag:$0x2] =	stream.indirect.gather [hbm4b:s19+s13], $0x8, s16, s13, $0xb8;
	[tilespmem:$0x1EF00] =	vst v63  }
0x214: {  	s23 =	simm.s32 $0x580  }
0x215: {  	[tilespmem:s30], [sflag:$0x2] =	stream.indirect.gather [hbm4b:s19+s13], $0x8, s23, s13, $0xb8;
	[tilespmem:$0x1EF00] =	vst v63  }
0x216: {  	s4 =	simm.s32 $0x600  }
0x217: {  	[tilespmem:s17], [sflag:$0x2] =	stream.indirect.gather [hbm4b:s19+s13], $0x8, s4, s13, $0xb8;
	[tilespmem:$0x1EF00] =	vst v63  }
0x218: {  	s15 =	simm.s32 $0x680  }
0x219: {  	[tilespmem:s12], [sflag:$0x2] =	stream.indirect.gather [hbm4b:s19+s13], $0x8, s15, s13, $0xb8;
	[tilespmem:$0x1EF00] =	vst v63  }
0x21a: {  	v7 =	vor.u32 s14, v0;
	s16 =	simm.s32 $0x700  }
0x21b: {  	v4 =	vshll.u32 v7, $0x3;
	[tilespmem:s28], [sflag:$0x2] =	stream.indirect.gather [hbm4b:s19+s13], $0x8, s16, s13, $0xb8;
	[tilespmem:$0x1EF00] =	vst v63  }
0x21c: {  	v4 =	vor.u32 v3, v4;
	s23 =	simm.s32 $0x2;
	s17 =	simm.s32 $0x780  }
0x21d: {  	[tilespmem:s31], [sflag:$0x2] =	stream.indirect.gather [hbm4b:s19+s13], $0x8, s17, s13, $0xb8;
	[tilespmem:$0x1EF00] =	vst v63  }
0x21e: {  	_ =	swait.ge [sflag:s23], $0x4000  }
0x21f: {  	[sflag:s23] =	ssyncset.done $0x0  }
0x220: {  	[sflag:s23] =	ssyncadd.s32 $0xFFFFC000  }
0x221: {  	v6 =	vld.idx.msk [tilespmem:v4+s7+$0x0], $0xffff  }
0x222: {  	s31 =	simm.s32 $0x2;
	v7 =	vld.idx.msk [tilespmem:v7+s25+$0x0], $0xffff  }
0x223: {  	s0 =	simm.s32 $0x4;
	s4 =	simm.s32 $0x3000;
	s12 =	simm.s32 $0x6000;
	v5 =	vor.u32 s31, v0  }
0x224: {  	s16 =	simm.s32 $0x5800;
	s28 =	simm.s32 $0x6400;
	s17 =	simm.s32 $0x5C00;
	v8 =	vshll.u32 v5, $0x3  }
.LBB2_21:
0x225: {  	p0 =	sne.s32 s0, $0x7FE;
	v8 =	vor.u32 v3, v8;
	_ =	sdelay $0x1  }
0x226: {  	v6 =	vmul.f32 v6, v7;
	_ =	sdelay $0x1  }
0x227: {  	[tilespmem:v4+s7+$0x0] =	vst.idx.msk $0xffff, v6;
	v4 =	vmov v8  }
.Ltmp9:
0x228: {  	v6 =	vld.idx.msk [tilespmem:v8+s7+$0x0], $0xffff;
	(pc) =	sbr.rel @p0 .LBB2_21-.Ltmp9, $3  }
0x229: {  	v7 =	vld.idx.msk [tilespmem:v5+s25+$0x0], $0xffff;
	_ =	sdelay $0x1  }
0x22a: {  	v5 =	vor.u32 s0, v0  }
0x22b: {  	s0 =	sadd.s32 $0x2, s0;
	v8 =	vshll.u32 v5, $0x3  }
0x22c: {  	_ = 	snop  }
0x22d: {  	v8 =	vor.u32 v3, v8  }
0x22e: {  	v6 =	vmul.f32 v6, v7;
	_ =	sdelay $0x1  }
0x22f: {  	[tilespmem:v4+s7+$0x0] =	vst.idx.msk $0xffff, v6  }
0x230: {  	v5 =	vld.idx.msk [tilespmem:v5+s25+$0x0], $0xffff  }
0x231: {  	v4 =	vld.idx.msk [tilespmem:v8+s7+$0x0], $0xffff;
	_ =	sdelay $0x4  }
0x232: {  	v4 =	vmul.f32 v4, v5;
	_ =	sdelay $0x1  }
0x233: {  	s23 =	simm.s32 $0x800;
	[tilespmem:v8+s7+$0x0] =	vst.idx.msk $0xffff, v4  }
0x234: {  	[spmem:s6] =	stream.indirect.scatter.add.f32 [tilespmem:s7], [sflag:$0x3], $0x8, s23, s13, $0xb8;
	[tilespmem:$0x1EF00] =	vst v63  }
0x235: {  	s0 =	simm.s32 $0x880;
	s15 =	simm.s32 $0x2C00  }
0x236: {  	[spmem:s6] =	stream.indirect.scatter.add.f32 [tilespmem:s15], [sflag:$0x3], $0x8, s0, s13, $0xb8;
	[tilespmem:$0x1EF00] =	vst v63  }
0x237: {  	_ = 	snop  }
0x238: {  	[spmem:s6] =	stream.indirect.scatter.add.f32 [tilespmem:s4], [sflag:$0x3], $0x8, s22, s13, $0xb8;
	[tilespmem:$0x1EF00] =	vst v63  }
0x239: {  	s4 =	simm.s32 $0x980  }
0x23a: {  	[spmem:s6] =	stream.indirect.scatter.add.f32 [tilespmem:s26], [sflag:$0x3], $0x8, s4, s13, $0xb8;
	[tilespmem:$0x1EF00] =	vst v63  }
0x23b: {  	s4 =	simm.s32 $0xA00  }
0x23c: {  	[spmem:s6] =	stream.indirect.scatter.add.f32 [tilespmem:s8], [sflag:$0x3], $0x8, s4, s13, $0xb8;
	[tilespmem:$0x1EF00] =	vst v63  }
0x23d: {  	s4 =	simm.s32 $0xA80  }
0x23e: {  	[spmem:s6] =	stream.indirect.scatter.add.f32 [tilespmem:s9], [sflag:$0x3], $0x8, s4, s13, $0xb8;
	[tilespmem:$0x1EF00] =	vst v63  }
0x23f: {  	s4 =	simm.s32 $0xB00  }
0x240: {  	[spmem:s6] =	stream.indirect.scatter.add.f32 [tilespmem:s21], [sflag:$0x3], $0x8, s4, s13, $0xb8;
	[tilespmem:$0x1EF00] =	vst v63  }
0x241: {  	s4 =	simm.s32 $0xB80  }
0x242: {  	[spmem:s6] =	stream.indirect.scatter.add.f32 [tilespmem:s1], [sflag:$0x3], $0x8, s4, s13, $0xb8;
	[tilespmem:$0x1EF00] =	vst v63  }
0x243: {  	s4 =	simm.s32 $0xC00  }
0x244: {  	[spmem:s6] =	stream.indirect.scatter.add.f32 [tilespmem:s2], [sflag:$0x3], $0x8, s4, s13, $0xb8;
	[tilespmem:$0x1EF00] =	vst v63  }
0x245: {  	s4 =	simm.s32 $0xC80  }
0x246: {  	[spmem:s6] =	stream.indirect.scatter.add.f32 [tilespmem:s3], [sflag:$0x3], $0x8, s4, s13, $0xb8;
	[tilespmem:$0x1EF00] =	vst v63  }
0x247: {  	s4 =	simm.s32 $0xD00  }
0x248: {  	[spmem:s6] =	stream.indirect.scatter.add.f32 [tilespmem:s5], [sflag:$0x3], $0x8, s4, s13, $0xb8;
	[tilespmem:$0x1EF00] =	vst v63  }
0x249: {  	s4 =	simm.s32 $0xD80  }
0x24a: {  	[spmem:s6] =	stream.indirect.scatter.add.f32 [tilespmem:s30], [sflag:$0x3], $0x8, s4, s13, $0xb8;
	[tilespmem:$0x1EF00] =	vst v63  }
0x24b: {  	s4 =	simm.s32 $0xE00  }
0x24c: {  	[spmem:s6] =	stream.indirect.scatter.add.f32 [tilespmem:s16], [sflag:$0x3], $0x8, s4, s13, $0xb8;
	[tilespmem:$0x1EF00] =	vst v63  }
0x24d: {  	s24 =	sadd.s32 $0x1, s24;
	s16 =	simm.s32 $0xE80  }
0x24e: {  	[spmem:s6] =	stream.indirect.scatter.add.f32 [tilespmem:s17], [sflag:$0x3], $0x8, s16, s13, $0xb8;
	[tilespmem:$0x1EF00] =	vst v63  }
0x24f: {  	p0 =	sne.s32 s24, $0x19;
	s4 =	simm.s32 $0xF00  }
0x250: {  	[spmem:s6] =	stream.indirect.scatter.add.f32 [tilespmem:s12], [sflag:$0x3], $0x8, s4, s13, $0xb8;
	[tilespmem:$0x1EF00] =	vst v63  }
.Ltmp10:
0x251: {  	s16 =	simm.s32 $0xF80;
	s17 =	simm.s32 $0x3;
	(pc) =	sbr.rel @p0 .LBB2_20-.Ltmp10, $4  }
0x252: {  	[spmem:s6] =	stream.indirect.scatter.add.f32 [tilespmem:s28], [sflag:$0x3], $0x8, s16, s13, $0xb8;
	[tilespmem:$0x1EF00] =	vst v63  }
0x253: {  	s31 =	simm.s32 $0x6400;
	_ =	swait.ge [sflag:s17], $0x4000  }
0x254: {  	s12 =	simm.s32 $0x5C00;
	s28 =	simm.s32 $0x6000;
	[sflag:s17] =	ssyncset.done $0x0  }
0x255: {  	s16 =	simm.s32 $0x3000;
	[sflag:s17] =	ssyncadd.s32 $0xFFFFC000;
	s17 =	simm.s32 $0x5800  }
0x256: {  	[bflag:$0x0] =	sbarrier.arrive $0xFFFF  }
0x257: {  	s12 =	rddreg [dreg:$0x14]  }
0x258: {  	[tilespmem:s11], [sflag:$0x4] =	stream.linear.gather [spmem:s12], $0x61C0, $0x38;
	[tilespmem:$0x1EF00] =	vst v63  }
0x259: {  	_ =	swait.ge [sflag:s10], $0x61C0  }
0x25a: {  	[sflag:s10] =	ssyncset.done $0x0  }
0x25b: {  	s0 =	simm.s32 $0x0;
	s4 =	rddreg [dreg:$0xb];
	[sflag:s10] =	ssyncadd.s32 $0xFFFF9E40  }
0x25c: {  	[hbm4b:s4+s0] =	stream.linear.scatter [tilespmem:s11], [sflag:$0x4], $0x61C0, $0x38;
	[tilespmem:$0x1EF00] =	vst v63  }
0x25d: {  	_ =	swait.ge [sflag:s10], $0x61C0  }
0x25e: {  	[sflag:s10] =	ssyncset.done $0x0  }
0x25f: {  	s14 =	rddreg [dreg:$0x15];
	[sflag:s10] =	ssyncadd.s32 $0xFFFF9E40  }
0x260: {  	[tilespmem:s11], [sflag:$0x4] =	stream.linear.gather [spmem:s14], $0x61C0, $0x38;
	[tilespmem:$0x1EF00] =	vst v63  }
0x261: {  	_ =	swait.ge [sflag:s10], $0x61C0  }
0x262: {  	[sflag:s10] =	ssyncset.done $0x0  }
0x263: {  	s31 =	rddreg [dreg:$0xc];
	[sflag:s10] =	ssyncadd.s32 $0xFFFF9E40  }
0x264: {  	v4 =	vmov s0;
	[hbm4b:s31+s0] =	stream.linear.scatter [tilespmem:s11], [sflag:$0x4], $0x61C0, $0x38;
	[tilespmem:$0x1EF00] =	vst v63  }
0x265: {  	v4 =	vshll.u32 v4, $0x3;
	_ =	swait.ge [sflag:s10], $0x61C0  }
0x266: {  	v4 =	vor.u32 v2, v4;
	[sflag:s10] =	ssyncset.done $0x0  }
0x267: {  	v4 =	vor.u32 v3, v4;
	s0 =	simm.s32 $0x2;
	[sflag:s10] =	ssyncadd.s32 $0xFFFF9E40  }
.LBB2_24:
0x268: {  	p0 =	sne.s32 s0, $0xC36  }
.Ltmp11:
0x269: {  	_ = 	snop;
	(pc) =	sbr.rel @p0 .LBB2_24-.Ltmp11, $4  }
0x26a: {  	v5 =	vmov s0  }
0x26b: {  	v5 =	vshll.u32 v5, $0x3  }
0x26c: {  	v5 =	vor.u32 v2, v5  }
0x26d: {  	s0 =	sadd.s32 $0x2, s0;
	[tilespmem:v4+s11+$0x0] =	vst.idx.msk $0xffff, v1;
	v4 =	vor.u32 v3, v5  }
0x26e: {  	_ =	sdelay $0x3  }
0x26f: {  	[tilespmem:v4+s11+$0x0] =	vst.idx.msk $0xffff, v1  }
0x270: {  	[spmem:s12] =	stream.linear.scatter [tilespmem:s11], [sflag:$0x4], $0x61C0, $0x38;
	[tilespmem:$0x1EF00] =	vst v63  }
0x271: {  	_ =	swait.ge [sflag:s10], $0x61C0  }
0x272: {  	[sflag:s10] =	ssyncset.done $0x0  }
0x273: {  	[sflag:s10] =	ssyncadd.s32 $0xFFFF9E40  }
0x274: {  	[spmem:s14] =	stream.linear.scatter [tilespmem:s11], [sflag:$0x4], $0x61C0, $0x38;
	[tilespmem:$0x1EF00] =	vst v63  }
0x275: {  	_ =	swait.ge [sflag:s10], $0x61C0  }
0x276: {  	s24 =	simm.s32 $0x0;
	s16 =	simm.s32 $0x5800;
	[sflag:s10] =	ssyncset.done $0x0  }
0x277: {  	s17 =	simm.s32 $0x5C00;
	s28 =	simm.s32 $0x6400;
	[sflag:s10] =	ssyncadd.s32 $0xFFFF9E40  }
0x278: {  	s23 =	simm.s32 $0x800;
	s15 =	simm.s32 $0x2C00;
	[bflag:$0x0] =	sbarrier.arrive $0xFFFF  }
0x279: {  	s12 =	simm.s32 $0x6000;
	s14 =	simm.s32 $0x0;
	s31 =	rddreg [dreg:$0x1b]  }
.LBB2_26:
0x27a: {  	s0 =	sshll.u32 s24, $0xB  }
0x27b: {  	s0 =	sadd.s32 s29, s0  }
0x27c: {  	s4 =	rddreg [dreg:$0x19];
	s0 =	sshrl.u32 s0, $0x3  }
0x27d: {  	s4 =	sadd.s32 s4, s0  }
0x27e: {  	[tilespmem:s14], [sflag:$0x4] =	stream.linear.gather [hbm4b:s4+s14], $0x800, $0x38;
	[tilespmem:$0x1EF00] =	vst v63  }
0x27f: {  	_ =	swait.ge [sflag:s10], $0x800  }
0x280: {  	[sflag:s10] =	ssyncset.done $0x0;
	s4 =	rddreg [dreg:$0x1a]  }
0x281: {  	[sflag:s10] =	ssyncadd.s32 $0xFFFFF800;
	s4 =	sadd.s32 s4, s0  }
0x282: {  	[tilespmem:s23], [sflag:$0x4] =	stream.linear.gather [hbm4b:s4+s14], $0x800, $0x38;
	[tilespmem:$0x1EF00] =	vst v63  }
0x283: {  	_ =	swait.ge [sflag:s10], $0x800  }
0x284: {  	[sflag:s10] =	ssyncset.done $0x0  }
0x285: {  	s0 =	sadd.s32 s31, s0;
	[sflag:s10] =	ssyncadd.s32 $0xFFFFF800  }
0x286: {  	[tilespmem:s25], [sflag:$0x4] =	stream.linear.gather [hbm4b:s0+s14], $0x800, $0x38;
	[tilespmem:$0x1EF00] =	vst v63  }
0x287: {  	_ =	swait.ge [sflag:s10], $0x800  }
0x288: {  	[sflag:s10] =	ssyncset.done $0x0  }
0x289: {  	[sflag:s10] =	ssyncadd.s32 $0xFFFFF800  }
0x28a: {  	[tilespmem:s7], [sflag:$0x2] =	stream.indirect.gather [hbm4b:s20+s13], $0x8, s14, s13, $0xb8;
	[tilespmem:$0x1EF00] =	vst v63  }
0x28b: {  	_ = 	snop  }
0x28c: {  	[tilespmem:s15], [sflag:$0x2] =	stream.indirect.gather [hbm4b:s20+s13], $0x8, s13, s13, $0xb8;
	[tilespmem:$0x1EF00] =	vst v63  }
0x28d: {  	s4 =	simm.s32 $0x3000;
	s15 =	simm.s32 $0x100  }
0x28e: {  	[tilespmem:s4], [sflag:$0x2] =	stream.indirect.gather [hbm4b:s20+s13], $0x8, s15, s13, $0xb8;
	[tilespmem:$0x1EF00] =	vst v63  }
0x28f: {  	s23 =	simm.s32 $0x180  }
0x290: {  	[tilespmem:s26], [sflag:$0x2] =	stream.indirect.gather [hbm4b:s20+s13], $0x8, s23, s13, $0xb8;
	[tilespmem:$0x1EF00] =	vst v63  }
0x291: {  	s15 =	simm.s32 $0x200  }
0x292: {  	[tilespmem:s8], [sflag:$0x2] =	stream.indirect.gather [hbm4b:s20+s13], $0x8, s15, s13, $0xb8;
	[tilespmem:$0x1EF00] =	vst v63  }
0x293: {  	s23 =	simm.s32 $0x280  }
0x294: {  	[tilespmem:s9], [sflag:$0x2] =	stream.indirect.gather [hbm4b:s20+s13], $0x8, s23, s13, $0xb8;
	[tilespmem:$0x1EF00] =	vst v63  }
0x295: {  	s15 =	simm.s32 $0x300  }
0x296: {  	[tilespmem:s21], [sflag:$0x2] =	stream.indirect.gather [hbm4b:s20+s13], $0x8, s15, s13, $0xb8;
	[tilespmem:$0x1EF00] =	vst v63  }
0x297: {  	s23 =	simm.s32 $0x380  }
0x298: {  	[tilespmem:s1], [sflag:$0x2] =	stream.indirect.gather [hbm4b:s20+s13], $0x8, s23, s13, $0xb8;
	[tilespmem:$0x1EF00] =	vst v63  }
0x299: {  	s15 =	simm.s32 $0x400  }
0x29a: {  	[tilespmem:s2], [sflag:$0x2] =	stream.indirect.gather [hbm4b:s20+s13], $0x8, s15, s13, $0xb8;
	[tilespmem:$0x1EF00] =	vst v63  }
0x29b: {  	s23 =	simm.s32 $0x480  }
0x29c: {  	[tilespmem:s3], [sflag:$0x2] =	stream.indirect.gather [hbm4b:s20+s13], $0x8, s23, s13, $0xb8;
	[tilespmem:$0x1EF00] =	vst v63  }
0x29d: {  	s15 =	simm.s32 $0x500  }
0x29e: {  	[tilespmem:s5], [sflag:$0x2] =	stream.indirect.gather [hbm4b:s20+s13], $0x8, s15, s13, $0xb8;
	[tilespmem:$0x1EF00] =	vst v63  }
0x29f: {  	s23 =	simm.s32 $0x580  }
0x2a0: {  	[tilespmem:s30], [sflag:$0x2] =	stream.indirect.gather [hbm4b:s20+s13], $0x8, s23, s13, $0xb8;
	[tilespmem:$0x1EF00] =	vst v63  }
0x2a1: {  	s15 =	simm.s32 $0x600  }
0x2a2: {  	[tilespmem:s16], [sflag:$0x2] =	stream.indirect.gather [hbm4b:s20+s13], $0x8, s15, s13, $0xb8;
	[tilespmem:$0x1EF00] =	vst v63  }
0x2a3: {  	s23 =	simm.s32 $0x680  }
0x2a4: {  	[tilespmem:s17], [sflag:$0x2] =	stream.indirect.gather [hbm4b:s20+s13], $0x8, s23, s13, $0xb8;
	[tilespmem:$0x1EF00] =	vst v63  }
0x2a5: {  	v7 =	vor.u32 s14, v0;
	s15 =	simm.s32 $0x700  }
0x2a6: {  	v4 =	vshll.u32 v7, $0x3;
	[tilespmem:s12], [sflag:$0x2] =	stream.indirect.gather [hbm4b:s20+s13], $0x8, s15, s13, $0xb8;
	[tilespmem:$0x1EF00] =	vst v63  }
0x2a7: {  	v4 =	vor.u32 v3, v4;
	s23 =	simm.s32 $0x780;
	s15 =	simm.s32 $0x2  }
0x2a8: {  	[tilespmem:s28], [sflag:$0x2] =	stream.indirect.gather [hbm4b:s20+s13], $0x8, s23, s13, $0xb8;
	[tilespmem:$0x1EF00] =	vst v63  }
0x2a9: {  	_ =	swait.ge [sflag:s15], $0x4000  }
0x2aa: {  	[sflag:s15] =	ssyncset.done $0x0  }
0x2ab: {  	[sflag:s15] =	ssyncadd.s32 $0xFFFFC000  }
0x2ac: {  	v6 =	vld.idx.msk [tilespmem:v4+s7+$0x0], $0xffff  }
0x2ad: {  	s23 =	simm.s32 $0x2;
	v7 =	vld.idx.msk [tilespmem:v7+s25+$0x0], $0xffff  }
0x2ae: {  	v5 =	vor.u32 s23, v0  }
0x2af: {  	s0 =	simm.s32 $0x4;
	v8 =	vshll.u32 v5, $0x3  }
.LBB2_27:
0x2b0: {  	p0 =	sne.s32 s0, $0x7FE;
	v8 =	vor.u32 v3, v8;
	_ =	sdelay $0x1  }
0x2b1: {  	v6 =	vmul.f32 v6, v7;
	_ =	sdelay $0x1  }
0x2b2: {  	[tilespmem:v4+s7+$0x0] =	vst.idx.msk $0xffff, v6;
	v4 =	vmov v8  }
.Ltmp12:
0x2b3: {  	v6 =	vld.idx.msk [tilespmem:v8+s7+$0x0], $0xffff;
	(pc) =	sbr.rel @p0 .LBB2_27-.Ltmp12, $3  }
0x2b4: {  	v7 =	vld.idx.msk [tilespmem:v5+s25+$0x0], $0xffff;
	_ =	sdelay $0x1  }
0x2b5: {  	v5 =	vor.u32 s0, v0  }
0x2b6: {  	s0 =	sadd.s32 $0x2, s0;
	v8 =	vshll.u32 v5, $0x3  }
0x2b7: {  	_ = 	snop  }
0x2b8: {  	v8 =	vor.u32 v3, v8  }
0x2b9: {  	v6 =	vmul.f32 v6, v7;
	_ =	sdelay $0x1  }
0x2ba: {  	[tilespmem:v4+s7+$0x0] =	vst.idx.msk $0xffff, v6  }
0x2bb: {  	v5 =	vld.idx.msk [tilespmem:v5+s25+$0x0], $0xffff  }
0x2bc: {  	v4 =	vld.idx.msk [tilespmem:v8+s7+$0x0], $0xffff;
	_ =	sdelay $0x4  }
0x2bd: {  	v4 =	vmul.f32 v4, v5;
	_ =	sdelay $0x1  }
0x2be: {  	s23 =	simm.s32 $0x800;
	[tilespmem:v8+s7+$0x0] =	vst.idx.msk $0xffff, v4  }
0x2bf: {  	[spmem:s6] =	stream.indirect.scatter.add.f32 [tilespmem:s7], [sflag:$0x3], $0x8, s23, s13, $0xb8;
	[tilespmem:$0x1EF00] =	vst v63  }
0x2c0: {  	s0 =	simm.s32 $0x880;
	s15 =	simm.s32 $0x2C00  }
0x2c1: {  	[spmem:s6] =	stream.indirect.scatter.add.f32 [tilespmem:s15], [sflag:$0x3], $0x8, s0, s13, $0xb8;
	[tilespmem:$0x1EF00] =	vst v63  }
0x2c2: {  	_ = 	snop  }
0x2c3: {  	[spmem:s6] =	stream.indirect.scatter.add.f32 [tilespmem:s4], [sflag:$0x3], $0x8, s22, s13, $0xb8;
	[tilespmem:$0x1EF00] =	vst v63  }
0x2c4: {  	s4 =	simm.s32 $0x980  }
0x2c5: {  	[spmem:s6] =	stream.indirect.scatter.add.f32 [tilespmem:s26], [sflag:$0x3], $0x8, s4, s13, $0xb8;
	[tilespmem:$0x1EF00] =	vst v63  }
0x2c6: {  	s4 =	simm.s32 $0xA00  }
0x2c7: {  	[spmem:s6] =	stream.indirect.scatter.add.f32 [tilespmem:s8], [sflag:$0x3], $0x8, s4, s13, $0xb8;
	[tilespmem:$0x1EF00] =	vst v63  }
0x2c8: {  	s4 =	simm.s32 $0xA80  }
0x2c9: {  	[spmem:s6] =	stream.indirect.scatter.add.f32 [tilespmem:s9], [sflag:$0x3], $0x8, s4, s13, $0xb8;
	[tilespmem:$0x1EF00] =	vst v63  }
0x2ca: {  	s4 =	simm.s32 $0xB00  }
0x2cb: {  	[spmem:s6] =	stream.indirect.scatter.add.f32 [tilespmem:s21], [sflag:$0x3], $0x8, s4, s13, $0xb8;
	[tilespmem:$0x1EF00] =	vst v63  }
0x2cc: {  	s4 =	simm.s32 $0xB80  }
0x2cd: {  	[spmem:s6] =	stream.indirect.scatter.add.f32 [tilespmem:s1], [sflag:$0x3], $0x8, s4, s13, $0xb8;
	[tilespmem:$0x1EF00] =	vst v63  }
0x2ce: {  	s4 =	simm.s32 $0xC00  }
0x2cf: {  	[spmem:s6] =	stream.indirect.scatter.add.f32 [tilespmem:s2], [sflag:$0x3], $0x8, s4, s13, $0xb8;
	[tilespmem:$0x1EF00] =	vst v63  }
0x2d0: {  	s4 =	simm.s32 $0xC80  }
0x2d1: {  	[spmem:s6] =	stream.indirect.scatter.add.f32 [tilespmem:s3], [sflag:$0x3], $0x8, s4, s13, $0xb8;
	[tilespmem:$0x1EF00] =	vst v63  }
0x2d2: {  	s4 =	simm.s32 $0xD00  }
0x2d3: {  	[spmem:s6] =	stream.indirect.scatter.add.f32 [tilespmem:s5], [sflag:$0x3], $0x8, s4, s13, $0xb8;
	[tilespmem:$0x1EF00] =	vst v63  }
0x2d4: {  	s4 =	simm.s32 $0xD80  }
0x2d5: {  	[spmem:s6] =	stream.indirect.scatter.add.f32 [tilespmem:s30], [sflag:$0x3], $0x8, s4, s13, $0xb8;
	[tilespmem:$0x1EF00] =	vst v63  }
0x2d6: {  	s4 =	simm.s32 $0xE00  }
0x2d7: {  	[spmem:s6] =	stream.indirect.scatter.add.f32 [tilespmem:s16], [sflag:$0x3], $0x8, s4, s13, $0xb8;
	[tilespmem:$0x1EF00] =	vst v63  }
0x2d8: {  	s4 =	simm.s32 $0xE80  }
0x2d9: {  	[spmem:s6] =	stream.indirect.scatter.add.f32 [tilespmem:s17], [sflag:$0x3], $0x8, s4, s13, $0xb8;
	[tilespmem:$0x1EF00] =	vst v63  }
0x2da: {  	s24 =	sadd.s32 $0x1, s24;
	s4 =	simm.s32 $0xF00  }
0x2db: {  	[spmem:s6] =	stream.indirect.scatter.add.f32 [tilespmem:s12], [sflag:$0x3], $0x8, s4, s13, $0xb8;
	[tilespmem:$0x1EF00] =	vst v63  }
0x2dc: {  	p0 =	sne.s32 s24, $0x19;
	s4 =	simm.s32 $0xF80  }
0x2dd: {  	[spmem:s6] =	stream.indirect.scatter.add.f32 [tilespmem:s28], [sflag:$0x3], $0x8, s4, s13, $0xb8;
	[tilespmem:$0x1EF00] =	vst v63  }
.Ltmp13:
0x2de: {  	_ = 	snop;
	(pc) =	sbr.rel @p0 .LBB2_26-.Ltmp13, $4  }
0x2df: {  	s4 =	simm.s32 $0x3  }
0x2e0: {  	_ =	swait.ge [sflag:s4], $0x4000  }
0x2e1: {  	[sflag:s4] =	ssyncset.done $0x0  }
0x2e2: {  	[sflag:s4] =	ssyncadd.s32 $0xFFFFC000  }
0x2e3: {  	[bflag:$0x0] =	sbarrier.arrive $0xFFFF  }
0x2e4: {  	s2 =	rddreg [dreg:$0x14]  }
0x2e5: {  	[tilespmem:s11], [sflag:$0x4] =	stream.linear.gather [spmem:s2], $0x61C0, $0x38;
	[tilespmem:$0x1EF00] =	vst v63  }
0x2e6: {  	_ =	swait.ge [sflag:s10], $0x61C0  }
0x2e7: {  	[sflag:s10] =	ssyncset.done $0x0  }
0x2e8: {  	s5 =	simm.s32 $0x0;
	s0 =	rddreg [dreg:$0xd];
	[sflag:s10] =	ssyncadd.s32 $0xFFFF9E40  }
0x2e9: {  	[hbm4b:s0+s5] =	stream.linear.scatter [tilespmem:s11], [sflag:$0x4], $0x61C0, $0x38;
	[tilespmem:$0x1EF00] =	vst v63  }
0x2ea: {  	_ =	swait.ge [sflag:s10], $0x61C0  }
0x2eb: {  	[sflag:s10] =	ssyncset.done $0x0  }
0x2ec: {  	s3 =	rddreg [dreg:$0x15];
	[sflag:s10] =	ssyncadd.s32 $0xFFFF9E40  }
0x2ed: {  	[tilespmem:s11], [sflag:$0x4] =	stream.linear.gather [spmem:s3], $0x61C0, $0x38;
	[tilespmem:$0x1EF00] =	vst v63  }
0x2ee: {  	_ =	swait.ge [sflag:s10], $0x61C0  }
0x2ef: {  	[sflag:s10] =	ssyncset.done $0x0  }
0x2f0: {  	s26 =	rddreg [dreg:$0xe];
	[sflag:s10] =	ssyncadd.s32 $0xFFFF9E40  }
0x2f1: {  	[hbm4b:s26+s5] =	stream.linear.scatter [tilespmem:s11], [sflag:$0x4], $0x61C0, $0x38;
	[tilespmem:$0x1EF00] =	vst v63  }
0x2f2: {  	_ =	swait.ge [sflag:s10], $0x61C0  }
0x2f3: {  	[sflag:s10] =	ssyncset.done $0x0  }
0x2f4: {  	s8 =	simm.s32 $0xC9C0;
	s14 =	rddreg [dreg:$0x13];
	[sflag:s10] =	ssyncadd.s32 $0xFFFF9E40  }
0x2f5: {  	[tilespmem:s8], [sflag:$0x4] =	stream.linear.gather [spmem:s14], $0x1870, $0x38;
	[tilespmem:$0x1EF00] =	vst v63  }
0x2f6: {  	_ =	swait.ge [sflag:s10], $0x1870  }
0x2f7: {  	[sflag:s10] =	ssyncset.done $0x0  }
0x2f8: {  	s28 =	rddreg [dreg:$0x16];
	[sflag:s10] =	ssyncadd.s32 $0xFFFFE790  }
0x2f9: {  	[hbm4b:s28+s5] =	stream.linear.scatter [tilespmem:s8], [sflag:$0x4], $0x1870, $0x38;
	[tilespmem:$0x1EF00] =	vst v63  }
0x2fa: {  	_ =	swait.ge [sflag:s10], $0x1870  }
0x2fb: {  	s1 =	rddreg [dreg:$0x1c]  }
0x2fc: {  	s30 =	rddreg [dreg:$0x17];
	s1 =	sadd.s32 $0x1, s1  }
0x2fd: {  	p0 =	sne.s32 s1, s30  }
.Ltmp14:
0x2fe: {  	_ = 	snop;
	(pc) =	sbr.rel @p0 .LBB2_1-.Ltmp14, $3  }
0x2ff: {  	_ =	sdelay $0x1  }
0x300: {  	[sflag:s10] =	ssyncset.done $0x0;
	s23 =	rddreg [dreg:$0x19]  }
0x301: {  	s15 =	rddreg [dreg:$0x1a];
	[sflag:s10] =	ssyncadd.s32 $0xFFFFE790  }
0x302: {  	_ =	sfence.sel $0x180000  }
0x303: {  	[bflag:$0x0] =	sbarrier.arrive $0xFFFF  }
0x304: {  	_ =	strace $0x90000047  }
0x305: {  	s0 =	stileid.u32;
	[bflag:$0x2] =	sbarrier.arrive $0xFFFF  }
0x306: {  	p0 =	sne.s32 s0, $0x0;
	s0 =	rddreg [dreg:$0x6]  }
0x307: {  	s0 =	sadd.s32 @!p0 $0x100000, s0  }
0x308: {  	[sflag:s0] =	ssyncadd.tile.s32 @!p0 $0x1;
	_ =	shalt  }
.Lfunc_end2:
_tile_overlayer_lowered:
.L_overlay_start_2:
0x309: {  	(tag) =	ssettag $0x2  }
0x30a: {  	s0 =	rddreg [dreg:$0x0];
	s2 =	stileid.u32  }
0x30b: {  	s1 =	rddreg [dreg:$0x1];
	p0 =	sne.s32 s2, $0x0  }
0x30c: {  	s3 =	rddreg [dreg:$0x2];
	[bflag:$0x3] =	sbarrier.arrive $0xFFFF;
	s2 =	simm.s32 @!p0 $0x1C04  }
0x30d: {  	[timem:s3], [sflag:s2] =	dma.local @!p0 [hbm:s0], s1  }
0x30e: {  	s0 =	simm.s32 @!p0 $0x4  }
0x30f: {  	_ =	swait.ge @!p0 [sflag:s0], s1  }
0x310: {  	s1 =	ssub.s32 @!p0 $0x0, s1;
	[sflag:s0] =	ssyncset.done @!p0 $0x0  }
0x311: {  	[sflag:s0] =	ssyncadd.s32 @!p0 s1  }
0x312: {  	[bflag:$0x3] =	sbarrier.arrive $0xFFFF  }
0x313: {  	_ =	shalt  }

</sc_bundles>
